<compile_context>
chip_gen: v7x
topology: tpu7x:2x2x1
jax: 0.10.2.dev20260603
libtpu: 0.0.44.dev20260713+nightly
codegen_flags: <defaults>
</compile_context>

<pallas_src>
import functools

import jax
import jax.numpy as jnp
from jax import lax
from jax.experimental import pallas as pl
from jax.experimental.pallas import tpu as pltpu
from jax.experimental.pallas import tpu_sc as plsc

L = 16


def kernel(node_ids, table):
    (B,) = node_ids.shape
    V, D = table.shape
    NW = 32
    NTC = (V + 127) // 128
    TPW = (NTC + NW - 1) // NW
    K = 5
    CW = K * 128
    NCH = (TPW + K - 1) // K
    PHYS = NTC * 128
    G = 32
    NG = B // L

    tableT = table.T

    @functools.partial(
        pl.kernel,
        mesh=plsc.VectorSubcoreMesh(core_axis_name="c", subcore_axis_name="s"),
        out_type=jax.ShapeDtypeStruct((B + NW * G, 128), jnp.float32),
        scratch_types=[
            pltpu.VMEM((B,), jnp.int32),
            pltpu.VMEM((B + L,), jnp.int32),
            pltpu.VMEM((D, CW), jnp.float32),
            pltpu.VMEM((D, CW), jnp.float32),
            pltpu.VMEM((G, 128), jnp.float32),
            pltpu.VMEM((G + L,), jnp.int32),
            pltpu.VMEM((G + L,), jnp.int32),
            pltpu.VMEM((G,), jnp.int32),
            pltpu.SemaphoreType.DMA,
            pltpu.SemaphoreType.DMA,
            pltpu.SemaphoreType.DMA,
        ],
        compiler_params=pltpu.CompilerParams(needs_layout_passes=False),
    )
    def emb(tT_hbm, ids_hbm, out_hbm, ids_v, blist, stage0, stage1, rowbuf,
            cb, co, bidx, sem_s0, sem_s1, sem_w):
        wid = lax.axis_index("s") * 2 + lax.axis_index("c")
        dummy0 = B + wid * G
        lo = wid * (TPW * 128)
        hi = jnp.minimum(lo + TPW * 128, V)
        lane = lax.iota(jnp.int32, L)

        pltpu.sync_copy(ids_hbm, ids_v)

        last_lane = jnp.full((L,), L - 1, jnp.int32)
        dnums = lax.GatherDimensionNumbers(
            offset_dims=(), collapsed_slice_dims=(0,), start_index_map=(0,))

        def splat_last(x):
            return lax.gather(
                x, last_lane[:, None], dimension_numbers=dnums,
                slice_sizes=(1,),
                mode=lax.GatherScatterMode.PROMISE_IN_BOUNDS)

        def scan_body(i, cntv):
            g = i * 2
            v1 = ids_v[pl.ds(pl.multiple_of(g * L, L), L)]
            v2 = ids_v[pl.ds(pl.multiple_of((g + 1) * L, L), L)]
            m1 = (v1 >= lo) & (v1 < hi)
            m2 = (v2 >= lo) & (v2 < hi)
            cs1 = plsc.cumsum(m1.astype(jnp.int32))
            cs2 = plsc.cumsum(m2.astype(jnp.int32))
            plsc.store_scatter(blist, [cntv + cs1 - 1], lane + g * L, mask=m1)
            cntv = cntv + splat_last(cs1)
            plsc.store_scatter(blist, [cntv + cs2 - 1], lane + (g + 1) * L,
                               mask=m2)
            return cntv + splat_last(cs2)

        cntv = lax.fori_loop(0, NG // 2, scan_body, jnp.zeros((L,), jnp.int32),
                             unroll=False)
        cnt = jnp.max(cntv)
        ngr = (cnt + L - 1) // L

        for i in range(G // L):
            bidx[pl.ds(i * L, L)] = dummy0 + lane + i * L

        def drain_scatter():
            pltpu.make_async_copy(rowbuf, out_hbm.at[bidx], sem_w).wait()

        pltpu.async_copy(rowbuf, out_hbm.at[bidx], sem_w)

        def fire(q, src):
            drain_scatter()
            for i in range(G // L):
                bidx[pl.ds(i * L, L)] = dummy0 + lane + i * L
            for sg in range(G // L):

                @pl.when(sg * L < q)
                def _():
                    o16 = co[pl.ds(sg * L, L)]
                    b16 = cb[pl.ds(sg * L, L)]
                    vm = (lane + sg * L) < q
                    rows = lane + sg * L

                    def d_body(d, _):
                        dsp = jnp.full((L,), 1, jnp.int32) * d
                        vals = plsc.load_gather(src, [dsp, o16], mask=vm)
                        plsc.store_scatter(rowbuf, [rows, dsp], vals, mask=vm)
                        return 0

                    lax.fori_loop(0, D, d_body, 0, unroll=8)
                    plsc.store_scatter(bidx, [rows], b16, mask=vm)

            pltpu.async_copy(rowbuf, out_hbm.at[bidx], sem_w)

        def sweep(c0, c1, sbase, src):
            def rs_cond(st):
                gi, q = st
                return gi < ngr

            def rs_body(st):
                gi, q = st
                b16 = blist[pl.ds(pl.multiple_of(gi * L, L), L)]
                vm = (lane + gi * L) < cnt
                hid = plsc.load_gather(ids_v, [b16], mask=vm)
                m = vm & (hid >= c0) & (hid < c1)
                mi = m.astype(jnp.int32)
                pos = q + plsc.cumsum(mi) - mi
                plsc.store_scatter(cb, [pos], b16, mask=m)
                plsc.store_scatter(co, [pos], hid - sbase, mask=m)
                q = q + jnp.sum(mi)

                @pl.when(q > G - L)
                def _():
                    fire(q, src)

                return gi + 1, jnp.where(q > G - L, 0, q)

            gi, q = lax.while_loop(rs_cond, rs_body, (jnp.int32(0), jnp.int32(0)))

            @pl.when(q > 0)
            def _():
                fire(q, src)

        def sbase_of(c):
            c0 = lo + c * CW
            return pl.multiple_of(jnp.minimum(c0, PHYS - CW), 128)

        def issue(c, stg, sem):
            s = sbase_of(c)
            for i in range(D // 8):
                pltpu.async_copy(
                    tT_hbm.at[pl.ds(8 * i, 8), pl.ds(s, CW)],
                    stg.at[pl.ds(8 * i, 8), :],
                    sem,
                )

        def drain_stage(stg, sem):
            for i in range(D // 8):
                pltpu.make_async_copy(
                    tT_hbm.at[pl.ds(0, 8), pl.ds(0, CW)],
                    stg.at[pl.ds(8 * i, 8), :],
                    sem,
                ).wait()

        def do_chunk(c, stg):
            c0 = lo + c * CW
            c1 = jnp.minimum(c0 + CW, hi)
            sweep(c0, c1, sbase_of(c), stg)

        issue(0, stage0, sem_s0)

        def pair_body(p, _):
            c = p * 2
            drain_stage(stage0, sem_s0)

            @pl.when(c + 1 < NCH)
            def _():
                issue(c + 1, stage1, sem_s1)

            do_chunk(c, stage0)

            @pl.when(c + 1 < NCH)
            def _():
                drain_stage(stage1, sem_s1)

                @pl.when(c + 2 < NCH)
                def _():
                    issue(c + 2, stage0, sem_s0)

                do_chunk(c + 1, stage1)

            return 0

        lax.fori_loop(0, (NCH + 1) // 2, pair_body, 0, unroll=False)
        drain_scatter()

    out_full = emb(tableT, node_ids.astype(jnp.int32))
    return out_full[:B, :D]

# --- scband reference (transcript-rebuilt; emitter-appended) ---
"""Pipeline reference for scband-simple-node-embedder-16604343566682 (READ-ONLY COPY).

The authoritative reference and input builder live on the scoring server;
editing this copy changes nothing except your own understanding.
"""

import jax, jax.numpy as jnp
import numpy as np

N_BUCKETS = 500000
EMB_SIZE = 64
BATCH = 16384

def setup_inputs(seed: int = 0) -> dict:
    key = jax.random.key(seed)
    k1, k2 = jax.random.split(key)
    # node_ids are pre-hashed bucket indices in [0, n_buckets); n_buckets is the padding index
    node_ids = jax.random.randint(k1, (BATCH,), 0, N_BUCKETS, dtype=jnp.int64 if jax.config.jax_enable_x64 else jnp.int32)
    # embedding table with an extra padding row (padding_idx = n_buckets, zero vector)
    table = jax.random.normal(k2, (N_BUCKETS + 1, EMB_SIZE), dtype=jnp.float32) * 0.02
    table = table.at[N_BUCKETS].set(0.0)
    return {"node_ids": node_ids, "table": table}

def reference(node_ids, table):
    # SimpleNodeEmbedder.forward: hash node names -> bucket indices, then nn.Embedding lookup.
    # The hashing (token_hasher on python strings) is non-tensor preprocessing; the tensor
    # computation is a plain gather into the bucket embedding table.
    return jnp.take(table, node_ids, axis=0)

if __name__ == "__main__":
    import jax
    _d = setup_inputs()
    print(jax.jit(kernel)(*tuple(_d.values())))

</pallas_src>

<mosaic_0001>
#map = affine_map<(d0, d1) -> (0, 0)>
#map1 = affine_map<(d0, d1) -> (0)>
module attributes {stable_mosaic.version = 14 : i64} {
  func.func @emb(%arg0: i32, %arg1: i32, %arg2: memref<64x500001xf32, #tpu.memory_space<hbm>>, %arg3: memref<16384xi32, #tpu.memory_space<hbm>>, %arg4: memref<17408x128xf32, #tpu.memory_space<hbm>>, %arg5: memref<16384xi32, #tpu.memory_space<vmem>>, %arg6: memref<16400xi32, #tpu.memory_space<vmem>>, %arg7: memref<64x640xf32, #tpu.memory_space<vmem>>, %arg8: memref<64x640xf32, #tpu.memory_space<vmem>>, %arg9: memref<32x128xf32, #tpu.memory_space<vmem>>, %arg10: memref<48xi32, #tpu.memory_space<vmem>>, %arg11: memref<48xi32, #tpu.memory_space<vmem>>, %arg12: memref<32xi32, #tpu.memory_space<vmem>>, %arg13: memref<!tpu.dma_semaphore, #tpu.memory_space<semaphore_mem>>, %arg14: memref<!tpu.dma_semaphore, #tpu.memory_space<semaphore_mem>>, %arg15: memref<!tpu.dma_semaphore, #tpu.memory_space<semaphore_mem>>) attributes {dimension_semantics = [#tpu.dimension_semantics<core_parallel>, #tpu.dimension_semantics<subcore_parallel>], iteration_bounds = array<i64: 2, 16>, scalar_prefetch = 0 : i64, scratch_operands = 11 : i64, tpu.core_type = #tpu.core_type<sc_vector_subcore>, window_params = [{transform_indices = #map}, {transform_indices = #map1}, {transform_indices = #map}]} {
    %mul3A = arith.constant 2 : i32
    %mul3A_0 = arith.muli %arg1, %mul3A : i32
    %add3A = arith.addi %mul3A_0, %arg0 : i32
    %mul3A_1 = arith.constant 32 : i32
    %mul3A_2 = arith.muli %add3A, %mul3A_1 : i32
    %add3A_3 = arith.constant 16384 : i32
    %add3A_4 = arith.addi %add3A_3, %mul3A_2 : i32
    %mul3A_5 = arith.constant 15744 : i32
    %mul3A_6 = arith.muli %add3A, %mul3A_5 : i32
    %add3A_7 = arith.constant 15744 : i32
    %add3A_8 = arith.addi %mul3A_6, %add3A_7 : i32
    %min3A = arith.constant 500001 : i32
    %min3A_9 = arith.minsi %add3A_8, %min3A : i32
    %iota3A = tpu.iota {dimensions = array<i32: 0>} : vector<16xi32>
    "tpu.region"() ({
      %run_scoped3A = tpu.sem_alloc : memref<!tpu.dma_semaphore, #tpu.memory_space<semaphore_mem>>
      tpu.enqueue_dma source(%arg3 : memref<16384xi32, #tpu.memory_space<hbm>>) target(%arg5 : memref<16384xi32, #tpu.memory_space<vmem>>) target_semaphore(%run_scoped3A : memref<!tpu.dma_semaphore, #tpu.memory_space<semaphore_mem>>)
      tpu.wait_dma2 semaphore(%run_scoped3A : memref<!tpu.dma_semaphore, #tpu.memory_space<semaphore_mem>>) src(%arg3 : memref<16384xi32, #tpu.memory_space<hbm>>) dst(%arg5 : memref<16384xi32, #tpu.memory_space<vmem>>)
      tpu.yield
    }) : () -> ()
    %broadcast_in_dim3A = arith.constant 15 : i32
    %broadcast_in_dim3A_10 = vector.broadcast %broadcast_in_dim3A : i32 to vector<16xi32>
    %broadcast_in_dim3A_11 = arith.constant 0 : i32
    %broadcast_in_dim3A_12 = vector.broadcast %broadcast_in_dim3A_11 : i32 to vector<16xi32>
    %scan3A = arith.constant 0 : i32
    %scan3A_13 = arith.constant 512 : i32
    %scan3A_14 = arith.addi %scan3A, %scan3A_13 : i32
    %scan3A_15 = arith.constant 1 : i32
    %scan3A_16 = scf.for %scan3A_153 = %scan3A to %scan3A_14 step %scan3A_15 iter_args(%scan3A_154 = %broadcast_in_dim3A_12) -> (vector<16xi32>)  : i32 {
      %mul3A_155 = arith.constant 2 : i32
      %mul3A_156 = arith.muli %scan3A_153, %mul3A_155 : i32
      %mul3A_157 = arith.constant 16 : i32
      %mul3A_158 = arith.muli %mul3A_156, %mul3A_157 : i32
      %multiple_of3A_159 = tpu.assume_multiple %mul3A_158, 16 : i32
      %get3A = arith.index_cast %multiple_of3A_159 : i32 to index
      %get3A_160 = tpu.vector_load %arg5[%get3A] {strides = array<i32>} : memref<16384xi32, #tpu.memory_space<vmem>>, vector<16xi32>,
      %add3A_161 = arith.constant 1 : i32
      %add3A_162 = arith.addi %mul3A_156, %add3A_161 : i32
      %mul3A_163 = arith.constant 16 : i32
      %mul3A_164 = arith.muli %add3A_162, %mul3A_163 : i32
      %multiple_of3A_165 = tpu.assume_multiple %mul3A_164, 16 : i32
      %get3A_166 = arith.index_cast %multiple_of3A_165 : i32 to index
      %get3A_167 = tpu.vector_load %arg5[%get3A_166] {strides = array<i32>} : memref<16384xi32, #tpu.memory_space<vmem>>, vector<16xi32>,
      %ge3A = vector.broadcast %mul3A_6 : i32 to vector<16xi32>
      %ge3A_168 = arith.cmpi sge, %get3A_160, %ge3A : vector<16xi32>
      %lt3A = vector.broadcast %min3A_9 : i32 to vector<16xi32>
      %lt3A_169 = arith.cmpi slt, %get3A_160, %lt3A : vector<16xi32>
      %and3A_170 = arith.andi %ge3A_168, %lt3A_169 : vector<16xi1>
      %ge3A_171 = vector.broadcast %mul3A_6 : i32 to vector<16xi32>
      %ge3A_172 = arith.cmpi sge, %get3A_167, %ge3A_171 : vector<16xi32>
      %lt3A_173 = vector.broadcast %min3A_9 : i32 to vector<16xi32>
      %lt3A_174 = arith.cmpi slt, %get3A_167, %lt3A_173 : vector<16xi32>
      %and3A_175 = arith.andi %ge3A_172, %lt3A_174 : vector<16xi1>
      %convert_element_type3A = arith.extui %and3A_170 : vector<16xi1> to vector<16xi32>
      %broadcast_in_dim3A_176 = arith.constant true
      %broadcast_in_dim3A_177 = vector.broadcast %broadcast_in_dim3A_176 : i1 to vector<16xi1>
      %masked_cumsum3A = tpu.scan <sum>, %convert_element_type3A masked %broadcast_in_dim3A_177 : vector<16xi32>, vector<16xi1> -> vector<16xi32>
      %convert_element_type3A_178 = arith.extui %and3A_175 : vector<16xi1> to vector<16xi32>
      %broadcast_in_dim3A_179 = arith.constant true
      %broadcast_in_dim3A_180 = vector.broadcast %broadcast_in_dim3A_179 : i1 to vector<16xi1>
      %masked_cumsum3A_181 = tpu.scan <sum>, %convert_element_type3A_178 masked %broadcast_in_dim3A_180 : vector<16xi32>, vector<16xi1> -> vector<16xi32>
      %add3A_182 = arith.addi %scan3A_154, %masked_cumsum3A : vector<16xi32>
      %sub3A_183 = arith.constant 1 : i32
      %sub3A_184 = vector.broadcast %sub3A_183 : i32 to vector<16xi32>
      %sub3A_185 = arith.subi %add3A_182, %sub3A_184 : vector<16xi32>
      %mul3A_186 = arith.constant 16 : i32
      %mul3A_187 = arith.muli %mul3A_156, %mul3A_186 : i32
      %add3A_188 = vector.broadcast %mul3A_187 : i32 to vector<16xi32>
      %add3A_189 = arith.addi %iota3A, %add3A_188 : vector<16xi32>
      tpu.vector_store_idx %arg6[%sub3A_185], %add3A_189 masked %and3A_170 : memref<16400xi32, #tpu.memory_space<vmem>>[vector<16xi32>], vector<16xi32>, vector<16xi1>
      %broadcast_in_dim3A_190 = vector.shape_cast %broadcast_in_dim3A_10 : vector<16xi32> to vector<16x1xi32>
      %gather3A = vector.shape_cast %broadcast_in_dim3A_190 : vector<16x1xi32> to vector<16xi32>
      %gather3A_191 = tpu.dynamic_gather %masked_cumsum3A[%gather3A] in [0] : vector<16xi32>, vector<16xi32> -> vector<16xi32>
      %add3A_192 = arith.addi %scan3A_154, %gather3A_191 : vector<16xi32>
      %add3A_193 = arith.addi %add3A_192, %masked_cumsum3A_181 : vector<16xi32>
      %sub3A_194 = arith.constant 1 : i32
      %sub3A_195 = vector.broadcast %sub3A_194 : i32 to vector<16xi32>
      %sub3A_196 = arith.subi %add3A_193, %sub3A_195 : vector<16xi32>
      %add3A_197 = arith.constant 1 : i32
      %add3A_198 = arith.addi %mul3A_156, %add3A_197 : i32
      %mul3A_199 = arith.constant 16 : i32
      %mul3A_200 = arith.muli %add3A_198, %mul3A_199 : i32
      %add3A_201 = vector.broadcast %mul3A_200 : i32 to vector<16xi32>
      %add3A_202 = arith.addi %iota3A, %add3A_201 : vector<16xi32>
      tpu.vector_store_idx %arg6[%sub3A_196], %add3A_202 masked %and3A_175 : memref<16400xi32, #tpu.memory_space<vmem>>[vector<16xi32>], vector<16xi32>, vector<16xi1>
      %broadcast_in_dim3A_203 = vector.shape_cast %broadcast_in_dim3A_10 : vector<16xi32> to vector<16x1xi32>
      %gather3A_204 = vector.shape_cast %broadcast_in_dim3A_203 : vector<16x1xi32> to vector<16xi32>
      %gather3A_205 = tpu.dynamic_gather %masked_cumsum3A_181[%gather3A_204] in [0] : vector<16xi32>, vector<16xi32> -> vector<16xi32>
      %add3A_206 = arith.addi %add3A_192, %gather3A_205 : vector<16xi32>
      scf.yield %add3A_206 : vector<16xi32>
    }
    %scan3A_17 = arith.constant 512 : i32
    %reduce_max3A = arith.constant true
    %reduce_max3A_18 = vector.broadcast %reduce_max3A : i1 to vector<16xi1>
    %reduce_max3A_19 = arith.constant -2147483648 : i32
    %reduce_max3A_20 = vector.broadcast %reduce_max3A_19 : i32 to vector<16xi32>
    %reduce_max3A_21 = arith.xori %scan3A_16, %reduce_max3A_20 : vector<16xi32>
    %reduce_max3A_22 = tpu.scan <max>, %reduce_max3A_21 masked %reduce_max3A_18 : vector<16xi32>, vector<16xi1> -> vector<16xi32>
    %reduce_max3A_23 = arith.xori %reduce_max3A_22, %reduce_max3A_20 : vector<16xi32>
    %reduce_max3A_24 = vector.extract %reduce_max3A_23[15] : i32 from vector<16xi32>
    %add3A_25 = arith.constant 16 : i32
    %add3A_26 = arith.addi %reduce_max3A_24, %add3A_25 : i32
    %sub3A = arith.constant 1 : i32
    %sub3A_27 = arith.subi %add3A_26, %sub3A : i32
    %jit3A = arith.constant 16 : i32
    %div3A = arith.divsi %sub3A_27, %jit3A : i32
    %sign3A = arith.constant 0 : i32
    %sign3A_28 = arith.cmpi sgt, %sub3A_27, %sign3A : i32
    %sign3A_29 = arith.extui %sign3A_28 : i1 to i32
    %sign3A_30 = arith.constant 0 : i32
    %sign3A_31 = arith.cmpi slt, %sub3A_27, %sign3A_30 : i32
    %sign3A_32 = arith.extui %sign3A_31 : i1 to i32
    %sign3A_33 = arith.subi %sign3A_29, %sign3A_32 : i32
    %sign3A_34 = arith.constant 0 : i32
    %sign3A_35 = arith.cmpi sgt, %jit3A, %sign3A_34 : i32
    %sign3A_36 = arith.extui %sign3A_35 : i1 to i32
    %sign3A_37 = arith.constant 0 : i32
    %sign3A_38 = arith.cmpi slt, %jit3A, %sign3A_37 : i32
    %sign3A_39 = arith.extui %sign3A_38 : i1 to i32
    %sign3A_40 = arith.subi %sign3A_36, %sign3A_39 : i32
    %ne3A = arith.cmpi ne, %sign3A_33, %sign3A_40 : i32
    %rem3A = arith.remsi %sub3A_27, %jit3A : i32
    %ne3A_41 = arith.constant 0 : i32
    %ne3A_42 = arith.cmpi ne, %rem3A, %ne3A_41 : i32
    %and3A = arith.andi %ne3A, %ne3A_42 : i1
    %sub3A_43 = arith.constant 1 : i32
    %sub3A_44 = arith.subi %div3A, %sub3A_43 : i32
    %select_n3A = arith.select %and3A, %sub3A_44, %div3A : i32
    %add3A_45 = vector.broadcast %add3A_4 : i32 to vector<16xi32>
    %add3A_46 = arith.addi %add3A_45, %iota3A : vector<16xi32>
    %add3A_47 = arith.constant 0 : i32
    %add3A_48 = vector.broadcast %add3A_47 : i32 to vector<16xi32>
    %add3A_49 = arith.addi %add3A_46, %add3A_48 : vector<16xi32>
    %swap3A = arith.constant 0 : index
    %swap3A_50 = tpu.vector_load %arg12[%swap3A] {strides = array<i32>} : memref<32xi32, #tpu.memory_space<vmem>>, vector<16xi32>,
    tpu.vector_store %arg12[%swap3A], %add3A_49 {strides = array<i32>} : memref<32xi32, #tpu.memory_space<vmem>>, vector<16xi32>,
    %add3A_51 = vector.broadcast %add3A_4 : i32 to vector<16xi32>
    %add3A_52 = arith.addi %add3A_51, %iota3A : vector<16xi32>
    %add3A_53 = arith.constant 16 : i32
    %add3A_54 = vector.broadcast %add3A_53 : i32 to vector<16xi32>
    %add3A_55 = arith.addi %add3A_52, %add3A_54 : vector<16xi32>
    %swap3A_56 = arith.constant 16 : index
    %swap3A_57 = tpu.vector_load %arg12[%swap3A_56] {strides = array<i32>} : memref<32xi32, #tpu.memory_space<vmem>>, vector<16xi32>,
    tpu.vector_store %arg12[%swap3A_56], %add3A_55 {strides = array<i32>} : memref<32xi32, #tpu.memory_space<vmem>>, vector<16xi32>,
    %dma_start3A = arith.constant 0 : i32
    %dma_start3A_58 = arith.constant 0 : i32
    %dma_start3A_59 = tpu.memref_slice %arg4[%dma_start3A, %dma_start3A_58] : memref<17408x128xf32, #tpu.memory_space<hbm>> -> memref<17408x128xf32, #tpu.memory_space<hbm>>
    tpu.enqueue_indirect_dma source(%arg9 : memref<32x128xf32, #tpu.memory_space<vmem>>) target(%dma_start3A_59 : memref<17408x128xf32, #tpu.memory_space<hbm>>) offsets(%arg12 : memref<32xi32, #tpu.memory_space<vmem>>) semaphore(%arg15 : memref<!tpu.dma_semaphore, #tpu.memory_space<semaphore_mem>>)
    %add3A_60 = arith.constant 0 : i32
    %add3A_61 = arith.addi %mul3A_6, %add3A_60 : i32
    %min3A_62 = arith.constant 499456 : i32
    %min3A_63 = arith.minsi %add3A_61, %min3A_62 : i32
    %multiple_of3A = tpu.assume_multiple %min3A_63, 128 : i32
    %dma_start3A_64 = arith.constant 0 : i32
    %dma_start3A_65 = arith.constant 0 : i32
    %dma_start3A_66 = tpu.memref_slice %arg7[%dma_start3A_64, %dma_start3A_65] : memref<64x640xf32, #tpu.memory_space<vmem>> -> memref<8x640xf32, #tpu.memory_space<vmem>>
    %dma_start3A_67 = arith.constant 0 : i32
    %dma_start3A_68 = tpu.memref_slice %arg2[%dma_start3A_67, %multiple_of3A] : memref<64x500001xf32, #tpu.memory_space<hbm>> -> memref<8x640xf32, #tpu.memory_space<hbm>>
    %dma_start3A_69 = arith.constant 0 : i32
    %dma_start3A_70 = arith.constant 0 : i32
    %dma_start3A_71 = tpu.memref_slice %arg7[%dma_start3A_69, %dma_start3A_70] : memref<64x640xf32, #tpu.memory_space<vmem>> -> memref<8x640xf32, #tpu.memory_space<vmem>>
    %dma_start3A_72 = arith.constant 0 : i32
    %dma_start3A_73 = tpu.memref_slice %arg2[%dma_start3A_72, %multiple_of3A] : memref<64x500001xf32, #tpu.memory_space<hbm>> -> memref<8x640xf32, #tpu.memory_space<hbm>>
    tpu.enqueue_dma source(%dma_start3A_73 : memref<8x640xf32, #tpu.memory_space<hbm>>) target(%dma_start3A_71 : memref<8x640xf32, #tpu.memory_space<vmem>>) target_semaphore(%arg13 : memref<!tpu.dma_semaphore, #tpu.memory_space<semaphore_mem>>)
    %dma_start3A_74 = arith.constant 8 : i32
    %dma_start3A_75 = arith.constant 0 : i32
    %dma_start3A_76 = tpu.memref_slice %arg7[%dma_start3A_74, %dma_start3A_75] : memref<64x640xf32, #tpu.memory_space<vmem>> -> memref<8x640xf32, #tpu.memory_space<vmem>>
    %dma_start3A_77 = arith.constant 8 : i32
    %dma_start3A_78 = tpu.memref_slice %arg2[%dma_start3A_77, %multiple_of3A] : memref<64x500001xf32, #tpu.memory_space<hbm>> -> memref<8x640xf32, #tpu.memory_space<hbm>>
    %dma_start3A_79 = arith.constant 8 : i32
    %dma_start3A_80 = arith.constant 0 : i32
    %dma_start3A_81 = tpu.memref_slice %arg7[%dma_start3A_79, %dma_start3A_80] : memref<64x640xf32, #tpu.memory_space<vmem>> -> memref<8x640xf32, #tpu.memory_space<vmem>>
    %dma_start3A_82 = arith.constant 8 : i32
    %dma_start3A_83 = tpu.memref_slice %arg2[%dma_start3A_82, %multiple_of3A] : memref<64x500001xf32, #tpu.memory_space<hbm>> -> memref<8x640xf32, #tpu.memory_space<hbm>>
    tpu.enqueue_dma source(%dma_start3A_83 : memref<8x640xf32, #tpu.memory_space<hbm>>) target(%dma_start3A_81 : memref<8x640xf32, #tpu.memory_space<vmem>>) target_semaphore(%arg13 : memref<!tpu.dma_semaphore, #tpu.memory_space<semaphore_mem>>)
    %dma_start3A_84 = arith.constant 16 : i32
    %dma_start3A_85 = arith.constant 0 : i32
    %dma_start3A_86 = tpu.memref_slice %arg7[%dma_start3A_84, %dma_start3A_85] : memref<64x640xf32, #tpu.memory_space<vmem>> -> memref<8x640xf32, #tpu.memory_space<vmem>>
    %dma_start3A_87 = arith.constant 16 : i32
    %dma_start3A_88 = tpu.memref_slice %arg2[%dma_start3A_87, %multiple_of3A] : memref<64x500001xf32, #tpu.memory_space<hbm>> -> memref<8x640xf32, #tpu.memory_space<hbm>>
    %dma_start3A_89 = arith.constant 16 : i32
    %dma_start3A_90 = arith.constant 0 : i32
    %dma_start3A_91 = tpu.memref_slice %arg7[%dma_start3A_89, %dma_start3A_90] : memref<64x640xf32, #tpu.memory_space<vmem>> -> memref<8x640xf32, #tpu.memory_space<vmem>>
    %dma_start3A_92 = arith.constant 16 : i32
    %dma_start3A_93 = tpu.memref_slice %arg2[%dma_start3A_92, %multiple_of3A] : memref<64x500001xf32, #tpu.memory_space<hbm>> -> memref<8x640xf32, #tpu.memory_space<hbm>>
    tpu.enqueue_dma source(%dma_start3A_93 : memref<8x640xf32, #tpu.memory_space<hbm>>) target(%dma_start3A_91 : memref<8x640xf32, #tpu.memory_space<vmem>>) target_semaphore(%arg13 : memref<!tpu.dma_semaphore, #tpu.memory_space<semaphore_mem>>)
    %dma_start3A_94 = arith.constant 24 : i32
    %dma_start3A_95 = arith.constant 0 : i32
    %dma_start3A_96 = tpu.memref_slice %arg7[%dma_start3A_94, %dma_start3A_95] : memref<64x640xf32, #tpu.memory_space<vmem>> -> memref<8x640xf32, #tpu.memory_space<vmem>>
    %dma_start3A_97 = arith.constant 24 : i32
    %dma_start3A_98 = tpu.memref_slice %arg2[%dma_start3A_97, %multiple_of3A] : memref<64x500001xf32, #tpu.memory_space<hbm>> -> memref<8x640xf32, #tpu.memory_space<hbm>>
    %dma_start3A_99 = arith.constant 24 : i32
    %dma_start3A_100 = arith.constant 0 : i32
    %dma_start3A_101 = tpu.memref_slice %arg7[%dma_start3A_99, %dma_start3A_100] : memref<64x640xf32, #tpu.memory_space<vmem>> -> memref<8x640xf32, #tpu.memory_space<vmem>>
    %dma_start3A_102 = arith.constant 24 : i32
    %dma_start3A_103 = tpu.memref_slice %arg2[%dma_start3A_102, %multiple_of3A] : memref<64x500001xf32, #tpu.memory_space<hbm>> -> memref<8x640xf32, #tpu.memory_space<hbm>>
    tpu.enqueue_dma source(%dma_start3A_103 : memref<8x640xf32, #tpu.memory_space<hbm>>) target(%dma_start3A_101 : memref<8x640xf32, #tpu.memory_space<vmem>>) target_semaphore(%arg13 : memref<!tpu.dma_semaphore, #tpu.memory_space<semaphore_mem>>)
    %dma_start3A_104 = arith.constant 32 : i32
    %dma_start3A_105 = arith.constant 0 : i32
    %dma_start3A_106 = tpu.memref_slice %arg7[%dma_start3A_104, %dma_start3A_105] : memref<64x640xf32, #tpu.memory_space<vmem>> -> memref<8x640xf32, #tpu.memory_space<vmem>>
    %dma_start3A_107 = arith.constant 32 : i32
    %dma_start3A_108 = tpu.memref_slice %arg2[%dma_start3A_107, %multiple_of3A] : memref<64x500001xf32, #tpu.memory_space<hbm>> -> memref<8x640xf32, #tpu.memory_space<hbm>>
    %dma_start3A_109 = arith.constant 32 : i32
    %dma_start3A_110 = arith.constant 0 : i32
    %dma_start3A_111 = tpu.memref_slice %arg7[%dma_start3A_109, %dma_start3A_110] : memref<64x640xf32, #tpu.memory_space<vmem>> -> memref<8x640xf32, #tpu.memory_space<vmem>>
    %dma_start3A_112 = arith.constant 32 : i32
    %dma_start3A_113 = tpu.memref_slice %arg2[%dma_start3A_112, %multiple_of3A] : memref<64x500001xf32, #tpu.memory_space<hbm>> -> memref<8x640xf32, #tpu.memory_space<hbm>>
    tpu.enqueue_dma source(%dma_start3A_113 : memref<8x640xf32, #tpu.memory_space<hbm>>) target(%dma_start3A_111 : memref<8x640xf32, #tpu.memory_space<vmem>>) target_semaphore(%arg13 : memref<!tpu.dma_semaphore, #tpu.memory_space<semaphore_mem>>)
    %dma_start3A_114 = arith.constant 40 : i32
    %dma_start3A_115 = arith.constant 0 : i32
    %dma_start3A_116 = tpu.memref_slice %arg7[%dma_start3A_114, %dma_start3A_115] : memref<64x640xf32, #tpu.memory_space<vmem>> -> memref<8x640xf32, #tpu.memory_space<vmem>>
    %dma_start3A_117 = arith.constant 40 : i32
    %dma_start3A_118 = tpu.memref_slice %arg2[%dma_start3A_117, %multiple_of3A] : memref<64x500001xf32, #tpu.memory_space<hbm>> -> memref<8x640xf32, #tpu.memory_space<hbm>>
    %dma_start3A_119 = arith.constant 40 : i32
    %dma_start3A_120 = arith.constant 0 : i32
    %dma_start3A_121 = tpu.memref_slice %arg7[%dma_start3A_119, %dma_start3A_120] : memref<64x640xf32, #tpu.memory_space<vmem>> -> memref<8x640xf32, #tpu.memory_space<vmem>>
    %dma_start3A_122 = arith.constant 40 : i32
    %dma_start3A_123 = tpu.memref_slice %arg2[%dma_start3A_122, %multiple_of3A] : memref<64x500001xf32, #tpu.memory_space<hbm>> -> memref<8x640xf32, #tpu.memory_space<hbm>>
    tpu.enqueue_dma source(%dma_start3A_123 : memref<8x640xf32, #tpu.memory_space<hbm>>) target(%dma_start3A_121 : memref<8x640xf32, #tpu.memory_space<vmem>>) target_semaphore(%arg13 : memref<!tpu.dma_semaphore, #tpu.memory_space<semaphore_mem>>)
    %dma_start3A_124 = arith.constant 48 : i32
    %dma_start3A_125 = arith.constant 0 : i32
    %dma_start3A_126 = tpu.memref_slice %arg7[%dma_start3A_124, %dma_start3A_125] : memref<64x640xf32, #tpu.memory_space<vmem>> -> memref<8x640xf32, #tpu.memory_space<vmem>>
    %dma_start3A_127 = arith.constant 48 : i32
    %dma_start3A_128 = tpu.memref_slice %arg2[%dma_start3A_127, %multiple_of3A] : memref<64x500001xf32, #tpu.memory_space<hbm>> -> memref<8x640xf32, #tpu.memory_space<hbm>>
    %dma_start3A_129 = arith.constant 48 : i32
    %dma_start3A_130 = arith.constant 0 : i32
    %dma_start3A_131 = tpu.memref_slice %arg7[%dma_start3A_129, %dma_start3A_130] : memref<64x640xf32, #tpu.memory_space<vmem>> -> memref<8x640xf32, #tpu.memory_space<vmem>>
    %dma_start3A_132 = arith.constant 48 : i32
    %dma_start3A_133 = tpu.memref_slice %arg2[%dma_start3A_132, %multiple_of3A] : memref<64x500001xf32, #tpu.memory_space<hbm>> -> memref<8x640xf32, #tpu.memory_space<hbm>>
    tpu.enqueue_dma source(%dma_start3A_133 : memref<8x640xf32, #tpu.memory_space<hbm>>) target(%dma_start3A_131 : memref<8x640xf32, #tpu.memory_space<vmem>>) target_semaphore(%arg13 : memref<!tpu.dma_semaphore, #tpu.memory_space<semaphore_mem>>)
    %dma_start3A_134 = arith.constant 56 : i32
    %dma_start3A_135 = arith.constant 0 : i32
    %dma_start3A_136 = tpu.memref_slice %arg7[%dma_start3A_134, %dma_start3A_135] : memref<64x640xf32, #tpu.memory_space<vmem>> -> memref<8x640xf32, #tpu.memory_space<vmem>>
    %dma_start3A_137 = arith.constant 56 : i32
    %dma_start3A_138 = tpu.memref_slice %arg2[%dma_start3A_137, %multiple_of3A] : memref<64x500001xf32, #tpu.memory_space<hbm>> -> memref<8x640xf32, #tpu.memory_space<hbm>>
    %dma_start3A_139 = arith.constant 56 : i32
    %dma_start3A_140 = arith.constant 0 : i32
    %dma_start3A_141 = tpu.memref_slice %arg7[%dma_start3A_139, %dma_start3A_140] : memref<64x640xf32, #tpu.memory_space<vmem>> -> memref<8x640xf32, #tpu.memory_space<vmem>>
    %dma_start3A_142 = arith.constant 56 : i32
    %dma_start3A_143 = tpu.memref_slice %arg2[%dma_start3A_142, %multiple_of3A] : memref<64x500001xf32, #tpu.memory_space<hbm>> -> memref<8x640xf32, #tpu.memory_space<hbm>>
    tpu.enqueue_dma source(%dma_start3A_143 : memref<8x640xf32, #tpu.memory_space<hbm>>) target(%dma_start3A_141 : memref<8x640xf32, #tpu.memory_space<vmem>>) target_semaphore(%arg13 : memref<!tpu.dma_semaphore, #tpu.memory_space<semaphore_mem>>)
    %scan3A_144 = arith.constant 0 : i32
    %scan3A_145 = arith.constant 0 : i32
    %scan3A_146 = arith.constant 13 : i32
    %scan3A_147 = arith.addi %scan3A_145, %scan3A_146 : i32
    %scan3A_148 = arith.constant 1 : i32
    %scan3A_149 = scf.for %scan3A_153 = %scan3A_145 to %scan3A_147 step %scan3A_148 iter_args(%scan3A_154 = %scan3A_144) -> (i32)  : i32 {
      %mul3A_155 = arith.constant 2 : i32
      %mul3A_156 = arith.muli %scan3A_153, %mul3A_155 : i32
      %dma_wait3A_157 = arith.constant 0 : i32
      %dma_wait3A_158 = arith.constant 0 : i32
      %dma_wait3A_159 = tpu.memref_slice %arg7[%dma_wait3A_157, %dma_wait3A_158] : memref<64x640xf32, #tpu.memory_space<vmem>> -> memref<8x640xf32, #tpu.memory_space<vmem>>
      %dma_wait3A_160 = arith.constant 0 : i32
      %dma_wait3A_161 = arith.constant 0 : i32
      %dma_wait3A_162 = tpu.memref_slice %arg2[%dma_wait3A_160, %dma_wait3A_161] : memref<64x500001xf32, #tpu.memory_space<hbm>> -> memref<8x640xf32, #tpu.memory_space<hbm>>
      %dma_wait3A_163 = arith.constant 0 : i32
      %dma_wait3A_164 = arith.constant 0 : i32
      %dma_wait3A_165 = tpu.memref_slice %arg7[%dma_wait3A_163, %dma_wait3A_164] : memref<64x640xf32, #tpu.memory_space<vmem>> -> memref<8x640xf32, #tpu.memory_space<vmem>>
      %dma_wait3A_166 = arith.constant 0 : i32
      %dma_wait3A_167 = arith.constant 0 : i32
      %dma_wait3A_168 = tpu.memref_slice %arg2[%dma_wait3A_166, %dma_wait3A_167] : memref<64x500001xf32, #tpu.memory_space<hbm>> -> memref<8x640xf32, #tpu.memory_space<hbm>>
      tpu.wait_dma2 semaphore(%arg13 : memref<!tpu.dma_semaphore, #tpu.memory_space<semaphore_mem>>) src(%dma_wait3A_168 : memref<8x640xf32, #tpu.memory_space<hbm>>) dst(%dma_wait3A_165 : memref<8x640xf32, #tpu.memory_space<vmem>>)
      %dma_wait3A_169 = arith.constant 8 : i32
      %dma_wait3A_170 = arith.constant 0 : i32
      %dma_wait3A_171 = tpu.memref_slice %arg7[%dma_wait3A_169, %dma_wait3A_170] : memref<64x640xf32, #tpu.memory_space<vmem>> -> memref<8x640xf32, #tpu.memory_space<vmem>>
      %dma_wait3A_172 = arith.constant 0 : i32
      %dma_wait3A_173 = arith.constant 0 : i32
      %dma_wait3A_174 = tpu.memref_slice %arg2[%dma_wait3A_172, %dma_wait3A_173] : memref<64x500001xf32, #tpu.memory_space<hbm>> -> memref<8x640xf32, #tpu.memory_space<hbm>>
      %dma_wait3A_175 = arith.constant 8 : i32
      %dma_wait3A_176 = arith.constant 0 : i32
      %dma_wait3A_177 = tpu.memref_slice %arg7[%dma_wait3A_175, %dma_wait3A_176] : memref<64x640xf32, #tpu.memory_space<vmem>> -> memref<8x640xf32, #tpu.memory_space<vmem>>
      %dma_wait3A_178 = arith.constant 0 : i32
      %dma_wait3A_179 = arith.constant 0 : i32
      %dma_wait3A_180 = tpu.memref_slice %arg2[%dma_wait3A_178, %dma_wait3A_179] : memref<64x500001xf32, #tpu.memory_space<hbm>> -> memref<8x640xf32, #tpu.memory_space<hbm>>
      tpu.wait_dma2 semaphore(%arg13 : memref<!tpu.dma_semaphore, #tpu.memory_space<semaphore_mem>>) src(%dma_wait3A_180 : memref<8x640xf32, #tpu.memory_space<hbm>>) dst(%dma_wait3A_177 : memref<8x640xf32, #tpu.memory_space<vmem>>)
      %dma_wait3A_181 = arith.constant 16 : i32
      %dma_wait3A_182 = arith.constant 0 : i32
      %dma_wait3A_183 = tpu.memref_slice %arg7[%dma_wait3A_181, %dma_wait3A_182] : memref<64x640xf32, #tpu.memory_space<vmem>> -> memref<8x640xf32, #tpu.memory_space<vmem>>
      %dma_wait3A_184 = arith.constant 0 : i32
      %dma_wait3A_185 = arith.constant 0 : i32
      %dma_wait3A_186 = tpu.memref_slice %arg2[%dma_wait3A_184, %dma_wait3A_185] : memref<64x500001xf32, #tpu.memory_space<hbm>> -> memref<8x640xf32, #tpu.memory_space<hbm>>
      %dma_wait3A_187 = arith.constant 16 : i32
      %dma_wait3A_188 = arith.constant 0 : i32
      %dma_wait3A_189 = tpu.memref_slice %arg7[%dma_wait3A_187, %dma_wait3A_188] : memref<64x640xf32, #tpu.memory_space<vmem>> -> memref<8x640xf32, #tpu.memory_space<vmem>>
      %dma_wait3A_190 = arith.constant 0 : i32
      %dma_wait3A_191 = arith.constant 0 : i32
      %dma_wait3A_192 = tpu.memref_slice %arg2[%dma_wait3A_190, %dma_wait3A_191] : memref<64x500001xf32, #tpu.memory_space<hbm>> -> memref<8x640xf32, #tpu.memory_space<hbm>>
      tpu.wait_dma2 semaphore(%arg13 : memref<!tpu.dma_semaphore, #tpu.memory_space<semaphore_mem>>) src(%dma_wait3A_192 : memref<8x640xf32, #tpu.memory_space<hbm>>) dst(%dma_wait3A_189 : memref<8x640xf32, #tpu.memory_space<vmem>>)
      %dma_wait3A_193 = arith.constant 24 : i32
      %dma_wait3A_194 = arith.constant 0 : i32
      %dma_wait3A_195 = tpu.memref_slice %arg7[%dma_wait3A_193, %dma_wait3A_194] : memref<64x640xf32, #tpu.memory_space<vmem>> -> memref<8x640xf32, #tpu.memory_space<vmem>>
      %dma_wait3A_196 = arith.constant 0 : i32
      %dma_wait3A_197 = arith.constant 0 : i32
      %dma_wait3A_198 = tpu.memref_slice %arg2[%dma_wait3A_196, %dma_wait3A_197] : memref<64x500001xf32, #tpu.memory_space<hbm>> -> memref<8x640xf32, #tpu.memory_space<hbm>>
      %dma_wait3A_199 = arith.constant 24 : i32
      %dma_wait3A_200 = arith.constant 0 : i32
      %dma_wait3A_201 = tpu.memref_slice %arg7[%dma_wait3A_199, %dma_wait3A_200] : memref<64x640xf32, #tpu.memory_space<vmem>> -> memref<8x640xf32, #tpu.memory_space<vmem>>
      %dma_wait3A_202 = arith.constant 0 : i32
      %dma_wait3A_203 = arith.constant 0 : i32
      %dma_wait3A_204 = tpu.memref_slice %arg2[%dma_wait3A_202, %dma_wait3A_203] : memref<64x500001xf32, #tpu.memory_space<hbm>> -> memref<8x640xf32, #tpu.memory_space<hbm>>
      tpu.wait_dma2 semaphore(%arg13 : memref<!tpu.dma_semaphore, #tpu.memory_space<semaphore_mem>>) src(%dma_wait3A_204 : memref<8x640xf32, #tpu.memory_space<hbm>>) dst(%dma_wait3A_201 : memref<8x640xf32, #tpu.memory_space<vmem>>)
      %dma_wait3A_205 = arith.constant 32 : i32
      %dma_wait3A_206 = arith.constant 0 : i32
      %dma_wait3A_207 = tpu.memref_slice %arg7[%dma_wait3A_205, %dma_wait3A_206] : memref<64x640xf32, #tpu.memory_space<vmem>> -> memref<8x640xf32, #tpu.memory_space<vmem>>
      %dma_wait3A_208 = arith.constant 0 : i32
      %dma_wait3A_209 = arith.constant 0 : i32
      %dma_wait3A_210 = tpu.memref_slice %arg2[%dma_wait3A_208, %dma_wait3A_209] : memref<64x500001xf32, #tpu.memory_space<hbm>> -> memref<8x640xf32, #tpu.memory_space<hbm>>
      %dma_wait3A_211 = arith.constant 32 : i32
      %dma_wait3A_212 = arith.constant 0 : i32
      %dma_wait3A_213 = tpu.memref_slice %arg7[%dma_wait3A_211, %dma_wait3A_212] : memref<64x640xf32, #tpu.memory_space<vmem>> -> memref<8x640xf32, #tpu.memory_space<vmem>>
      %dma_wait3A_214 = arith.constant 0 : i32
      %dma_wait3A_215 = arith.constant 0 : i32
      %dma_wait3A_216 = tpu.memref_slice %arg2[%dma_wait3A_214, %dma_wait3A_215] : memref<64x500001xf32, #tpu.memory_space<hbm>> -> memref<8x640xf32, #tpu.memory_space<hbm>>
      tpu.wait_dma2 semaphore(%arg13 : memref<!tpu.dma_semaphore, #tpu.memory_space<semaphore_mem>>) src(%dma_wait3A_216 : memref<8x640xf32, #tpu.memory_space<hbm>>) dst(%dma_wait3A_213 : memref<8x640xf32, #tpu.memory_space<vmem>>)
      %dma_wait3A_217 = arith.constant 40 : i32
      %dma_wait3A_218 = arith.constant 0 : i32
      %dma_wait3A_219 = tpu.memref_slice %arg7[%dma_wait3A_217, %dma_wait3A_218] : memref<64x640xf32, #tpu.memory_space<vmem>> -> memref<8x640xf32, #tpu.memory_space<vmem>>
      %dma_wait3A_220 = arith.constant 0 : i32
      %dma_wait3A_221 = arith.constant 0 : i32
      %dma_wait3A_222 = tpu.memref_slice %arg2[%dma_wait3A_220, %dma_wait3A_221] : memref<64x500001xf32, #tpu.memory_space<hbm>> -> memref<8x640xf32, #tpu.memory_space<hbm>>
      %dma_wait3A_223 = arith.constant 40 : i32
      %dma_wait3A_224 = arith.constant 0 : i32
      %dma_wait3A_225 = tpu.memref_slice %arg7[%dma_wait3A_223, %dma_wait3A_224] : memref<64x640xf32, #tpu.memory_space<vmem>> -> memref<8x640xf32, #tpu.memory_space<vmem>>
      %dma_wait3A_226 = arith.constant 0 : i32
      %dma_wait3A_227 = arith.constant 0 : i32
      %dma_wait3A_228 = tpu.memref_slice %arg2[%dma_wait3A_226, %dma_wait3A_227] : memref<64x500001xf32, #tpu.memory_space<hbm>> -> memref<8x640xf32, #tpu.memory_space<hbm>>
      tpu.wait_dma2 semaphore(%arg13 : memref<!tpu.dma_semaphore, #tpu.memory_space<semaphore_mem>>) src(%dma_wait3A_228 : memref<8x640xf32, #tpu.memory_space<hbm>>) dst(%dma_wait3A_225 : memref<8x640xf32, #tpu.memory_space<vmem>>)
      %dma_wait3A_229 = arith.constant 48 : i32
      %dma_wait3A_230 = arith.constant 0 : i32
      %dma_wait3A_231 = tpu.memref_slice %arg7[%dma_wait3A_229, %dma_wait3A_230] : memref<64x640xf32, #tpu.memory_space<vmem>> -> memref<8x640xf32, #tpu.memory_space<vmem>>
      %dma_wait3A_232 = arith.constant 0 : i32
      %dma_wait3A_233 = arith.constant 0 : i32
      %dma_wait3A_234 = tpu.memref_slice %arg2[%dma_wait3A_232, %dma_wait3A_233] : memref<64x500001xf32, #tpu.memory_space<hbm>> -> memref<8x640xf32, #tpu.memory_space<hbm>>
      %dma_wait3A_235 = arith.constant 48 : i32
      %dma_wait3A_236 = arith.constant 0 : i32
      %dma_wait3A_237 = tpu.memref_slice %arg7[%dma_wait3A_235, %dma_wait3A_236] : memref<64x640xf32, #tpu.memory_space<vmem>> -> memref<8x640xf32, #tpu.memory_space<vmem>>
      %dma_wait3A_238 = arith.constant 0 : i32
      %dma_wait3A_239 = arith.constant 0 : i32
      %dma_wait3A_240 = tpu.memref_slice %arg2[%dma_wait3A_238, %dma_wait3A_239] : memref<64x500001xf32, #tpu.memory_space<hbm>> -> memref<8x640xf32, #tpu.memory_space<hbm>>
      tpu.wait_dma2 semaphore(%arg13 : memref<!tpu.dma_semaphore, #tpu.memory_space<semaphore_mem>>) src(%dma_wait3A_240 : memref<8x640xf32, #tpu.memory_space<hbm>>) dst(%dma_wait3A_237 : memref<8x640xf32, #tpu.memory_space<vmem>>)
      %dma_wait3A_241 = arith.constant 56 : i32
      %dma_wait3A_242 = arith.constant 0 : i32
      %dma_wait3A_243 = tpu.memref_slice %arg7[%dma_wait3A_241, %dma_wait3A_242] : memref<64x640xf32, #tpu.memory_space<vmem>> -> memref<8x640xf32, #tpu.memory_space<vmem>>
      %dma_wait3A_244 = arith.constant 0 : i32
      %dma_wait3A_245 = arith.constant 0 : i32
      %dma_wait3A_246 = tpu.memref_slice %arg2[%dma_wait3A_244, %dma_wait3A_245] : memref<64x500001xf32, #tpu.memory_space<hbm>> -> memref<8x640xf32, #tpu.memory_space<hbm>>
      %dma_wait3A_247 = arith.constant 56 : i32
      %dma_wait3A_248 = arith.constant 0 : i32
      %dma_wait3A_249 = tpu.memref_slice %arg7[%dma_wait3A_247, %dma_wait3A_248] : memref<64x640xf32, #tpu.memory_space<vmem>> -> memref<8x640xf32, #tpu.memory_space<vmem>>
      %dma_wait3A_250 = arith.constant 0 : i32
      %dma_wait3A_251 = arith.constant 0 : i32
      %dma_wait3A_252 = tpu.memref_slice %arg2[%dma_wait3A_250, %dma_wait3A_251] : memref<64x500001xf32, #tpu.memory_space<hbm>> -> memref<8x640xf32, #tpu.memory_space<hbm>>
      tpu.wait_dma2 semaphore(%arg13 : memref<!tpu.dma_semaphore, #tpu.memory_space<semaphore_mem>>) src(%dma_wait3A_252 : memref<8x640xf32, #tpu.memory_space<hbm>>) dst(%dma_wait3A_249 : memref<8x640xf32, #tpu.memory_space<vmem>>)
      %add3A_253 = arith.constant 1 : i32
      %add3A_254 = arith.addi %mul3A_156, %add3A_253 : i32
      %lt3A = arith.constant 25 : i32
      %lt3A_255 = arith.cmpi slt, %add3A_254, %lt3A : i32
      %convert_element_type3A = arith.extui %lt3A_255 : i1 to i32
      %cond3A = arith.constant 0 : i32
      %cond3A_256 = arith.cmpi ne, %convert_element_type3A, %cond3A : i32
      scf.if %cond3A_256 {
        %add3A_283 = arith.constant 1 : i32
        %add3A_284 = arith.addi %mul3A_156, %add3A_283 : i32
        %mul3A_285 = arith.constant 640 : i32
        %mul3A_286 = arith.muli %add3A_284, %mul3A_285 : i32
        %add3A_287 = arith.addi %mul3A_6, %mul3A_286 : i32
        %min3A_288 = arith.constant 499456 : i32
        %min3A_289 = arith.minsi %add3A_287, %min3A_288 : i32
        %multiple_of3A_290 = tpu.assume_multiple %min3A_289, 128 : i32
        %dma_start3A_291 = arith.constant 0 : i32
        %dma_start3A_292 = arith.constant 0 : i32
        %dma_start3A_293 = tpu.memref_slice %arg8[%dma_start3A_291, %dma_start3A_292] : memref<64x640xf32, #tpu.memory_space<vmem>> -> memref<8x640xf32, #tpu.memory_space<vmem>>
        %dma_start3A_294 = arith.constant 0 : i32
        %dma_start3A_295 = tpu.memref_slice %arg2[%dma_start3A_294, %multiple_of3A_290] : memref<64x500001xf32, #tpu.memory_space<hbm>> -> memref<8x640xf32, #tpu.memory_space<hbm>>
        %dma_start3A_296 = arith.constant 0 : i32
        %dma_start3A_297 = arith.constant 0 : i32
        %dma_start3A_298 = tpu.memref_slice %arg8[%dma_start3A_296, %dma_start3A_297] : memref<64x640xf32, #tpu.memory_space<vmem>> -> memref<8x640xf32, #tpu.memory_space<vmem>>
        %dma_start3A_299 = arith.constant 0 : i32
        %dma_start3A_300 = tpu.memref_slice %arg2[%dma_start3A_299, %multiple_of3A_290] : memref<64x500001xf32, #tpu.memory_space<hbm>> -> memref<8x640xf32, #tpu.memory_space<hbm>>
        tpu.enqueue_dma source(%dma_start3A_300 : memref<8x640xf32, #tpu.memory_space<hbm>>) target(%dma_start3A_298 : memref<8x640xf32, #tpu.memory_space<vmem>>) target_semaphore(%arg14 : memref<!tpu.dma_semaphore, #tpu.memory_space<semaphore_mem>>)
        %dma_start3A_301 = arith.constant 8 : i32
        %dma_start3A_302 = arith.constant 0 : i32
        %dma_start3A_303 = tpu.memref_slice %arg8[%dma_start3A_301, %dma_start3A_302] : memref<64x640xf32, #tpu.memory_space<vmem>> -> memref<8x640xf32, #tpu.memory_space<vmem>>
        %dma_start3A_304 = arith.constant 8 : i32
        %dma_start3A_305 = tpu.memref_slice %arg2[%dma_start3A_304, %multiple_of3A_290] : memref<64x500001xf32, #tpu.memory_space<hbm>> -> memref<8x640xf32, #tpu.memory_space<hbm>>
        %dma_start3A_306 = arith.constant 8 : i32
        %dma_start3A_307 = arith.constant 0 : i32
        %dma_start3A_308 = tpu.memref_slice %arg8[%dma_start3A_306, %dma_start3A_307] : memref<64x640xf32, #tpu.memory_space<vmem>> -> memref<8x640xf32, #tpu.memory_space<vmem>>
        %dma_start3A_309 = arith.constant 8 : i32
        %dma_start3A_310 = tpu.memref_slice %arg2[%dma_start3A_309, %multiple_of3A_290] : memref<64x500001xf32, #tpu.memory_space<hbm>> -> memref<8x640xf32, #tpu.memory_space<hbm>>
        tpu.enqueue_dma source(%dma_start3A_310 : memref<8x640xf32, #tpu.memory_space<hbm>>) target(%dma_start3A_308 : memref<8x640xf32, #tpu.memory_space<vmem>>) target_semaphore(%arg14 : memref<!tpu.dma_semaphore, #tpu.memory_space<semaphore_mem>>)
        %dma_start3A_311 = arith.constant 16 : i32
        %dma_start3A_312 = arith.constant 0 : i32
        %dma_start3A_313 = tpu.memref_slice %arg8[%dma_start3A_311, %dma_start3A_312] : memref<64x640xf32, #tpu.memory_space<vmem>> -> memref<8x640xf32, #tpu.memory_space<vmem>>
        %dma_start3A_314 = arith.constant 16 : i32
        %dma_start3A_315 = tpu.memref_slice %arg2[%dma_start3A_314, %multiple_of3A_290] : memref<64x500001xf32, #tpu.memory_space<hbm>> -> memref<8x640xf32, #tpu.memory_space<hbm>>
        %dma_start3A_316 = arith.constant 16 : i32
        %dma_start3A_317 = arith.constant 0 : i32
        %dma_start3A_318 = tpu.memref_slice %arg8[%dma_start3A_316, %dma_start3A_317] : memref<64x640xf32, #tpu.memory_space<vmem>> -> memref<8x640xf32, #tpu.memory_space<vmem>>
        %dma_start3A_319 = arith.constant 16 : i32
        %dma_start3A_320 = tpu.memref_slice %arg2[%dma_start3A_319, %multiple_of3A_290] : memref<64x500001xf32, #tpu.memory_space<hbm>> -> memref<8x640xf32, #tpu.memory_space<hbm>>
        tpu.enqueue_dma source(%dma_start3A_320 : memref<8x640xf32, #tpu.memory_space<hbm>>) target(%dma_start3A_318 : memref<8x640xf32, #tpu.memory_space<vmem>>) target_semaphore(%arg14 : memref<!tpu.dma_semaphore, #tpu.memory_space<semaphore_mem>>)
        %dma_start3A_321 = arith.constant 24 : i32
        %dma_start3A_322 = arith.constant 0 : i32
        %dma_start3A_323 = tpu.memref_slice %arg8[%dma_start3A_321, %dma_start3A_322] : memref<64x640xf32, #tpu.memory_space<vmem>> -> memref<8x640xf32, #tpu.memory_space<vmem>>
        %dma_start3A_324 = arith.constant 24 : i32
        %dma_start3A_325 = tpu.memref_slice %arg2[%dma_start3A_324, %multiple_of3A_290] : memref<64x500001xf32, #tpu.memory_space<hbm>> -> memref<8x640xf32, #tpu.memory_space<hbm>>
        %dma_start3A_326 = arith.constant 24 : i32
        %dma_start3A_327 = arith.constant 0 : i32
        %dma_start3A_328 = tpu.memref_slice %arg8[%dma_start3A_326, %dma_start3A_327] : memref<64x640xf32, #tpu.memory_space<vmem>> -> memref<8x640xf32, #tpu.memory_space<vmem>>
        %dma_start3A_329 = arith.constant 24 : i32
        %dma_start3A_330 = tpu.memref_slice %arg2[%dma_start3A_329, %multiple_of3A_290] : memref<64x500001xf32, #tpu.memory_space<hbm>> -> memref<8x640xf32, #tpu.memory_space<hbm>>
        tpu.enqueue_dma source(%dma_start3A_330 : memref<8x640xf32, #tpu.memory_space<hbm>>) target(%dma_start3A_328 : memref<8x640xf32, #tpu.memory_space<vmem>>) target_semaphore(%arg14 : memref<!tpu.dma_semaphore, #tpu.memory_space<semaphore_mem>>)
        %dma_start3A_331 = arith.constant 32 : i32
        %dma_start3A_332 = arith.constant 0 : i32
        %dma_start3A_333 = tpu.memref_slice %arg8[%dma_start3A_331, %dma_start3A_332] : memref<64x640xf32, #tpu.memory_space<vmem>> -> memref<8x640xf32, #tpu.memory_space<vmem>>
        %dma_start3A_334 = arith.constant 32 : i32
        %dma_start3A_335 = tpu.memref_slice %arg2[%dma_start3A_334, %multiple_of3A_290] : memref<64x500001xf32, #tpu.memory_space<hbm>> -> memref<8x640xf32, #tpu.memory_space<hbm>>
        %dma_start3A_336 = arith.constant 32 : i32
        %dma_start3A_337 = arith.constant 0 : i32
        %dma_start3A_338 = tpu.memref_slice %arg8[%dma_start3A_336, %dma_start3A_337] : memref<64x640xf32, #tpu.memory_space<vmem>> -> memref<8x640xf32, #tpu.memory_space<vmem>>
        %dma_start3A_339 = arith.constant 32 : i32
        %dma_start3A_340 = tpu.memref_slice %arg2[%dma_start3A_339, %multiple_of3A_290] : memref<64x500001xf32, #tpu.memory_space<hbm>> -> memref<8x640xf32, #tpu.memory_space<hbm>>
        tpu.enqueue_dma source(%dma_start3A_340 : memref<8x640xf32, #tpu.memory_space<hbm>>) target(%dma_start3A_338 : memref<8x640xf32, #tpu.memory_space<vmem>>) target_semaphore(%arg14 : memref<!tpu.dma_semaphore, #tpu.memory_space<semaphore_mem>>)
        %dma_start3A_341 = arith.constant 40 : i32
        %dma_start3A_342 = arith.constant 0 : i32
        %dma_start3A_343 = tpu.memref_slice %arg8[%dma_start3A_341, %dma_start3A_342] : memref<64x640xf32, #tpu.memory_space<vmem>> -> memref<8x640xf32, #tpu.memory_space<vmem>>
        %dma_start3A_344 = arith.constant 40 : i32
        %dma_start3A_345 = tpu.memref_slice %arg2[%dma_start3A_344, %multiple_of3A_290] : memref<64x500001xf32, #tpu.memory_space<hbm>> -> memref<8x640xf32, #tpu.memory_space<hbm>>
        %dma_start3A_346 = arith.constant 40 : i32
        %dma_start3A_347 = arith.constant 0 : i32
        %dma_start3A_348 = tpu.memref_slice %arg8[%dma_start3A_346, %dma_start3A_347] : memref<64x640xf32, #tpu.memory_space<vmem>> -> memref<8x640xf32, #tpu.memory_space<vmem>>
        %dma_start3A_349 = arith.constant 40 : i32
        %dma_start3A_350 = tpu.memref_slice %arg2[%dma_start3A_349, %multiple_of3A_290] : memref<64x500001xf32, #tpu.memory_space<hbm>> -> memref<8x640xf32, #tpu.memory_space<hbm>>
        tpu.enqueue_dma source(%dma_start3A_350 : memref<8x640xf32, #tpu.memory_space<hbm>>) target(%dma_start3A_348 : memref<8x640xf32, #tpu.memory_space<vmem>>) target_semaphore(%arg14 : memref<!tpu.dma_semaphore, #tpu.memory_space<semaphore_mem>>)
        %dma_start3A_351 = arith.constant 48 : i32
        %dma_start3A_352 = arith.constant 0 : i32
        %dma_start3A_353 = tpu.memref_slice %arg8[%dma_start3A_351, %dma_start3A_352] : memref<64x640xf32, #tpu.memory_space<vmem>> -> memref<8x640xf32, #tpu.memory_space<vmem>>
        %dma_start3A_354 = arith.constant 48 : i32
        %dma_start3A_355 = tpu.memref_slice %arg2[%dma_start3A_354, %multiple_of3A_290] : memref<64x500001xf32, #tpu.memory_space<hbm>> -> memref<8x640xf32, #tpu.memory_space<hbm>>
        %dma_start3A_356 = arith.constant 48 : i32
        %dma_start3A_357 = arith.constant 0 : i32
        %dma_start3A_358 = tpu.memref_slice %arg8[%dma_start3A_356, %dma_start3A_357] : memref<64x640xf32, #tpu.memory_space<vmem>> -> memref<8x640xf32, #tpu.memory_space<vmem>>
        %dma_start3A_359 = arith.constant 48 : i32
        %dma_start3A_360 = tpu.memref_slice %arg2[%dma_start3A_359, %multiple_of3A_290] : memref<64x500001xf32, #tpu.memory_space<hbm>> -> memref<8x640xf32, #tpu.memory_space<hbm>>
        tpu.enqueue_dma source(%dma_start3A_360 : memref<8x640xf32, #tpu.memory_space<hbm>>) target(%dma_start3A_358 : memref<8x640xf32, #tpu.memory_space<vmem>>) target_semaphore(%arg14 : memref<!tpu.dma_semaphore, #tpu.memory_space<semaphore_mem>>)
        %dma_start3A_361 = arith.constant 56 : i32
        %dma_start3A_362 = arith.constant 0 : i32
        %dma_start3A_363 = tpu.memref_slice %arg8[%dma_start3A_361, %dma_start3A_362] : memref<64x640xf32, #tpu.memory_space<vmem>> -> memref<8x640xf32, #tpu.memory_space<vmem>>
        %dma_start3A_364 = arith.constant 56 : i32
        %dma_start3A_365 = tpu.memref_slice %arg2[%dma_start3A_364, %multiple_of3A_290] : memref<64x500001xf32, #tpu.memory_space<hbm>> -> memref<8x640xf32, #tpu.memory_space<hbm>>
        %dma_start3A_366 = arith.constant 56 : i32
        %dma_start3A_367 = arith.constant 0 : i32
        %dma_start3A_368 = tpu.memref_slice %arg8[%dma_start3A_366, %dma_start3A_367] : memref<64x640xf32, #tpu.memory_space<vmem>> -> memref<8x640xf32, #tpu.memory_space<vmem>>
        %dma_start3A_369 = arith.constant 56 : i32
        %dma_start3A_370 = tpu.memref_slice %arg2[%dma_start3A_369, %multiple_of3A_290] : memref<64x500001xf32, #tpu.memory_space<hbm>> -> memref<8x640xf32, #tpu.memory_space<hbm>>
        tpu.enqueue_dma source(%dma_start3A_370 : memref<8x640xf32, #tpu.memory_space<hbm>>) target(%dma_start3A_368 : memref<8x640xf32, #tpu.memory_space<vmem>>) target_semaphore(%arg14 : memref<!tpu.dma_semaphore, #tpu.memory_space<semaphore_mem>>)
      } else {
      }
      %mul3A_257 = arith.constant 640 : i32
      %mul3A_258 = arith.muli %mul3A_156, %mul3A_257 : i32
      %add3A_259 = arith.addi %mul3A_6, %mul3A_258 : i32
      %add3A_260 = arith.constant 640 : i32
      %add3A_261 = arith.addi %add3A_259, %add3A_260 : i32
      %min3A_262 = arith.minsi %add3A_261, %min3A_9 : i32
      %mul3A_263 = arith.constant 640 : i32
      %mul3A_264 = arith.muli %mul3A_156, %mul3A_263 : i32
      %add3A_265 = arith.addi %mul3A_6, %mul3A_264 : i32
      %min3A_266 = arith.constant 499456 : i32
      %min3A_267 = arith.minsi %add3A_265, %min3A_266 : i32
      %multiple_of3A_268 = tpu.assume_multiple %min3A_267, 128 : i32
      %while3A = arith.constant 0 : i32
      %while3A_269 = arith.constant 0 : i32
      %while3A_270:2 = scf.while (%while3A_283 = %while3A, %while3A_284 = %while3A_269) : (i32, i32) -> (i32, i32) {
        %lt3A_285 = arith.cmpi slt, %while3A_283, %select_n3A : i32
        scf.condition(%lt3A_285) %while3A_283, %while3A_284 : i32, i32
      } do {
      ^bb0(%while3A_283: i32, %while3A_284: i32):
        %mul3A_285 = arith.constant 16 : i32
        %mul3A_286 = arith.muli %while3A_283, %mul3A_285 : i32
        %multiple_of3A_287 = tpu.assume_multiple %mul3A_286, 16 : i32
        %get3A = arith.index_cast %multiple_of3A_287 : i32 to index
        %get3A_288 = tpu.vector_load %arg6[%get3A] {strides = array<i32>} : memref<16400xi32, #tpu.memory_space<vmem>>, vector<16xi32>,
        %mul3A_289 = arith.constant 16 : i32
        %mul3A_290 = arith.muli %while3A_283, %mul3A_289 : i32
        %add3A_291 = vector.broadcast %mul3A_290 : i32 to vector<16xi32>
        %add3A_292 = arith.addi %iota3A, %add3A_291 : vector<16xi32>
        %lt3A_293 = vector.broadcast %reduce_max3A_24 : i32 to vector<16xi32>
        %lt3A_294 = arith.cmpi slt, %add3A_292, %lt3A_293 : vector<16xi32>
        %gather3A = tpu.vector_load_idx %arg5[%get3A_288] masked %lt3A_294 : memref<16384xi32, #tpu.memory_space<vmem>>[vector<16xi32>], vector<16xi32>, vector<16xi1>
        %ge3A = vector.broadcast %add3A_259 : i32 to vector<16xi32>
        %ge3A_295 = arith.cmpi sge, %gather3A, %ge3A : vector<16xi32>
        %and3A_296 = arith.andi %lt3A_294, %ge3A_295 : vector<16xi1>
        %lt3A_297 = vector.broadcast %min3A_262 : i32 to vector<16xi32>
        %lt3A_298 = arith.cmpi slt, %gather3A, %lt3A_297 : vector<16xi32>
        %and3A_299 = arith.andi %and3A_296, %lt3A_298 : vector<16xi1>
        %convert_element_type3A_300 = arith.extui %and3A_299 : vector<16xi1> to vector<16xi32>
        %broadcast_in_dim3A_301 = arith.constant true
        %broadcast_in_dim3A_302 = vector.broadcast %broadcast_in_dim3A_301 : i1 to vector<16xi1>
        %masked_cumsum3A = tpu.scan <sum>, %convert_element_type3A_300 masked %broadcast_in_dim3A_302 : vector<16xi32>, vector<16xi1> -> vector<16xi32>
        %add3A_303 = vector.broadcast %while3A_284 : i32 to vector<16xi32>
        %add3A_304 = arith.addi %add3A_303, %masked_cumsum3A : vector<16xi32>
        %sub3A_305 = arith.subi %add3A_304, %convert_element_type3A_300 : vector<16xi32>
        tpu.vector_store_idx %arg10[%sub3A_305], %get3A_288 masked %and3A_299 : memref<48xi32, #tpu.memory_space<vmem>>[vector<16xi32>], vector<16xi32>, vector<16xi1>
        %sub3A_306 = vector.broadcast %multiple_of3A_268 : i32 to vector<16xi32>
        %sub3A_307 = arith.subi %gather3A, %sub3A_306 : vector<16xi32>
        tpu.vector_store_idx %arg11[%sub3A_305], %sub3A_307 masked %and3A_299 : memref<48xi32, #tpu.memory_space<vmem>>[vector<16xi32>], vector<16xi32>, vector<16xi1>
        %reduce_sum3A = arith.constant true
        %reduce_sum3A_308 = vector.broadcast %reduce_sum3A : i1 to vector<16xi1>
        %reduce_sum3A_309 = tpu.scan <sum>, %convert_element_type3A_300 masked %reduce_sum3A_308 : vector<16xi32>, vector<16xi1> -> vector<16xi32>
        %reduce_sum3A_310 = vector.extract %reduce_sum3A_309[15] : i32 from vector<16xi32>
        %add3A_311 = arith.addi %while3A_284, %reduce_sum3A_310 : i32
        %gt3A_312 = arith.constant 16 : i32
        %gt3A_313 = arith.cmpi sgt, %add3A_311, %gt3A_312 : i32
        %convert_element_type3A_314 = arith.extui %gt3A_313 : i1 to i32
        %cond3A_315 = arith.constant 0 : i32
        %cond3A_316 = arith.cmpi ne, %convert_element_type3A_314, %cond3A_315 : i32
        scf.if %cond3A_316 {
          %dma_wait3A_323 = arith.constant 0 : i32
          %dma_wait3A_324 = arith.constant 0 : i32
          %dma_wait3A_325 = tpu.memref_slice %arg4[%dma_wait3A_323, %dma_wait3A_324] : memref<17408x128xf32, #tpu.memory_space<hbm>> -> memref<17408x128xf32, #tpu.memory_space<hbm>>
          tpu.wait_indirect_dma semaphore(%arg15 : memref<!tpu.dma_semaphore, #tpu.memory_space<semaphore_mem>>) src(%arg9 : memref<32x128xf32, #tpu.memory_space<vmem>>) dst(%dma_wait3A_325 : memref<17408x128xf32, #tpu.memory_space<hbm>>)
          %add3A_326 = vector.broadcast %add3A_4 : i32 to vector<16xi32>
          %add3A_327 = arith.addi %add3A_326, %iota3A : vector<16xi32>
          %add3A_328 = arith.constant 0 : i32
          %add3A_329 = vector.broadcast %add3A_328 : i32 to vector<16xi32>
          %add3A_330 = arith.addi %add3A_327, %add3A_329 : vector<16xi32>
          %swap3A_331 = arith.constant 0 : index
          %swap3A_332 = tpu.vector_load %arg12[%swap3A_331] {strides = array<i32>} : memref<32xi32, #tpu.memory_space<vmem>>, vector<16xi32>,
          tpu.vector_store %arg12[%swap3A_331], %add3A_330 {strides = array<i32>} : memref<32xi32, #tpu.memory_space<vmem>>, vector<16xi32>,
          %add3A_333 = vector.broadcast %add3A_4 : i32 to vector<16xi32>
          %add3A_334 = arith.addi %add3A_333, %iota3A : vector<16xi32>
          %add3A_335 = arith.constant 16 : i32
          %add3A_336 = vector.broadcast %add3A_335 : i32 to vector<16xi32>
          %add3A_337 = arith.addi %add3A_334, %add3A_336 : vector<16xi32>
          %swap3A_338 = arith.constant 16 : index
          %swap3A_339 = tpu.vector_load %arg12[%swap3A_338] {strides = array<i32>} : memref<32xi32, #tpu.memory_space<vmem>>, vector<16xi32>,
          tpu.vector_store %arg12[%swap3A_338], %add3A_337 {strides = array<i32>} : memref<32xi32, #tpu.memory_space<vmem>>, vector<16xi32>,
          %gt3A_340 = arith.constant 0 : i32
          %gt3A_341 = arith.cmpi sgt, %add3A_311, %gt3A_340 : i32
          %convert_element_type3A_342 = arith.extui %gt3A_341 : i1 to i32
          %cond3A_343 = arith.constant 0 : i32
          %cond3A_344 = arith.cmpi ne, %convert_element_type3A_342, %cond3A_343 : i32
          scf.if %cond3A_344 {
            %get3A_353 = arith.constant 0 : index
            %get3A_354 = tpu.vector_load %arg11[%get3A_353] {strides = array<i32>} : memref<48xi32, #tpu.memory_space<vmem>>, vector<16xi32>,
            %get3A_355 = arith.constant 0 : index
            %get3A_356 = tpu.vector_load %arg10[%get3A_355] {strides = array<i32>} : memref<48xi32, #tpu.memory_space<vmem>>, vector<16xi32>,
            %add3A_357 = arith.constant 0 : i32
            %add3A_358 = vector.broadcast %add3A_357 : i32 to vector<16xi32>
            %add3A_359 = arith.addi %iota3A, %add3A_358 : vector<16xi32>
            %lt3A_360 = vector.broadcast %add3A_311 : i32 to vector<16xi32>
            %lt3A_361 = arith.cmpi slt, %add3A_359, %lt3A_360 : vector<16xi32>
            %add3A_362 = arith.constant 0 : i32
            %add3A_363 = vector.broadcast %add3A_362 : i32 to vector<16xi32>
            %add3A_364 = arith.addi %iota3A, %add3A_363 : vector<16xi32>
            %scan3A_365 = arith.constant 0 : i32
            %scan3A_366 = arith.constant 0 : i32
            %scan3A_367 = arith.constant 64 : i32
            %scan3A_368 = arith.addi %scan3A_366, %scan3A_367 : i32
            %scan3A_369 = arith.constant 8 : i32
            %scan3A_370 = scf.for %scan3A_372 = %scan3A_366 to %scan3A_368 step %scan3A_369 iter_args(%scan3A_373 = %scan3A_365) -> (i32)  : i32 {
              %broadcast_in_dim3A_374 = arith.constant 1 : i32
              %broadcast_in_dim3A_375 = vector.broadcast %broadcast_in_dim3A_374 : i32 to vector<16xi32>
              %mul3A_376 = vector.broadcast %scan3A_372 : i32 to vector<16xi32>
              %mul3A_377 = arith.muli %broadcast_in_dim3A_375, %mul3A_376 : vector<16xi32>
              %gather3A_378 = tpu.vector_load_idx %arg7[%mul3A_377, %get3A_354] masked %lt3A_361 : memref<64x640xf32, #tpu.memory_space<vmem>>[vector<16xi32>, vector<16xi32>], vector<16xf32>, vector<16xi1>
              tpu.vector_store_idx %arg9[%add3A_364, %mul3A_377], %gather3A_378 masked %lt3A_361 : memref<32x128xf32, #tpu.memory_space<vmem>>[vector<16xi32>, vector<16xi32>], vector<16xf32>, vector<16xi1>
              %scan3A_379 = arith.constant 0 : i32
              %scan3A_380 = arith.constant 1 : i32
              %scan3A_381 = arith.addi %scan3A_372, %scan3A_380 : i32
              %broadcast_in_dim3A_382 = arith.constant 1 : i32
              %broadcast_in_dim3A_383 = vector.broadcast %broadcast_in_dim3A_382 : i32 to vector<16xi32>
              %mul3A_384 = vector.broadcast %scan3A_381 : i32 to vector<16xi32>
              %mul3A_385 = arith.muli %broadcast_in_dim3A_383, %mul3A_384 : vector<16xi32>
              %gather3A_386 = tpu.vector_load_idx %arg7[%mul3A_385, %get3A_354] masked %lt3A_361 : memref<64x640xf32, #tpu.memory_space<vmem>>[vector<16xi32>, vector<16xi32>], vector<16xf32>, vector<16xi1>
              tpu.vector_store_idx %arg9[%add3A_364, %mul3A_385], %gather3A_386 masked %lt3A_361 : memref<32x128xf32, #tpu.memory_space<vmem>>[vector<16xi32>, vector<16xi32>], vector<16xf32>, vector<16xi1>
              %scan3A_387 = arith.constant 0 : i32
              %scan3A_388 = arith.constant 2 : i32
              %scan3A_389 = arith.addi %scan3A_372, %scan3A_388 : i32
              %broadcast_in_dim3A_390 = arith.constant 1 : i32
              %broadcast_in_dim3A_391 = vector.broadcast %broadcast_in_dim3A_390 : i32 to vector<16xi32>
              %mul3A_392 = vector.broadcast %scan3A_389 : i32 to vector<16xi32>
              %mul3A_393 = arith.muli %broadcast_in_dim3A_391, %mul3A_392 : vector<16xi32>
              %gather3A_394 = tpu.vector_load_idx %arg7[%mul3A_393, %get3A_354] masked %lt3A_361 : memref<64x640xf32, #tpu.memory_space<vmem>>[vector<16xi32>, vector<16xi32>], vector<16xf32>, vector<16xi1>
              tpu.vector_store_idx %arg9[%add3A_364, %mul3A_393], %gather3A_394 masked %lt3A_361 : memref<32x128xf32, #tpu.memory_space<vmem>>[vector<16xi32>, vector<16xi32>], vector<16xf32>, vector<16xi1>
              %scan3A_395 = arith.constant 0 : i32
              %scan3A_396 = arith.constant 3 : i32
              %scan3A_397 = arith.addi %scan3A_372, %scan3A_396 : i32
              %broadcast_in_dim3A_398 = arith.constant 1 : i32
              %broadcast_in_dim3A_399 = vector.broadcast %broadcast_in_dim3A_398 : i32 to vector<16xi32>
              %mul3A_400 = vector.broadcast %scan3A_397 : i32 to vector<16xi32>
              %mul3A_401 = arith.muli %broadcast_in_dim3A_399, %mul3A_400 : vector<16xi32>
              %gather3A_402 = tpu.vector_load_idx %arg7[%mul3A_401, %get3A_354] masked %lt3A_361 : memref<64x640xf32, #tpu.memory_space<vmem>>[vector<16xi32>, vector<16xi32>], vector<16xf32>, vector<16xi1>
              tpu.vector_store_idx %arg9[%add3A_364, %mul3A_401], %gather3A_402 masked %lt3A_361 : memref<32x128xf32, #tpu.memory_space<vmem>>[vector<16xi32>, vector<16xi32>], vector<16xf32>, vector<16xi1>
              %scan3A_403 = arith.constant 0 : i32
              %scan3A_404 = arith.constant 4 : i32
              %scan3A_405 = arith.addi %scan3A_372, %scan3A_404 : i32
              %broadcast_in_dim3A_406 = arith.constant 1 : i32
              %broadcast_in_dim3A_407 = vector.broadcast %broadcast_in_dim3A_406 : i32 to vector<16xi32>
              %mul3A_408 = vector.broadcast %scan3A_405 : i32 to vector<16xi32>
              %mul3A_409 = arith.muli %broadcast_in_dim3A_407, %mul3A_408 : vector<16xi32>
              %gather3A_410 = tpu.vector_load_idx %arg7[%mul3A_409, %get3A_354] masked %lt3A_361 : memref<64x640xf32, #tpu.memory_space<vmem>>[vector<16xi32>, vector<16xi32>], vector<16xf32>, vector<16xi1>
              tpu.vector_store_idx %arg9[%add3A_364, %mul3A_409], %gather3A_410 masked %lt3A_361 : memref<32x128xf32, #tpu.memory_space<vmem>>[vector<16xi32>, vector<16xi32>], vector<16xf32>, vector<16xi1>
              %scan3A_411 = arith.constant 0 : i32
              %scan3A_412 = arith.constant 5 : i32
              %scan3A_413 = arith.addi %scan3A_372, %scan3A_412 : i32
              %broadcast_in_dim3A_414 = arith.constant 1 : i32
              %broadcast_in_dim3A_415 = vector.broadcast %broadcast_in_dim3A_414 : i32 to vector<16xi32>
              %mul3A_416 = vector.broadcast %scan3A_413 : i32 to vector<16xi32>
              %mul3A_417 = arith.muli %broadcast_in_dim3A_415, %mul3A_416 : vector<16xi32>
              %gather3A_418 = tpu.vector_load_idx %arg7[%mul3A_417, %get3A_354] masked %lt3A_361 : memref<64x640xf32, #tpu.memory_space<vmem>>[vector<16xi32>, vector<16xi32>], vector<16xf32>, vector<16xi1>
              tpu.vector_store_idx %arg9[%add3A_364, %mul3A_417], %gather3A_418 masked %lt3A_361 : memref<32x128xf32, #tpu.memory_space<vmem>>[vector<16xi32>, vector<16xi32>], vector<16xf32>, vector<16xi1>
              %scan3A_419 = arith.constant 0 : i32
              %scan3A_420 = arith.constant 6 : i32
              %scan3A_421 = arith.addi %scan3A_372, %scan3A_420 : i32
              %broadcast_in_dim3A_422 = arith.constant 1 : i32
              %broadcast_in_dim3A_423 = vector.broadcast %broadcast_in_dim3A_422 : i32 to vector<16xi32>
              %mul3A_424 = vector.broadcast %scan3A_421 : i32 to vector<16xi32>
              %mul3A_425 = arith.muli %broadcast_in_dim3A_423, %mul3A_424 : vector<16xi32>
              %gather3A_426 = tpu.vector_load_idx %arg7[%mul3A_425, %get3A_354] masked %lt3A_361 : memref<64x640xf32, #tpu.memory_space<vmem>>[vector<16xi32>, vector<16xi32>], vector<16xf32>, vector<16xi1>
              tpu.vector_store_idx %arg9[%add3A_364, %mul3A_425], %gather3A_426 masked %lt3A_361 : memref<32x128xf32, #tpu.memory_space<vmem>>[vector<16xi32>, vector<16xi32>], vector<16xf32>, vector<16xi1>
              %scan3A_427 = arith.constant 0 : i32
              %scan3A_428 = arith.constant 7 : i32
              %scan3A_429 = arith.addi %scan3A_372, %scan3A_428 : i32
              %broadcast_in_dim3A_430 = arith.constant 1 : i32
              %broadcast_in_dim3A_431 = vector.broadcast %broadcast_in_dim3A_430 : i32 to vector<16xi32>
              %mul3A_432 = vector.broadcast %scan3A_429 : i32 to vector<16xi32>
              %mul3A_433 = arith.muli %broadcast_in_dim3A_431, %mul3A_432 : vector<16xi32>
              %gather3A_434 = tpu.vector_load_idx %arg7[%mul3A_433, %get3A_354] masked %lt3A_361 : memref<64x640xf32, #tpu.memory_space<vmem>>[vector<16xi32>, vector<16xi32>], vector<16xf32>, vector<16xi1>
              tpu.vector_store_idx %arg9[%add3A_364, %mul3A_433], %gather3A_434 masked %lt3A_361 : memref<32x128xf32, #tpu.memory_space<vmem>>[vector<16xi32>, vector<16xi32>], vector<16xf32>, vector<16xi1>
              %scan3A_435 = arith.constant 0 : i32
              scf.yield %scan3A_435 : i32
            }
            %scan3A_371 = arith.constant 64 : i32
            tpu.vector_store_idx %arg12[%add3A_364], %get3A_356 masked %lt3A_361 : memref<32xi32, #tpu.memory_space<vmem>>[vector<16xi32>], vector<16xi32>, vector<16xi1>
          } else {
          }
          %gt3A_345 = arith.constant 16 : i32
          %gt3A_346 = arith.cmpi sgt, %add3A_311, %gt3A_345 : i32
          %convert_element_type3A_347 = arith.extui %gt3A_346 : i1 to i32
          %cond3A_348 = arith.constant 0 : i32
          %cond3A_349 = arith.cmpi ne, %convert_element_type3A_347, %cond3A_348 : i32
          scf.if %cond3A_349 {
            %get3A_353 = arith.constant 16 : index
            %get3A_354 = tpu.vector_load %arg11[%get3A_353] {strides = array<i32>} : memref<48xi32, #tpu.memory_space<vmem>>, vector<16xi32>,
            %get3A_355 = arith.constant 16 : index
            %get3A_356 = tpu.vector_load %arg10[%get3A_355] {strides = array<i32>} : memref<48xi32, #tpu.memory_space<vmem>>, vector<16xi32>,
            %add3A_357 = arith.constant 16 : i32
            %add3A_358 = vector.broadcast %add3A_357 : i32 to vector<16xi32>
            %add3A_359 = arith.addi %iota3A, %add3A_358 : vector<16xi32>
            %lt3A_360 = vector.broadcast %add3A_311 : i32 to vector<16xi32>
            %lt3A_361 = arith.cmpi slt, %add3A_359, %lt3A_360 : vector<16xi32>
            %add3A_362 = arith.constant 16 : i32
            %add3A_363 = vector.broadcast %add3A_362 : i32 to vector<16xi32>
            %add3A_364 = arith.addi %iota3A, %add3A_363 : vector<16xi32>
            %scan3A_365 = arith.constant 0 : i32
            %scan3A_366 = arith.constant 0 : i32
            %scan3A_367 = arith.constant 64 : i32
            %scan3A_368 = arith.addi %scan3A_366, %scan3A_367 : i32
            %scan3A_369 = arith.constant 8 : i32
            %scan3A_370 = scf.for %scan3A_372 = %scan3A_366 to %scan3A_368 step %scan3A_369 iter_args(%scan3A_373 = %scan3A_365) -> (i32)  : i32 {
              %broadcast_in_dim3A_374 = arith.constant 1 : i32
              %broadcast_in_dim3A_375 = vector.broadcast %broadcast_in_dim3A_374 : i32 to vector<16xi32>
              %mul3A_376 = vector.broadcast %scan3A_372 : i32 to vector<16xi32>
              %mul3A_377 = arith.muli %broadcast_in_dim3A_375, %mul3A_376 : vector<16xi32>
              %gather3A_378 = tpu.vector_load_idx %arg7[%mul3A_377, %get3A_354] masked %lt3A_361 : memref<64x640xf32, #tpu.memory_space<vmem>>[vector<16xi32>, vector<16xi32>], vector<16xf32>, vector<16xi1>
              tpu.vector_store_idx %arg9[%add3A_364, %mul3A_377], %gather3A_378 masked %lt3A_361 : memref<32x128xf32, #tpu.memory_space<vmem>>[vector<16xi32>, vector<16xi32>], vector<16xf32>, vector<16xi1>
              %scan3A_379 = arith.constant 0 : i32
              %scan3A_380 = arith.constant 1 : i32
              %scan3A_381 = arith.addi %scan3A_372, %scan3A_380 : i32
              %broadcast_in_dim3A_382 = arith.constant 1 : i32
              %broadcast_in_dim3A_383 = vector.broadcast %broadcast_in_dim3A_382 : i32 to vector<16xi32>
              %mul3A_384 = vector.broadcast %scan3A_381 : i32 to vector<16xi32>
              %mul3A_385 = arith.muli %broadcast_in_dim3A_383, %mul3A_384 : vector<16xi32>
              %gather3A_386 = tpu.vector_load_idx %arg7[%mul3A_385, %get3A_354] masked %lt3A_361 : memref<64x640xf32, #tpu.memory_space<vmem>>[vector<16xi32>, vector<16xi32>], vector<16xf32>, vector<16xi1>
              tpu.vector_store_idx %arg9[%add3A_364, %mul3A_385], %gather3A_386 masked %lt3A_361 : memref<32x128xf32, #tpu.memory_space<vmem>>[vector<16xi32>, vector<16xi32>], vector<16xf32>, vector<16xi1>
              %scan3A_387 = arith.constant 0 : i32
              %scan3A_388 = arith.constant 2 : i32
              %scan3A_389 = arith.addi %scan3A_372, %scan3A_388 : i32
              %broadcast_in_dim3A_390 = arith.constant 1 : i32
              %broadcast_in_dim3A_391 = vector.broadcast %broadcast_in_dim3A_390 : i32 to vector<16xi32>
              %mul3A_392 = vector.broadcast %scan3A_389 : i32 to vector<16xi32>
              %mul3A_393 = arith.muli %broadcast_in_dim3A_391, %mul3A_392 : vector<16xi32>
              %gather3A_394 = tpu.vector_load_idx %arg7[%mul3A_393, %get3A_354] masked %lt3A_361 : memref<64x640xf32, #tpu.memory_space<vmem>>[vector<16xi32>, vector<16xi32>], vector<16xf32>, vector<16xi1>
              tpu.vector_store_idx %arg9[%add3A_364, %mul3A_393], %gather3A_394 masked %lt3A_361 : memref<32x128xf32, #tpu.memory_space<vmem>>[vector<16xi32>, vector<16xi32>], vector<16xf32>, vector<16xi1>
              %scan3A_395 = arith.constant 0 : i32
              %scan3A_396 = arith.constant 3 : i32
              %scan3A_397 = arith.addi %scan3A_372, %scan3A_396 : i32
              %broadcast_in_dim3A_398 = arith.constant 1 : i32
              %broadcast_in_dim3A_399 = vector.broadcast %broadcast_in_dim3A_398 : i32 to vector<16xi32>
              %mul3A_400 = vector.broadcast %scan3A_397 : i32 to vector<16xi32>
              %mul3A_401 = arith.muli %broadcast_in_dim3A_399, %mul3A_400 : vector<16xi32>
              %gather3A_402 = tpu.vector_load_idx %arg7[%mul3A_401, %get3A_354] masked %lt3A_361 : memref<64x640xf32, #tpu.memory_space<vmem>>[vector<16xi32>, vector<16xi32>], vector<16xf32>, vector<16xi1>
              tpu.vector_store_idx %arg9[%add3A_364, %mul3A_401], %gather3A_402 masked %lt3A_361 : memref<32x128xf32, #tpu.memory_space<vmem>>[vector<16xi32>, vector<16xi32>], vector<16xf32>, vector<16xi1>
              %scan3A_403 = arith.constant 0 : i32
              %scan3A_404 = arith.constant 4 : i32
              %scan3A_405 = arith.addi %scan3A_372, %scan3A_404 : i32
              %broadcast_in_dim3A_406 = arith.constant 1 : i32
              %broadcast_in_dim3A_407 = vector.broadcast %broadcast_in_dim3A_406 : i32 to vector<16xi32>
              %mul3A_408 = vector.broadcast %scan3A_405 : i32 to vector<16xi32>
              %mul3A_409 = arith.muli %broadcast_in_dim3A_407, %mul3A_408 : vector<16xi32>
              %gather3A_410 = tpu.vector_load_idx %arg7[%mul3A_409, %get3A_354] masked %lt3A_361 : memref<64x640xf32, #tpu.memory_space<vmem>>[vector<16xi32>, vector<16xi32>], vector<16xf32>, vector<16xi1>
              tpu.vector_store_idx %arg9[%add3A_364, %mul3A_409], %gather3A_410 masked %lt3A_361 : memref<32x128xf32, #tpu.memory_space<vmem>>[vector<16xi32>, vector<16xi32>], vector<16xf32>, vector<16xi1>
              %scan3A_411 = arith.constant 0 : i32
              %scan3A_412 = arith.constant 5 : i32
              %scan3A_413 = arith.addi %scan3A_372, %scan3A_412 : i32
              %broadcast_in_dim3A_414 = arith.constant 1 : i32
              %broadcast_in_dim3A_415 = vector.broadcast %broadcast_in_dim3A_414 : i32 to vector<16xi32>
              %mul3A_416 = vector.broadcast %scan3A_413 : i32 to vector<16xi32>
              %mul3A_417 = arith.muli %broadcast_in_dim3A_415, %mul3A_416 : vector<16xi32>
              %gather3A_418 = tpu.vector_load_idx %arg7[%mul3A_417, %get3A_354] masked %lt3A_361 : memref<64x640xf32, #tpu.memory_space<vmem>>[vector<16xi32>, vector<16xi32>], vector<16xf32>, vector<16xi1>
              tpu.vector_store_idx %arg9[%add3A_364, %mul3A_417], %gather3A_418 masked %lt3A_361 : memref<32x128xf32, #tpu.memory_space<vmem>>[vector<16xi32>, vector<16xi32>], vector<16xf32>, vector<16xi1>
              %scan3A_419 = arith.constant 0 : i32
              %scan3A_420 = arith.constant 6 : i32
              %scan3A_421 = arith.addi %scan3A_372, %scan3A_420 : i32
              %broadcast_in_dim3A_422 = arith.constant 1 : i32
              %broadcast_in_dim3A_423 = vector.broadcast %broadcast_in_dim3A_422 : i32 to vector<16xi32>
              %mul3A_424 = vector.broadcast %scan3A_421 : i32 to vector<16xi32>
              %mul3A_425 = arith.muli %broadcast_in_dim3A_423, %mul3A_424 : vector<16xi32>
              %gather3A_426 = tpu.vector_load_idx %arg7[%mul3A_425, %get3A_354] masked %lt3A_361 : memref<64x640xf32, #tpu.memory_space<vmem>>[vector<16xi32>, vector<16xi32>], vector<16xf32>, vector<16xi1>
              tpu.vector_store_idx %arg9[%add3A_364, %mul3A_425], %gather3A_426 masked %lt3A_361 : memref<32x128xf32, #tpu.memory_space<vmem>>[vector<16xi32>, vector<16xi32>], vector<16xf32>, vector<16xi1>
              %scan3A_427 = arith.constant 0 : i32
              %scan3A_428 = arith.constant 7 : i32
              %scan3A_429 = arith.addi %scan3A_372, %scan3A_428 : i32
              %broadcast_in_dim3A_430 = arith.constant 1 : i32
              %broadcast_in_dim3A_431 = vector.broadcast %broadcast_in_dim3A_430 : i32 to vector<16xi32>
              %mul3A_432 = vector.broadcast %scan3A_429 : i32 to vector<16xi32>
              %mul3A_433 = arith.muli %broadcast_in_dim3A_431, %mul3A_432 : vector<16xi32>
              %gather3A_434 = tpu.vector_load_idx %arg7[%mul3A_433, %get3A_354] masked %lt3A_361 : memref<64x640xf32, #tpu.memory_space<vmem>>[vector<16xi32>, vector<16xi32>], vector<16xf32>, vector<16xi1>
              tpu.vector_store_idx %arg9[%add3A_364, %mul3A_433], %gather3A_434 masked %lt3A_361 : memref<32x128xf32, #tpu.memory_space<vmem>>[vector<16xi32>, vector<16xi32>], vector<16xf32>, vector<16xi1>
              %scan3A_435 = arith.constant 0 : i32
              scf.yield %scan3A_435 : i32
            }
            %scan3A_371 = arith.constant 64 : i32
            tpu.vector_store_idx %arg12[%add3A_364], %get3A_356 masked %lt3A_361 : memref<32xi32, #tpu.memory_space<vmem>>[vector<16xi32>], vector<16xi32>, vector<16xi1>
          } else {
          }
          %dma_start3A_350 = arith.constant 0 : i32
          %dma_start3A_351 = arith.constant 0 : i32
          %dma_start3A_352 = tpu.memref_slice %arg4[%dma_start3A_350, %dma_start3A_351] : memref<17408x128xf32, #tpu.memory_space<hbm>> -> memref<17408x128xf32, #tpu.memory_space<hbm>>
          tpu.enqueue_indirect_dma source(%arg9 : memref<32x128xf32, #tpu.memory_space<vmem>>) target(%dma_start3A_352 : memref<17408x128xf32, #tpu.memory_space<hbm>>) offsets(%arg12 : memref<32xi32, #tpu.memory_space<vmem>>) semaphore(%arg15 : memref<!tpu.dma_semaphore, #tpu.memory_space<semaphore_mem>>)
        } else {
        }
        %add3A_317 = arith.constant 1 : i32
        %add3A_318 = arith.addi %while3A_283, %add3A_317 : i32
        %gt3A_319 = arith.constant 16 : i32
        %gt3A_320 = arith.cmpi sgt, %add3A_311, %gt3A_319 : i32
        %jit3A_321 = arith.constant 0 : i32
        %select_n3A_322 = arith.select %gt3A_320, %jit3A_321, %add3A_311 : i32
        scf.yield %add3A_318, %select_n3A_322 : i32, i32
      }
      %gt3A = arith.constant 0 : i32
      %gt3A_271 = arith.cmpi sgt, %while3A_270#1, %gt3A : i32
      %convert_element_type3A_272 = arith.extui %gt3A_271 : i1 to i32
      %cond3A_273 = arith.constant 0 : i32
      %cond3A_274 = arith.cmpi ne, %convert_element_type3A_272, %cond3A_273 : i32
      scf.if %cond3A_274 {
        %dma_wait3A_283 = arith.constant 0 : i32
        %dma_wait3A_284 = arith.constant 0 : i32
        %dma_wait3A_285 = tpu.memref_slice %arg4[%dma_wait3A_283, %dma_wait3A_284] : memref<17408x128xf32, #tpu.memory_space<hbm>> -> memref<17408x128xf32, #tpu.memory_space<hbm>>
        tpu.wait_indirect_dma semaphore(%arg15 : memref<!tpu.dma_semaphore, #tpu.memory_space<semaphore_mem>>) src(%arg9 : memref<32x128xf32, #tpu.memory_space<vmem>>) dst(%dma_wait3A_285 : memref<17408x128xf32, #tpu.memory_space<hbm>>)
        %add3A_286 = vector.broadcast %add3A_4 : i32 to vector<16xi32>
        %add3A_287 = arith.addi %add3A_286, %iota3A : vector<16xi32>
        %add3A_288 = arith.constant 0 : i32
        %add3A_289 = vector.broadcast %add3A_288 : i32 to vector<16xi32>
        %add3A_290 = arith.addi %add3A_287, %add3A_289 : vector<16xi32>
        %swap3A_291 = arith.constant 0 : index
        %swap3A_292 = tpu.vector_load %arg12[%swap3A_291] {strides = array<i32>} : memref<32xi32, #tpu.memory_space<vmem>>, vector<16xi32>,
        tpu.vector_store %arg12[%swap3A_291], %add3A_290 {strides = array<i32>} : memref<32xi32, #tpu.memory_space<vmem>>, vector<16xi32>,
        %add3A_293 = vector.broadcast %add3A_4 : i32 to vector<16xi32>
        %add3A_294 = arith.addi %add3A_293, %iota3A : vector<16xi32>
        %add3A_295 = arith.constant 16 : i32
        %add3A_296 = vector.broadcast %add3A_295 : i32 to vector<16xi32>
        %add3A_297 = arith.addi %add3A_294, %add3A_296 : vector<16xi32>
        %swap3A_298 = arith.constant 16 : index
        %swap3A_299 = tpu.vector_load %arg12[%swap3A_298] {strides = array<i32>} : memref<32xi32, #tpu.memory_space<vmem>>, vector<16xi32>,
        tpu.vector_store %arg12[%swap3A_298], %add3A_297 {strides = array<i32>} : memref<32xi32, #tpu.memory_space<vmem>>, vector<16xi32>,
        %gt3A_300 = arith.constant 0 : i32
        %gt3A_301 = arith.cmpi sgt, %while3A_270#1, %gt3A_300 : i32
        %convert_element_type3A_302 = arith.extui %gt3A_301 : i1 to i32
        %cond3A_303 = arith.constant 0 : i32
        %cond3A_304 = arith.cmpi ne, %convert_element_type3A_302, %cond3A_303 : i32
        scf.if %cond3A_304 {
          %get3A = arith.constant 0 : index
          %get3A_313 = tpu.vector_load %arg11[%get3A] {strides = array<i32>} : memref<48xi32, #tpu.memory_space<vmem>>, vector<16xi32>,
          %get3A_314 = arith.constant 0 : index
          %get3A_315 = tpu.vector_load %arg10[%get3A_314] {strides = array<i32>} : memref<48xi32, #tpu.memory_space<vmem>>, vector<16xi32>,
          %add3A_316 = arith.constant 0 : i32
          %add3A_317 = vector.broadcast %add3A_316 : i32 to vector<16xi32>
          %add3A_318 = arith.addi %iota3A, %add3A_317 : vector<16xi32>
          %lt3A_319 = vector.broadcast %while3A_270#1 : i32 to vector<16xi32>
          %lt3A_320 = arith.cmpi slt, %add3A_318, %lt3A_319 : vector<16xi32>
          %add3A_321 = arith.constant 0 : i32
          %add3A_322 = vector.broadcast %add3A_321 : i32 to vector<16xi32>
          %add3A_323 = arith.addi %iota3A, %add3A_322 : vector<16xi32>
          %scan3A_324 = arith.constant 0 : i32
          %scan3A_325 = arith.constant 0 : i32
          %scan3A_326 = arith.constant 64 : i32
          %scan3A_327 = arith.addi %scan3A_325, %scan3A_326 : i32
          %scan3A_328 = arith.constant 8 : i32
          %scan3A_329 = scf.for %scan3A_331 = %scan3A_325 to %scan3A_327 step %scan3A_328 iter_args(%scan3A_332 = %scan3A_324) -> (i32)  : i32 {
            %broadcast_in_dim3A_333 = arith.constant 1 : i32
            %broadcast_in_dim3A_334 = vector.broadcast %broadcast_in_dim3A_333 : i32 to vector<16xi32>
            %mul3A_335 = vector.broadcast %scan3A_331 : i32 to vector<16xi32>
            %mul3A_336 = arith.muli %broadcast_in_dim3A_334, %mul3A_335 : vector<16xi32>
            %gather3A = tpu.vector_load_idx %arg7[%mul3A_336, %get3A_313] masked %lt3A_320 : memref<64x640xf32, #tpu.memory_space<vmem>>[vector<16xi32>, vector<16xi32>], vector<16xf32>, vector<16xi1>
            tpu.vector_store_idx %arg9[%add3A_323, %mul3A_336], %gather3A masked %lt3A_320 : memref<32x128xf32, #tpu.memory_space<vmem>>[vector<16xi32>, vector<16xi32>], vector<16xf32>, vector<16xi1>
            %scan3A_337 = arith.constant 0 : i32
            %scan3A_338 = arith.constant 1 : i32
            %scan3A_339 = arith.addi %scan3A_331, %scan3A_338 : i32
            %broadcast_in_dim3A_340 = arith.constant 1 : i32
            %broadcast_in_dim3A_341 = vector.broadcast %broadcast_in_dim3A_340 : i32 to vector<16xi32>
            %mul3A_342 = vector.broadcast %scan3A_339 : i32 to vector<16xi32>
            %mul3A_343 = arith.muli %broadcast_in_dim3A_341, %mul3A_342 : vector<16xi32>
            %gather3A_344 = tpu.vector_load_idx %arg7[%mul3A_343, %get3A_313] masked %lt3A_320 : memref<64x640xf32, #tpu.memory_space<vmem>>[vector<16xi32>, vector<16xi32>], vector<16xf32>, vector<16xi1>
            tpu.vector_store_idx %arg9[%add3A_323, %mul3A_343], %gather3A_344 masked %lt3A_320 : memref<32x128xf32, #tpu.memory_space<vmem>>[vector<16xi32>, vector<16xi32>], vector<16xf32>, vector<16xi1>
            %scan3A_345 = arith.constant 0 : i32
            %scan3A_346 = arith.constant 2 : i32
            %scan3A_347 = arith.addi %scan3A_331, %scan3A_346 : i32
            %broadcast_in_dim3A_348 = arith.constant 1 : i32
            %broadcast_in_dim3A_349 = vector.broadcast %broadcast_in_dim3A_348 : i32 to vector<16xi32>
            %mul3A_350 = vector.broadcast %scan3A_347 : i32 to vector<16xi32>
            %mul3A_351 = arith.muli %broadcast_in_dim3A_349, %mul3A_350 : vector<16xi32>
            %gather3A_352 = tpu.vector_load_idx %arg7[%mul3A_351, %get3A_313] masked %lt3A_320 : memref<64x640xf32, #tpu.memory_space<vmem>>[vector<16xi32>, vector<16xi32>], vector<16xf32>, vector<16xi1>
            tpu.vector_store_idx %arg9[%add3A_323, %mul3A_351], %gather3A_352 masked %lt3A_320 : memref<32x128xf32, #tpu.memory_space<vmem>>[vector<16xi32>, vector<16xi32>], vector<16xf32>, vector<16xi1>
            %scan3A_353 = arith.constant 0 : i32
            %scan3A_354 = arith.constant 3 : i32
            %scan3A_355 = arith.addi %scan3A_331, %scan3A_354 : i32
            %broadcast_in_dim3A_356 = arith.constant 1 : i32
            %broadcast_in_dim3A_357 = vector.broadcast %broadcast_in_dim3A_356 : i32 to vector<16xi32>
            %mul3A_358 = vector.broadcast %scan3A_355 : i32 to vector<16xi32>
            %mul3A_359 = arith.muli %broadcast_in_dim3A_357, %mul3A_358 : vector<16xi32>
            %gather3A_360 = tpu.vector_load_idx %arg7[%mul3A_359, %get3A_313] masked %lt3A_320 : memref<64x640xf32, #tpu.memory_space<vmem>>[vector<16xi32>, vector<16xi32>], vector<16xf32>, vector<16xi1>
            tpu.vector_store_idx %arg9[%add3A_323, %mul3A_359], %gather3A_360 masked %lt3A_320 : memref<32x128xf32, #tpu.memory_space<vmem>>[vector<16xi32>, vector<16xi32>], vector<16xf32>, vector<16xi1>
            %scan3A_361 = arith.constant 0 : i32
            %scan3A_362 = arith.constant 4 : i32
            %scan3A_363 = arith.addi %scan3A_331, %scan3A_362 : i32
            %broadcast_in_dim3A_364 = arith.constant 1 : i32
            %broadcast_in_dim3A_365 = vector.broadcast %broadcast_in_dim3A_364 : i32 to vector<16xi32>
            %mul3A_366 = vector.broadcast %scan3A_363 : i32 to vector<16xi32>
            %mul3A_367 = arith.muli %broadcast_in_dim3A_365, %mul3A_366 : vector<16xi32>
            %gather3A_368 = tpu.vector_load_idx %arg7[%mul3A_367, %get3A_313] masked %lt3A_320 : memref<64x640xf32, #tpu.memory_space<vmem>>[vector<16xi32>, vector<16xi32>], vector<16xf32>, vector<16xi1>
            tpu.vector_store_idx %arg9[%add3A_323, %mul3A_367], %gather3A_368 masked %lt3A_320 : memref<32x128xf32, #tpu.memory_space<vmem>>[vector<16xi32>, vector<16xi32>], vector<16xf32>, vector<16xi1>
            %scan3A_369 = arith.constant 0 : i32
            %scan3A_370 = arith.constant 5 : i32
            %scan3A_371 = arith.addi %scan3A_331, %scan3A_370 : i32
            %broadcast_in_dim3A_372 = arith.constant 1 : i32
            %broadcast_in_dim3A_373 = vector.broadcast %broadcast_in_dim3A_372 : i32 to vector<16xi32>
            %mul3A_374 = vector.broadcast %scan3A_371 : i32 to vector<16xi32>
            %mul3A_375 = arith.muli %broadcast_in_dim3A_373, %mul3A_374 : vector<16xi32>
            %gather3A_376 = tpu.vector_load_idx %arg7[%mul3A_375, %get3A_313] masked %lt3A_320 : memref<64x640xf32, #tpu.memory_space<vmem>>[vector<16xi32>, vector<16xi32>], vector<16xf32>, vector<16xi1>
            tpu.vector_store_idx %arg9[%add3A_323, %mul3A_375], %gather3A_376 masked %lt3A_320 : memref<32x128xf32, #tpu.memory_space<vmem>>[vector<16xi32>, vector<16xi32>], vector<16xf32>, vector<16xi1>
            %scan3A_377 = arith.constant 0 : i32
            %scan3A_378 = arith.constant 6 : i32
            %scan3A_379 = arith.addi %scan3A_331, %scan3A_378 : i32
            %broadcast_in_dim3A_380 = arith.constant 1 : i32
            %broadcast_in_dim3A_381 = vector.broadcast %broadcast_in_dim3A_380 : i32 to vector<16xi32>
            %mul3A_382 = vector.broadcast %scan3A_379 : i32 to vector<16xi32>
            %mul3A_383 = arith.muli %broadcast_in_dim3A_381, %mul3A_382 : vector<16xi32>
            %gather3A_384 = tpu.vector_load_idx %arg7[%mul3A_383, %get3A_313] masked %lt3A_320 : memref<64x640xf32, #tpu.memory_space<vmem>>[vector<16xi32>, vector<16xi32>], vector<16xf32>, vector<16xi1>
            tpu.vector_store_idx %arg9[%add3A_323, %mul3A_383], %gather3A_384 masked %lt3A_320 : memref<32x128xf32, #tpu.memory_space<vmem>>[vector<16xi32>, vector<16xi32>], vector<16xf32>, vector<16xi1>
            %scan3A_385 = arith.constant 0 : i32
            %scan3A_386 = arith.constant 7 : i32
            %scan3A_387 = arith.addi %scan3A_331, %scan3A_386 : i32
            %broadcast_in_dim3A_388 = arith.constant 1 : i32
            %broadcast_in_dim3A_389 = vector.broadcast %broadcast_in_dim3A_388 : i32 to vector<16xi32>
            %mul3A_390 = vector.broadcast %scan3A_387 : i32 to vector<16xi32>
            %mul3A_391 = arith.muli %broadcast_in_dim3A_389, %mul3A_390 : vector<16xi32>
            %gather3A_392 = tpu.vector_load_idx %arg7[%mul3A_391, %get3A_313] masked %lt3A_320 : memref<64x640xf32, #tpu.memory_space<vmem>>[vector<16xi32>, vector<16xi32>], vector<16xf32>, vector<16xi1>
            tpu.vector_store_idx %arg9[%add3A_323, %mul3A_391], %gather3A_392 masked %lt3A_320 : memref<32x128xf32, #tpu.memory_space<vmem>>[vector<16xi32>, vector<16xi32>], vector<16xf32>, vector<16xi1>
            %scan3A_393 = arith.constant 0 : i32
            scf.yield %scan3A_393 : i32
          }
          %scan3A_330 = arith.constant 64 : i32
          tpu.vector_store_idx %arg12[%add3A_323], %get3A_315 masked %lt3A_320 : memref<32xi32, #tpu.memory_space<vmem>>[vector<16xi32>], vector<16xi32>, vector<16xi1>
        } else {
        }
        %gt3A_305 = arith.constant 16 : i32
        %gt3A_306 = arith.cmpi sgt, %while3A_270#1, %gt3A_305 : i32
        %convert_element_type3A_307 = arith.extui %gt3A_306 : i1 to i32
        %cond3A_308 = arith.constant 0 : i32
        %cond3A_309 = arith.cmpi ne, %convert_element_type3A_307, %cond3A_308 : i32
        scf.if %cond3A_309 {
          %get3A = arith.constant 16 : index
          %get3A_313 = tpu.vector_load %arg11[%get3A] {strides = array<i32>} : memref<48xi32, #tpu.memory_space<vmem>>, vector<16xi32>,
          %get3A_314 = arith.constant 16 : index
          %get3A_315 = tpu.vector_load %arg10[%get3A_314] {strides = array<i32>} : memref<48xi32, #tpu.memory_space<vmem>>, vector<16xi32>,
          %add3A_316 = arith.constant 16 : i32
          %add3A_317 = vector.broadcast %add3A_316 : i32 to vector<16xi32>
          %add3A_318 = arith.addi %iota3A, %add3A_317 : vector<16xi32>
          %lt3A_319 = vector.broadcast %while3A_270#1 : i32 to vector<16xi32>
          %lt3A_320 = arith.cmpi slt, %add3A_318, %lt3A_319 : vector<16xi32>
          %add3A_321 = arith.constant 16 : i32
          %add3A_322 = vector.broadcast %add3A_321 : i32 to vector<16xi32>
          %add3A_323 = arith.addi %iota3A, %add3A_322 : vector<16xi32>
          %scan3A_324 = arith.constant 0 : i32
          %scan3A_325 = arith.constant 0 : i32
          %scan3A_326 = arith.constant 64 : i32
          %scan3A_327 = arith.addi %scan3A_325, %scan3A_326 : i32
          %scan3A_328 = arith.constant 8 : i32
          %scan3A_329 = scf.for %scan3A_331 = %scan3A_325 to %scan3A_327 step %scan3A_328 iter_args(%scan3A_332 = %scan3A_324) -> (i32)  : i32 {
            %broadcast_in_dim3A_333 = arith.constant 1 : i32
            %broadcast_in_dim3A_334 = vector.broadcast %broadcast_in_dim3A_333 : i32 to vector<16xi32>
            %mul3A_335 = vector.broadcast %scan3A_331 : i32 to vector<16xi32>
            %mul3A_336 = arith.muli %broadcast_in_dim3A_334, %mul3A_335 : vector<16xi32>
            %gather3A = tpu.vector_load_idx %arg7[%mul3A_336, %get3A_313] masked %lt3A_320 : memref<64x640xf32, #tpu.memory_space<vmem>>[vector<16xi32>, vector<16xi32>], vector<16xf32>, vector<16xi1>
            tpu.vector_store_idx %arg9[%add3A_323, %mul3A_336], %gather3A masked %lt3A_320 : memref<32x128xf32, #tpu.memory_space<vmem>>[vector<16xi32>, vector<16xi32>], vector<16xf32>, vector<16xi1>
            %scan3A_337 = arith.constant 0 : i32
            %scan3A_338 = arith.constant 1 : i32
            %scan3A_339 = arith.addi %scan3A_331, %scan3A_338 : i32
            %broadcast_in_dim3A_340 = arith.constant 1 : i32
            %broadcast_in_dim3A_341 = vector.broadcast %broadcast_in_dim3A_340 : i32 to vector<16xi32>
            %mul3A_342 = vector.broadcast %scan3A_339 : i32 to vector<16xi32>
            %mul3A_343 = arith.muli %broadcast_in_dim3A_341, %mul3A_342 : vector<16xi32>
            %gather3A_344 = tpu.vector_load_idx %arg7[%mul3A_343, %get3A_313] masked %lt3A_320 : memref<64x640xf32, #tpu.memory_space<vmem>>[vector<16xi32>, vector<16xi32>], vector<16xf32>, vector<16xi1>
            tpu.vector_store_idx %arg9[%add3A_323, %mul3A_343], %gather3A_344 masked %lt3A_320 : memref<32x128xf32, #tpu.memory_space<vmem>>[vector<16xi32>, vector<16xi32>], vector<16xf32>, vector<16xi1>
            %scan3A_345 = arith.constant 0 : i32
            %scan3A_346 = arith.constant 2 : i32
            %scan3A_347 = arith.addi %scan3A_331, %scan3A_346 : i32
            %broadcast_in_dim3A_348 = arith.constant 1 : i32
            %broadcast_in_dim3A_349 = vector.broadcast %broadcast_in_dim3A_348 : i32 to vector<16xi32>
            %mul3A_350 = vector.broadcast %scan3A_347 : i32 to vector<16xi32>
            %mul3A_351 = arith.muli %broadcast_in_dim3A_349, %mul3A_350 : vector<16xi32>
            %gather3A_352 = tpu.vector_load_idx %arg7[%mul3A_351, %get3A_313] masked %lt3A_320 : memref<64x640xf32, #tpu.memory_space<vmem>>[vector<16xi32>, vector<16xi32>], vector<16xf32>, vector<16xi1>
            tpu.vector_store_idx %arg9[%add3A_323, %mul3A_351], %gather3A_352 masked %lt3A_320 : memref<32x128xf32, #tpu.memory_space<vmem>>[vector<16xi32>, vector<16xi32>], vector<16xf32>, vector<16xi1>
            %scan3A_353 = arith.constant 0 : i32
            %scan3A_354 = arith.constant 3 : i32
            %scan3A_355 = arith.addi %scan3A_331, %scan3A_354 : i32
            %broadcast_in_dim3A_356 = arith.constant 1 : i32
            %broadcast_in_dim3A_357 = vector.broadcast %broadcast_in_dim3A_356 : i32 to vector<16xi32>
            %mul3A_358 = vector.broadcast %scan3A_355 : i32 to vector<16xi32>
            %mul3A_359 = arith.muli %broadcast_in_dim3A_357, %mul3A_358 : vector<16xi32>
            %gather3A_360 = tpu.vector_load_idx %arg7[%mul3A_359, %get3A_313] masked %lt3A_320 : memref<64x640xf32, #tpu.memory_space<vmem>>[vector<16xi32>, vector<16xi32>], vector<16xf32>, vector<16xi1>
            tpu.vector_store_idx %arg9[%add3A_323, %mul3A_359], %gather3A_360 masked %lt3A_320 : memref<32x128xf32, #tpu.memory_space<vmem>>[vector<16xi32>, vector<16xi32>], vector<16xf32>, vector<16xi1>
            %scan3A_361 = arith.constant 0 : i32
            %scan3A_362 = arith.constant 4 : i32
            %scan3A_363 = arith.addi %scan3A_331, %scan3A_362 : i32
            %broadcast_in_dim3A_364 = arith.constant 1 : i32
            %broadcast_in_dim3A_365 = vector.broadcast %broadcast_in_dim3A_364 : i32 to vector<16xi32>
            %mul3A_366 = vector.broadcast %scan3A_363 : i32 to vector<16xi32>
            %mul3A_367 = arith.muli %broadcast_in_dim3A_365, %mul3A_366 : vector<16xi32>
            %gather3A_368 = tpu.vector_load_idx %arg7[%mul3A_367, %get3A_313] masked %lt3A_320 : memref<64x640xf32, #tpu.memory_space<vmem>>[vector<16xi32>, vector<16xi32>], vector<16xf32>, vector<16xi1>
            tpu.vector_store_idx %arg9[%add3A_323, %mul3A_367], %gather3A_368 masked %lt3A_320 : memref<32x128xf32, #tpu.memory_space<vmem>>[vector<16xi32>, vector<16xi32>], vector<16xf32>, vector<16xi1>
            %scan3A_369 = arith.constant 0 : i32
            %scan3A_370 = arith.constant 5 : i32
            %scan3A_371 = arith.addi %scan3A_331, %scan3A_370 : i32
            %broadcast_in_dim3A_372 = arith.constant 1 : i32
            %broadcast_in_dim3A_373 = vector.broadcast %broadcast_in_dim3A_372 : i32 to vector<16xi32>
            %mul3A_374 = vector.broadcast %scan3A_371 : i32 to vector<16xi32>
            %mul3A_375 = arith.muli %broadcast_in_dim3A_373, %mul3A_374 : vector<16xi32>
            %gather3A_376 = tpu.vector_load_idx %arg7[%mul3A_375, %get3A_313] masked %lt3A_320 : memref<64x640xf32, #tpu.memory_space<vmem>>[vector<16xi32>, vector<16xi32>], vector<16xf32>, vector<16xi1>
            tpu.vector_store_idx %arg9[%add3A_323, %mul3A_375], %gather3A_376 masked %lt3A_320 : memref<32x128xf32, #tpu.memory_space<vmem>>[vector<16xi32>, vector<16xi32>], vector<16xf32>, vector<16xi1>
            %scan3A_377 = arith.constant 0 : i32
            %scan3A_378 = arith.constant 6 : i32
            %scan3A_379 = arith.addi %scan3A_331, %scan3A_378 : i32
            %broadcast_in_dim3A_380 = arith.constant 1 : i32
            %broadcast_in_dim3A_381 = vector.broadcast %broadcast_in_dim3A_380 : i32 to vector<16xi32>
            %mul3A_382 = vector.broadcast %scan3A_379 : i32 to vector<16xi32>
            %mul3A_383 = arith.muli %broadcast_in_dim3A_381, %mul3A_382 : vector<16xi32>
            %gather3A_384 = tpu.vector_load_idx %arg7[%mul3A_383, %get3A_313] masked %lt3A_320 : memref<64x640xf32, #tpu.memory_space<vmem>>[vector<16xi32>, vector<16xi32>], vector<16xf32>, vector<16xi1>
            tpu.vector_store_idx %arg9[%add3A_323, %mul3A_383], %gather3A_384 masked %lt3A_320 : memref<32x128xf32, #tpu.memory_space<vmem>>[vector<16xi32>, vector<16xi32>], vector<16xf32>, vector<16xi1>
            %scan3A_385 = arith.constant 0 : i32
            %scan3A_386 = arith.constant 7 : i32
            %scan3A_387 = arith.addi %scan3A_331, %scan3A_386 : i32
            %broadcast_in_dim3A_388 = arith.constant 1 : i32
            %broadcast_in_dim3A_389 = vector.broadcast %broadcast_in_dim3A_388 : i32 to vector<16xi32>
            %mul3A_390 = vector.broadcast %scan3A_387 : i32 to vector<16xi32>
            %mul3A_391 = arith.muli %broadcast_in_dim3A_389, %mul3A_390 : vector<16xi32>
            %gather3A_392 = tpu.vector_load_idx %arg7[%mul3A_391, %get3A_313] masked %lt3A_320 : memref<64x640xf32, #tpu.memory_space<vmem>>[vector<16xi32>, vector<16xi32>], vector<16xf32>, vector<16xi1>
            tpu.vector_store_idx %arg9[%add3A_323, %mul3A_391], %gather3A_392 masked %lt3A_320 : memref<32x128xf32, #tpu.memory_space<vmem>>[vector<16xi32>, vector<16xi32>], vector<16xf32>, vector<16xi1>
            %scan3A_393 = arith.constant 0 : i32
            scf.yield %scan3A_393 : i32
          }
          %scan3A_330 = arith.constant 64 : i32
          tpu.vector_store_idx %arg12[%add3A_323], %get3A_315 masked %lt3A_320 : memref<32xi32, #tpu.memory_space<vmem>>[vector<16xi32>], vector<16xi32>, vector<16xi1>
        } else {
        }
        %dma_start3A_310 = arith.constant 0 : i32
        %dma_start3A_311 = arith.constant 0 : i32
        %dma_start3A_312 = tpu.memref_slice %arg4[%dma_start3A_310, %dma_start3A_311] : memref<17408x128xf32, #tpu.memory_space<hbm>> -> memref<17408x128xf32, #tpu.memory_space<hbm>>
        tpu.enqueue_indirect_dma source(%arg9 : memref<32x128xf32, #tpu.memory_space<vmem>>) target(%dma_start3A_312 : memref<17408x128xf32, #tpu.memory_space<hbm>>) offsets(%arg12 : memref<32xi32, #tpu.memory_space<vmem>>) semaphore(%arg15 : memref<!tpu.dma_semaphore, #tpu.memory_space<semaphore_mem>>)
      } else {
      }
      %add3A_275 = arith.constant 1 : i32
      %add3A_276 = arith.addi %mul3A_156, %add3A_275 : i32
      %lt3A_277 = arith.constant 25 : i32
      %lt3A_278 = arith.cmpi slt, %add3A_276, %lt3A_277 : i32
      %convert_element_type3A_279 = arith.extui %lt3A_278 : i1 to i32
      %cond3A_280 = arith.constant 0 : i32
      %cond3A_281 = arith.cmpi ne, %convert_element_type3A_279, %cond3A_280 : i32
      scf.if %cond3A_281 {
        %dma_wait3A_283 = arith.constant 0 : i32
        %dma_wait3A_284 = arith.constant 0 : i32
        %dma_wait3A_285 = tpu.memref_slice %arg8[%dma_wait3A_283, %dma_wait3A_284] : memref<64x640xf32, #tpu.memory_space<vmem>> -> memref<8x640xf32, #tpu.memory_space<vmem>>
        %dma_wait3A_286 = arith.constant 0 : i32
        %dma_wait3A_287 = arith.constant 0 : i32
        %dma_wait3A_288 = tpu.memref_slice %arg2[%dma_wait3A_286, %dma_wait3A_287] : memref<64x500001xf32, #tpu.memory_space<hbm>> -> memref<8x640xf32, #tpu.memory_space<hbm>>
        %dma_wait3A_289 = arith.constant 0 : i32
        %dma_wait3A_290 = arith.constant 0 : i32
        %dma_wait3A_291 = tpu.memref_slice %arg8[%dma_wait3A_289, %dma_wait3A_290] : memref<64x640xf32, #tpu.memory_space<vmem>> -> memref<8x640xf32, #tpu.memory_space<vmem>>
        %dma_wait3A_292 = arith.constant 0 : i32
        %dma_wait3A_293 = arith.constant 0 : i32
        %dma_wait3A_294 = tpu.memref_slice %arg2[%dma_wait3A_292, %dma_wait3A_293] : memref<64x500001xf32, #tpu.memory_space<hbm>> -> memref<8x640xf32, #tpu.memory_space<hbm>>
        tpu.wait_dma2 semaphore(%arg14 : memref<!tpu.dma_semaphore, #tpu.memory_space<semaphore_mem>>) src(%dma_wait3A_294 : memref<8x640xf32, #tpu.memory_space<hbm>>) dst(%dma_wait3A_291 : memref<8x640xf32, #tpu.memory_space<vmem>>)
        %dma_wait3A_295 = arith.constant 8 : i32
        %dma_wait3A_296 = arith.constant 0 : i32
        %dma_wait3A_297 = tpu.memref_slice %arg8[%dma_wait3A_295, %dma_wait3A_296] : memref<64x640xf32, #tpu.memory_space<vmem>> -> memref<8x640xf32, #tpu.memory_space<vmem>>
        %dma_wait3A_298 = arith.constant 0 : i32
        %dma_wait3A_299 = arith.constant 0 : i32
        %dma_wait3A_300 = tpu.memref_slice %arg2[%dma_wait3A_298, %dma_wait3A_299] : memref<64x500001xf32, #tpu.memory_space<hbm>> -> memref<8x640xf32, #tpu.memory_space<hbm>>
        %dma_wait3A_301 = arith.constant 8 : i32
        %dma_wait3A_302 = arith.constant 0 : i32
        %dma_wait3A_303 = tpu.memref_slice %arg8[%dma_wait3A_301, %dma_wait3A_302] : memref<64x640xf32, #tpu.memory_space<vmem>> -> memref<8x640xf32, #tpu.memory_space<vmem>>
        %dma_wait3A_304 = arith.constant 0 : i32
        %dma_wait3A_305 = arith.constant 0 : i32
        %dma_wait3A_306 = tpu.memref_slice %arg2[%dma_wait3A_304, %dma_wait3A_305] : memref<64x500001xf32, #tpu.memory_space<hbm>> -> memref<8x640xf32, #tpu.memory_space<hbm>>
        tpu.wait_dma2 semaphore(%arg14 : memref<!tpu.dma_semaphore, #tpu.memory_space<semaphore_mem>>) src(%dma_wait3A_306 : memref<8x640xf32, #tpu.memory_space<hbm>>) dst(%dma_wait3A_303 : memref<8x640xf32, #tpu.memory_space<vmem>>)
        %dma_wait3A_307 = arith.constant 16 : i32
        %dma_wait3A_308 = arith.constant 0 : i32
        %dma_wait3A_309 = tpu.memref_slice %arg8[%dma_wait3A_307, %dma_wait3A_308] : memref<64x640xf32, #tpu.memory_space<vmem>> -> memref<8x640xf32, #tpu.memory_space<vmem>>
        %dma_wait3A_310 = arith.constant 0 : i32
        %dma_wait3A_311 = arith.constant 0 : i32
        %dma_wait3A_312 = tpu.memref_slice %arg2[%dma_wait3A_310, %dma_wait3A_311] : memref<64x500001xf32, #tpu.memory_space<hbm>> -> memref<8x640xf32, #tpu.memory_space<hbm>>
        %dma_wait3A_313 = arith.constant 16 : i32
        %dma_wait3A_314 = arith.constant 0 : i32
        %dma_wait3A_315 = tpu.memref_slice %arg8[%dma_wait3A_313, %dma_wait3A_314] : memref<64x640xf32, #tpu.memory_space<vmem>> -> memref<8x640xf32, #tpu.memory_space<vmem>>
        %dma_wait3A_316 = arith.constant 0 : i32
        %dma_wait3A_317 = arith.constant 0 : i32
        %dma_wait3A_318 = tpu.memref_slice %arg2[%dma_wait3A_316, %dma_wait3A_317] : memref<64x500001xf32, #tpu.memory_space<hbm>> -> memref<8x640xf32, #tpu.memory_space<hbm>>
        tpu.wait_dma2 semaphore(%arg14 : memref<!tpu.dma_semaphore, #tpu.memory_space<semaphore_mem>>) src(%dma_wait3A_318 : memref<8x640xf32, #tpu.memory_space<hbm>>) dst(%dma_wait3A_315 : memref<8x640xf32, #tpu.memory_space<vmem>>)
        %dma_wait3A_319 = arith.constant 24 : i32
        %dma_wait3A_320 = arith.constant 0 : i32
        %dma_wait3A_321 = tpu.memref_slice %arg8[%dma_wait3A_319, %dma_wait3A_320] : memref<64x640xf32, #tpu.memory_space<vmem>> -> memref<8x640xf32, #tpu.memory_space<vmem>>
        %dma_wait3A_322 = arith.constant 0 : i32
        %dma_wait3A_323 = arith.constant 0 : i32
        %dma_wait3A_324 = tpu.memref_slice %arg2[%dma_wait3A_322, %dma_wait3A_323] : memref<64x500001xf32, #tpu.memory_space<hbm>> -> memref<8x640xf32, #tpu.memory_space<hbm>>
        %dma_wait3A_325 = arith.constant 24 : i32
        %dma_wait3A_326 = arith.constant 0 : i32
        %dma_wait3A_327 = tpu.memref_slice %arg8[%dma_wait3A_325, %dma_wait3A_326] : memref<64x640xf32, #tpu.memory_space<vmem>> -> memref<8x640xf32, #tpu.memory_space<vmem>>
        %dma_wait3A_328 = arith.constant 0 : i32
        %dma_wait3A_329 = arith.constant 0 : i32
        %dma_wait3A_330 = tpu.memref_slice %arg2[%dma_wait3A_328, %dma_wait3A_329] : memref<64x500001xf32, #tpu.memory_space<hbm>> -> memref<8x640xf32, #tpu.memory_space<hbm>>
        tpu.wait_dma2 semaphore(%arg14 : memref<!tpu.dma_semaphore, #tpu.memory_space<semaphore_mem>>) src(%dma_wait3A_330 : memref<8x640xf32, #tpu.memory_space<hbm>>) dst(%dma_wait3A_327 : memref<8x640xf32, #tpu.memory_space<vmem>>)
        %dma_wait3A_331 = arith.constant 32 : i32
        %dma_wait3A_332 = arith.constant 0 : i32
        %dma_wait3A_333 = tpu.memref_slice %arg8[%dma_wait3A_331, %dma_wait3A_332] : memref<64x640xf32, #tpu.memory_space<vmem>> -> memref<8x640xf32, #tpu.memory_space<vmem>>
        %dma_wait3A_334 = arith.constant 0 : i32
        %dma_wait3A_335 = arith.constant 0 : i32
        %dma_wait3A_336 = tpu.memref_slice %arg2[%dma_wait3A_334, %dma_wait3A_335] : memref<64x500001xf32, #tpu.memory_space<hbm>> -> memref<8x640xf32, #tpu.memory_space<hbm>>
        %dma_wait3A_337 = arith.constant 32 : i32
        %dma_wait3A_338 = arith.constant 0 : i32
        %dma_wait3A_339 = tpu.memref_slice %arg8[%dma_wait3A_337, %dma_wait3A_338] : memref<64x640xf32, #tpu.memory_space<vmem>> -> memref<8x640xf32, #tpu.memory_space<vmem>>
        %dma_wait3A_340 = arith.constant 0 : i32
        %dma_wait3A_341 = arith.constant 0 : i32
        %dma_wait3A_342 = tpu.memref_slice %arg2[%dma_wait3A_340, %dma_wait3A_341] : memref<64x500001xf32, #tpu.memory_space<hbm>> -> memref<8x640xf32, #tpu.memory_space<hbm>>
        tpu.wait_dma2 semaphore(%arg14 : memref<!tpu.dma_semaphore, #tpu.memory_space<semaphore_mem>>) src(%dma_wait3A_342 : memref<8x640xf32, #tpu.memory_space<hbm>>) dst(%dma_wait3A_339 : memref<8x640xf32, #tpu.memory_space<vmem>>)
        %dma_wait3A_343 = arith.constant 40 : i32
        %dma_wait3A_344 = arith.constant 0 : i32
        %dma_wait3A_345 = tpu.memref_slice %arg8[%dma_wait3A_343, %dma_wait3A_344] : memref<64x640xf32, #tpu.memory_space<vmem>> -> memref<8x640xf32, #tpu.memory_space<vmem>>
        %dma_wait3A_346 = arith.constant 0 : i32
        %dma_wait3A_347 = arith.constant 0 : i32
        %dma_wait3A_348 = tpu.memref_slice %arg2[%dma_wait3A_346, %dma_wait3A_347] : memref<64x500001xf32, #tpu.memory_space<hbm>> -> memref<8x640xf32, #tpu.memory_space<hbm>>
        %dma_wait3A_349 = arith.constant 40 : i32
        %dma_wait3A_350 = arith.constant 0 : i32
        %dma_wait3A_351 = tpu.memref_slice %arg8[%dma_wait3A_349, %dma_wait3A_350] : memref<64x640xf32, #tpu.memory_space<vmem>> -> memref<8x640xf32, #tpu.memory_space<vmem>>
        %dma_wait3A_352 = arith.constant 0 : i32
        %dma_wait3A_353 = arith.constant 0 : i32
        %dma_wait3A_354 = tpu.memref_slice %arg2[%dma_wait3A_352, %dma_wait3A_353] : memref<64x500001xf32, #tpu.memory_space<hbm>> -> memref<8x640xf32, #tpu.memory_space<hbm>>
        tpu.wait_dma2 semaphore(%arg14 : memref<!tpu.dma_semaphore, #tpu.memory_space<semaphore_mem>>) src(%dma_wait3A_354 : memref<8x640xf32, #tpu.memory_space<hbm>>) dst(%dma_wait3A_351 : memref<8x640xf32, #tpu.memory_space<vmem>>)
        %dma_wait3A_355 = arith.constant 48 : i32
        %dma_wait3A_356 = arith.constant 0 : i32
        %dma_wait3A_357 = tpu.memref_slice %arg8[%dma_wait3A_355, %dma_wait3A_356] : memref<64x640xf32, #tpu.memory_space<vmem>> -> memref<8x640xf32, #tpu.memory_space<vmem>>
        %dma_wait3A_358 = arith.constant 0 : i32
        %dma_wait3A_359 = arith.constant 0 : i32
        %dma_wait3A_360 = tpu.memref_slice %arg2[%dma_wait3A_358, %dma_wait3A_359] : memref<64x500001xf32, #tpu.memory_space<hbm>> -> memref<8x640xf32, #tpu.memory_space<hbm>>
        %dma_wait3A_361 = arith.constant 48 : i32
        %dma_wait3A_362 = arith.constant 0 : i32
        %dma_wait3A_363 = tpu.memref_slice %arg8[%dma_wait3A_361, %dma_wait3A_362] : memref<64x640xf32, #tpu.memory_space<vmem>> -> memref<8x640xf32, #tpu.memory_space<vmem>>
        %dma_wait3A_364 = arith.constant 0 : i32
        %dma_wait3A_365 = arith.constant 0 : i32
        %dma_wait3A_366 = tpu.memref_slice %arg2[%dma_wait3A_364, %dma_wait3A_365] : memref<64x500001xf32, #tpu.memory_space<hbm>> -> memref<8x640xf32, #tpu.memory_space<hbm>>
        tpu.wait_dma2 semaphore(%arg14 : memref<!tpu.dma_semaphore, #tpu.memory_space<semaphore_mem>>) src(%dma_wait3A_366 : memref<8x640xf32, #tpu.memory_space<hbm>>) dst(%dma_wait3A_363 : memref<8x640xf32, #tpu.memory_space<vmem>>)
        %dma_wait3A_367 = arith.constant 56 : i32
        %dma_wait3A_368 = arith.constant 0 : i32
        %dma_wait3A_369 = tpu.memref_slice %arg8[%dma_wait3A_367, %dma_wait3A_368] : memref<64x640xf32, #tpu.memory_space<vmem>> -> memref<8x640xf32, #tpu.memory_space<vmem>>
        %dma_wait3A_370 = arith.constant 0 : i32
        %dma_wait3A_371 = arith.constant 0 : i32
        %dma_wait3A_372 = tpu.memref_slice %arg2[%dma_wait3A_370, %dma_wait3A_371] : memref<64x500001xf32, #tpu.memory_space<hbm>> -> memref<8x640xf32, #tpu.memory_space<hbm>>
        %dma_wait3A_373 = arith.constant 56 : i32
        %dma_wait3A_374 = arith.constant 0 : i32
        %dma_wait3A_375 = tpu.memref_slice %arg8[%dma_wait3A_373, %dma_wait3A_374] : memref<64x640xf32, #tpu.memory_space<vmem>> -> memref<8x640xf32, #tpu.memory_space<vmem>>
        %dma_wait3A_376 = arith.constant 0 : i32
        %dma_wait3A_377 = arith.constant 0 : i32
        %dma_wait3A_378 = tpu.memref_slice %arg2[%dma_wait3A_376, %dma_wait3A_377] : memref<64x500001xf32, #tpu.memory_space<hbm>> -> memref<8x640xf32, #tpu.memory_space<hbm>>
        tpu.wait_dma2 semaphore(%arg14 : memref<!tpu.dma_semaphore, #tpu.memory_space<semaphore_mem>>) src(%dma_wait3A_378 : memref<8x640xf32, #tpu.memory_space<hbm>>) dst(%dma_wait3A_375 : memref<8x640xf32, #tpu.memory_space<vmem>>)
        %add3A_379 = arith.constant 2 : i32
        %add3A_380 = arith.addi %mul3A_156, %add3A_379 : i32
        %lt3A_381 = arith.constant 25 : i32
        %lt3A_382 = arith.cmpi slt, %add3A_380, %lt3A_381 : i32
        %convert_element_type3A_383 = arith.extui %lt3A_382 : i1 to i32
        %cond3A_384 = arith.constant 0 : i32
        %cond3A_385 = arith.cmpi ne, %convert_element_type3A_383, %cond3A_384 : i32
        scf.if %cond3A_385 {
          %add3A_408 = arith.constant 2 : i32
          %add3A_409 = arith.addi %mul3A_156, %add3A_408 : i32
          %mul3A_410 = arith.constant 640 : i32
          %mul3A_411 = arith.muli %add3A_409, %mul3A_410 : i32
          %add3A_412 = arith.addi %mul3A_6, %mul3A_411 : i32
          %min3A_413 = arith.constant 499456 : i32
          %min3A_414 = arith.minsi %add3A_412, %min3A_413 : i32
          %multiple_of3A_415 = tpu.assume_multiple %min3A_414, 128 : i32
          %dma_start3A_416 = arith.constant 0 : i32
          %dma_start3A_417 = arith.constant 0 : i32
          %dma_start3A_418 = tpu.memref_slice %arg7[%dma_start3A_416, %dma_start3A_417] : memref<64x640xf32, #tpu.memory_space<vmem>> -> memref<8x640xf32, #tpu.memory_space<vmem>>
          %dma_start3A_419 = arith.constant 0 : i32
          %dma_start3A_420 = tpu.memref_slice %arg2[%dma_start3A_419, %multiple_of3A_415] : memref<64x500001xf32, #tpu.memory_space<hbm>> -> memref<8x640xf32, #tpu.memory_space<hbm>>
          %dma_start3A_421 = arith.constant 0 : i32
          %dma_start3A_422 = arith.constant 0 : i32
          %dma_start3A_423 = tpu.memref_slice %arg7[%dma_start3A_421, %dma_start3A_422] : memref<64x640xf32, #tpu.memory_space<vmem>> -> memref<8x640xf32, #tpu.memory_space<vmem>>
          %dma_start3A_424 = arith.constant 0 : i32
          %dma_start3A_425 = tpu.memref_slice %arg2[%dma_start3A_424, %multiple_of3A_415] : memref<64x500001xf32, #tpu.memory_space<hbm>> -> memref<8x640xf32, #tpu.memory_space<hbm>>
          tpu.enqueue_dma source(%dma_start3A_425 : memref<8x640xf32, #tpu.memory_space<hbm>>) target(%dma_start3A_423 : memref<8x640xf32, #tpu.memory_space<vmem>>) target_semaphore(%arg13 : memref<!tpu.dma_semaphore, #tpu.memory_space<semaphore_mem>>)
          %dma_start3A_426 = arith.constant 8 : i32
          %dma_start3A_427 = arith.constant 0 : i32
          %dma_start3A_428 = tpu.memref_slice %arg7[%dma_start3A_426, %dma_start3A_427] : memref<64x640xf32, #tpu.memory_space<vmem>> -> memref<8x640xf32, #tpu.memory_space<vmem>>
          %dma_start3A_429 = arith.constant 8 : i32
          %dma_start3A_430 = tpu.memref_slice %arg2[%dma_start3A_429, %multiple_of3A_415] : memref<64x500001xf32, #tpu.memory_space<hbm>> -> memref<8x640xf32, #tpu.memory_space<hbm>>
          %dma_start3A_431 = arith.constant 8 : i32
          %dma_start3A_432 = arith.constant 0 : i32
          %dma_start3A_433 = tpu.memref_slice %arg7[%dma_start3A_431, %dma_start3A_432] : memref<64x640xf32, #tpu.memory_space<vmem>> -> memref<8x640xf32, #tpu.memory_space<vmem>>
          %dma_start3A_434 = arith.constant 8 : i32
          %dma_start3A_435 = tpu.memref_slice %arg2[%dma_start3A_434, %multiple_of3A_415] : memref<64x500001xf32, #tpu.memory_space<hbm>> -> memref<8x640xf32, #tpu.memory_space<hbm>>
          tpu.enqueue_dma source(%dma_start3A_435 : memref<8x640xf32, #tpu.memory_space<hbm>>) target(%dma_start3A_433 : memref<8x640xf32, #tpu.memory_space<vmem>>) target_semaphore(%arg13 : memref<!tpu.dma_semaphore, #tpu.memory_space<semaphore_mem>>)
          %dma_start3A_436 = arith.constant 16 : i32
          %dma_start3A_437 = arith.constant 0 : i32
          %dma_start3A_438 = tpu.memref_slice %arg7[%dma_start3A_436, %dma_start3A_437] : memref<64x640xf32, #tpu.memory_space<vmem>> -> memref<8x640xf32, #tpu.memory_space<vmem>>
          %dma_start3A_439 = arith.constant 16 : i32
          %dma_start3A_440 = tpu.memref_slice %arg2[%dma_start3A_439, %multiple_of3A_415] : memref<64x500001xf32, #tpu.memory_space<hbm>> -> memref<8x640xf32, #tpu.memory_space<hbm>>
          %dma_start3A_441 = arith.constant 16 : i32
          %dma_start3A_442 = arith.constant 0 : i32
          %dma_start3A_443 = tpu.memref_slice %arg7[%dma_start3A_441, %dma_start3A_442] : memref<64x640xf32, #tpu.memory_space<vmem>> -> memref<8x640xf32, #tpu.memory_space<vmem>>
          %dma_start3A_444 = arith.constant 16 : i32
          %dma_start3A_445 = tpu.memref_slice %arg2[%dma_start3A_444, %multiple_of3A_415] : memref<64x500001xf32, #tpu.memory_space<hbm>> -> memref<8x640xf32, #tpu.memory_space<hbm>>
          tpu.enqueue_dma source(%dma_start3A_445 : memref<8x640xf32, #tpu.memory_space<hbm>>) target(%dma_start3A_443 : memref<8x640xf32, #tpu.memory_space<vmem>>) target_semaphore(%arg13 : memref<!tpu.dma_semaphore, #tpu.memory_space<semaphore_mem>>)
          %dma_start3A_446 = arith.constant 24 : i32
          %dma_start3A_447 = arith.constant 0 : i32
          %dma_start3A_448 = tpu.memref_slice %arg7[%dma_start3A_446, %dma_start3A_447] : memref<64x640xf32, #tpu.memory_space<vmem>> -> memref<8x640xf32, #tpu.memory_space<vmem>>
          %dma_start3A_449 = arith.constant 24 : i32
          %dma_start3A_450 = tpu.memref_slice %arg2[%dma_start3A_449, %multiple_of3A_415] : memref<64x500001xf32, #tpu.memory_space<hbm>> -> memref<8x640xf32, #tpu.memory_space<hbm>>
          %dma_start3A_451 = arith.constant 24 : i32
          %dma_start3A_452 = arith.constant 0 : i32
          %dma_start3A_453 = tpu.memref_slice %arg7[%dma_start3A_451, %dma_start3A_452] : memref<64x640xf32, #tpu.memory_space<vmem>> -> memref<8x640xf32, #tpu.memory_space<vmem>>
          %dma_start3A_454 = arith.constant 24 : i32
          %dma_start3A_455 = tpu.memref_slice %arg2[%dma_start3A_454, %multiple_of3A_415] : memref<64x500001xf32, #tpu.memory_space<hbm>> -> memref<8x640xf32, #tpu.memory_space<hbm>>
          tpu.enqueue_dma source(%dma_start3A_455 : memref<8x640xf32, #tpu.memory_space<hbm>>) target(%dma_start3A_453 : memref<8x640xf32, #tpu.memory_space<vmem>>) target_semaphore(%arg13 : memref<!tpu.dma_semaphore, #tpu.memory_space<semaphore_mem>>)
          %dma_start3A_456 = arith.constant 32 : i32
          %dma_start3A_457 = arith.constant 0 : i32
          %dma_start3A_458 = tpu.memref_slice %arg7[%dma_start3A_456, %dma_start3A_457] : memref<64x640xf32, #tpu.memory_space<vmem>> -> memref<8x640xf32, #tpu.memory_space<vmem>>
          %dma_start3A_459 = arith.constant 32 : i32
          %dma_start3A_460 = tpu.memref_slice %arg2[%dma_start3A_459, %multiple_of3A_415] : memref<64x500001xf32, #tpu.memory_space<hbm>> -> memref<8x640xf32, #tpu.memory_space<hbm>>
          %dma_start3A_461 = arith.constant 32 : i32
          %dma_start3A_462 = arith.constant 0 : i32
          %dma_start3A_463 = tpu.memref_slice %arg7[%dma_start3A_461, %dma_start3A_462] : memref<64x640xf32, #tpu.memory_space<vmem>> -> memref<8x640xf32, #tpu.memory_space<vmem>>
          %dma_start3A_464 = arith.constant 32 : i32
          %dma_start3A_465 = tpu.memref_slice %arg2[%dma_start3A_464, %multiple_of3A_415] : memref<64x500001xf32, #tpu.memory_space<hbm>> -> memref<8x640xf32, #tpu.memory_space<hbm>>
          tpu.enqueue_dma source(%dma_start3A_465 : memref<8x640xf32, #tpu.memory_space<hbm>>) target(%dma_start3A_463 : memref<8x640xf32, #tpu.memory_space<vmem>>) target_semaphore(%arg13 : memref<!tpu.dma_semaphore, #tpu.memory_space<semaphore_mem>>)
          %dma_start3A_466 = arith.constant 40 : i32
          %dma_start3A_467 = arith.constant 0 : i32
          %dma_start3A_468 = tpu.memref_slice %arg7[%dma_start3A_466, %dma_start3A_467] : memref<64x640xf32, #tpu.memory_space<vmem>> -> memref<8x640xf32, #tpu.memory_space<vmem>>
          %dma_start3A_469 = arith.constant 40 : i32
          %dma_start3A_470 = tpu.memref_slice %arg2[%dma_start3A_469, %multiple_of3A_415] : memref<64x500001xf32, #tpu.memory_space<hbm>> -> memref<8x640xf32, #tpu.memory_space<hbm>>
          %dma_start3A_471 = arith.constant 40 : i32
          %dma_start3A_472 = arith.constant 0 : i32
          %dma_start3A_473 = tpu.memref_slice %arg7[%dma_start3A_471, %dma_start3A_472] : memref<64x640xf32, #tpu.memory_space<vmem>> -> memref<8x640xf32, #tpu.memory_space<vmem>>
          %dma_start3A_474 = arith.constant 40 : i32
          %dma_start3A_475 = tpu.memref_slice %arg2[%dma_start3A_474, %multiple_of3A_415] : memref<64x500001xf32, #tpu.memory_space<hbm>> -> memref<8x640xf32, #tpu.memory_space<hbm>>
          tpu.enqueue_dma source(%dma_start3A_475 : memref<8x640xf32, #tpu.memory_space<hbm>>) target(%dma_start3A_473 : memref<8x640xf32, #tpu.memory_space<vmem>>) target_semaphore(%arg13 : memref<!tpu.dma_semaphore, #tpu.memory_space<semaphore_mem>>)
          %dma_start3A_476 = arith.constant 48 : i32
          %dma_start3A_477 = arith.constant 0 : i32
          %dma_start3A_478 = tpu.memref_slice %arg7[%dma_start3A_476, %dma_start3A_477] : memref<64x640xf32, #tpu.memory_space<vmem>> -> memref<8x640xf32, #tpu.memory_space<vmem>>
          %dma_start3A_479 = arith.constant 48 : i32
          %dma_start3A_480 = tpu.memref_slice %arg2[%dma_start3A_479, %multiple_of3A_415] : memref<64x500001xf32, #tpu.memory_space<hbm>> -> memref<8x640xf32, #tpu.memory_space<hbm>>
          %dma_start3A_481 = arith.constant 48 : i32
          %dma_start3A_482 = arith.constant 0 : i32
          %dma_start3A_483 = tpu.memref_slice %arg7[%dma_start3A_481, %dma_start3A_482] : memref<64x640xf32, #tpu.memory_space<vmem>> -> memref<8x640xf32, #tpu.memory_space<vmem>>
          %dma_start3A_484 = arith.constant 48 : i32
          %dma_start3A_485 = tpu.memref_slice %arg2[%dma_start3A_484, %multiple_of3A_415] : memref<64x500001xf32, #tpu.memory_space<hbm>> -> memref<8x640xf32, #tpu.memory_space<hbm>>
          tpu.enqueue_dma source(%dma_start3A_485 : memref<8x640xf32, #tpu.memory_space<hbm>>) target(%dma_start3A_483 : memref<8x640xf32, #tpu.memory_space<vmem>>) target_semaphore(%arg13 : memref<!tpu.dma_semaphore, #tpu.memory_space<semaphore_mem>>)
          %dma_start3A_486 = arith.constant 56 : i32
          %dma_start3A_487 = arith.constant 0 : i32
          %dma_start3A_488 = tpu.memref_slice %arg7[%dma_start3A_486, %dma_start3A_487] : memref<64x640xf32, #tpu.memory_space<vmem>> -> memref<8x640xf32, #tpu.memory_space<vmem>>
          %dma_start3A_489 = arith.constant 56 : i32
          %dma_start3A_490 = tpu.memref_slice %arg2[%dma_start3A_489, %multiple_of3A_415] : memref<64x500001xf32, #tpu.memory_space<hbm>> -> memref<8x640xf32, #tpu.memory_space<hbm>>
          %dma_start3A_491 = arith.constant 56 : i32
          %dma_start3A_492 = arith.constant 0 : i32
          %dma_start3A_493 = tpu.memref_slice %arg7[%dma_start3A_491, %dma_start3A_492] : memref<64x640xf32, #tpu.memory_space<vmem>> -> memref<8x640xf32, #tpu.memory_space<vmem>>
          %dma_start3A_494 = arith.constant 56 : i32
          %dma_start3A_495 = tpu.memref_slice %arg2[%dma_start3A_494, %multiple_of3A_415] : memref<64x500001xf32, #tpu.memory_space<hbm>> -> memref<8x640xf32, #tpu.memory_space<hbm>>
          tpu.enqueue_dma source(%dma_start3A_495 : memref<8x640xf32, #tpu.memory_space<hbm>>) target(%dma_start3A_493 : memref<8x640xf32, #tpu.memory_space<vmem>>) target_semaphore(%arg13 : memref<!tpu.dma_semaphore, #tpu.memory_space<semaphore_mem>>)
        } else {
        }
        %add3A_386 = arith.constant 1 : i32
        %add3A_387 = arith.addi %mul3A_156, %add3A_386 : i32
        %mul3A_388 = arith.constant 640 : i32
        %mul3A_389 = arith.muli %add3A_387, %mul3A_388 : i32
        %add3A_390 = arith.addi %mul3A_6, %mul3A_389 : i32
        %add3A_391 = arith.constant 640 : i32
        %add3A_392 = arith.addi %add3A_390, %add3A_391 : i32
        %min3A_393 = arith.minsi %add3A_392, %min3A_9 : i32
        %mul3A_394 = arith.constant 640 : i32
        %mul3A_395 = arith.muli %add3A_387, %mul3A_394 : i32
        %add3A_396 = arith.addi %mul3A_6, %mul3A_395 : i32
        %min3A_397 = arith.constant 499456 : i32
        %min3A_398 = arith.minsi %add3A_396, %min3A_397 : i32
        %multiple_of3A_399 = tpu.assume_multiple %min3A_398, 128 : i32
        %while3A_400 = arith.constant 0 : i32
        %while3A_401 = arith.constant 0 : i32
        %while3A_402:2 = scf.while (%while3A_408 = %while3A_400, %while3A_409 = %while3A_401) : (i32, i32) -> (i32, i32) {
          %lt3A_410 = arith.cmpi slt, %while3A_408, %select_n3A : i32
          scf.condition(%lt3A_410) %while3A_408, %while3A_409 : i32, i32
        } do {
        ^bb0(%while3A_408: i32, %while3A_409: i32):
          %mul3A_410 = arith.constant 16 : i32
          %mul3A_411 = arith.muli %while3A_408, %mul3A_410 : i32
          %multiple_of3A_412 = tpu.assume_multiple %mul3A_411, 16 : i32
          %get3A = arith.index_cast %multiple_of3A_412 : i32 to index
          %get3A_413 = tpu.vector_load %arg6[%get3A] {strides = array<i32>} : memref<16400xi32, #tpu.memory_space<vmem>>, vector<16xi32>,
          %mul3A_414 = arith.constant 16 : i32
          %mul3A_415 = arith.muli %while3A_408, %mul3A_414 : i32
          %add3A_416 = vector.broadcast %mul3A_415 : i32 to vector<16xi32>
          %add3A_417 = arith.addi %iota3A, %add3A_416 : vector<16xi32>
          %lt3A_418 = vector.broadcast %reduce_max3A_24 : i32 to vector<16xi32>
          %lt3A_419 = arith.cmpi slt, %add3A_417, %lt3A_418 : vector<16xi32>
          %gather3A = tpu.vector_load_idx %arg5[%get3A_413] masked %lt3A_419 : memref<16384xi32, #tpu.memory_space<vmem>>[vector<16xi32>], vector<16xi32>, vector<16xi1>
          %ge3A = vector.broadcast %add3A_390 : i32 to vector<16xi32>
          %ge3A_420 = arith.cmpi sge, %gather3A, %ge3A : vector<16xi32>
          %and3A_421 = arith.andi %lt3A_419, %ge3A_420 : vector<16xi1>
          %lt3A_422 = vector.broadcast %min3A_393 : i32 to vector<16xi32>
          %lt3A_423 = arith.cmpi slt, %gather3A, %lt3A_422 : vector<16xi32>
          %and3A_424 = arith.andi %and3A_421, %lt3A_423 : vector<16xi1>
          %convert_element_type3A_425 = arith.extui %and3A_424 : vector<16xi1> to vector<16xi32>
          %broadcast_in_dim3A_426 = arith.constant true
          %broadcast_in_dim3A_427 = vector.broadcast %broadcast_in_dim3A_426 : i1 to vector<16xi1>
          %masked_cumsum3A = tpu.scan <sum>, %convert_element_type3A_425 masked %broadcast_in_dim3A_427 : vector<16xi32>, vector<16xi1> -> vector<16xi32>
          %add3A_428 = vector.broadcast %while3A_409 : i32 to vector<16xi32>
          %add3A_429 = arith.addi %add3A_428, %masked_cumsum3A : vector<16xi32>
          %sub3A_430 = arith.subi %add3A_429, %convert_element_type3A_425 : vector<16xi32>
          tpu.vector_store_idx %arg10[%sub3A_430], %get3A_413 masked %and3A_424 : memref<48xi32, #tpu.memory_space<vmem>>[vector<16xi32>], vector<16xi32>, vector<16xi1>
          %sub3A_431 = vector.broadcast %multiple_of3A_399 : i32 to vector<16xi32>
          %sub3A_432 = arith.subi %gather3A, %sub3A_431 : vector<16xi32>
          tpu.vector_store_idx %arg11[%sub3A_430], %sub3A_432 masked %and3A_424 : memref<48xi32, #tpu.memory_space<vmem>>[vector<16xi32>], vector<16xi32>, vector<16xi1>
          %reduce_sum3A = arith.constant true
          %reduce_sum3A_433 = vector.broadcast %reduce_sum3A : i1 to vector<16xi1>
          %reduce_sum3A_434 = tpu.scan <sum>, %convert_element_type3A_425 masked %reduce_sum3A_433 : vector<16xi32>, vector<16xi1> -> vector<16xi32>
          %reduce_sum3A_435 = vector.extract %reduce_sum3A_434[15] : i32 from vector<16xi32>
          %add3A_436 = arith.addi %while3A_409, %reduce_sum3A_435 : i32
          %gt3A_437 = arith.constant 16 : i32
          %gt3A_438 = arith.cmpi sgt, %add3A_436, %gt3A_437 : i32
          %convert_element_type3A_439 = arith.extui %gt3A_438 : i1 to i32
          %cond3A_440 = arith.constant 0 : i32
          %cond3A_441 = arith.cmpi ne, %convert_element_type3A_439, %cond3A_440 : i32
          scf.if %cond3A_441 {
            %dma_wait3A_448 = arith.constant 0 : i32
            %dma_wait3A_449 = arith.constant 0 : i32
            %dma_wait3A_450 = tpu.memref_slice %arg4[%dma_wait3A_448, %dma_wait3A_449] : memref<17408x128xf32, #tpu.memory_space<hbm>> -> memref<17408x128xf32, #tpu.memory_space<hbm>>
            tpu.wait_indirect_dma semaphore(%arg15 : memref<!tpu.dma_semaphore, #tpu.memory_space<semaphore_mem>>) src(%arg9 : memref<32x128xf32, #tpu.memory_space<vmem>>) dst(%dma_wait3A_450 : memref<17408x128xf32, #tpu.memory_space<hbm>>)
            %add3A_451 = vector.broadcast %add3A_4 : i32 to vector<16xi32>
            %add3A_452 = arith.addi %add3A_451, %iota3A : vector<16xi32>
            %add3A_453 = arith.constant 0 : i32
            %add3A_454 = vector.broadcast %add3A_453 : i32 to vector<16xi32>
            %add3A_455 = arith.addi %add3A_452, %add3A_454 : vector<16xi32>
            %swap3A_456 = arith.constant 0 : index
            %swap3A_457 = tpu.vector_load %arg12[%swap3A_456] {strides = array<i32>} : memref<32xi32, #tpu.memory_space<vmem>>, vector<16xi32>,
            tpu.vector_store %arg12[%swap3A_456], %add3A_455 {strides = array<i32>} : memref<32xi32, #tpu.memory_space<vmem>>, vector<16xi32>,
            %add3A_458 = vector.broadcast %add3A_4 : i32 to vector<16xi32>
            %add3A_459 = arith.addi %add3A_458, %iota3A : vector<16xi32>
            %add3A_460 = arith.constant 16 : i32
            %add3A_461 = vector.broadcast %add3A_460 : i32 to vector<16xi32>
            %add3A_462 = arith.addi %add3A_459, %add3A_461 : vector<16xi32>
            %swap3A_463 = arith.constant 16 : index
            %swap3A_464 = tpu.vector_load %arg12[%swap3A_463] {strides = array<i32>} : memref<32xi32, #tpu.memory_space<vmem>>, vector<16xi32>,
            tpu.vector_store %arg12[%swap3A_463], %add3A_462 {strides = array<i32>} : memref<32xi32, #tpu.memory_space<vmem>>, vector<16xi32>,
            %gt3A_465 = arith.constant 0 : i32
            %gt3A_466 = arith.cmpi sgt, %add3A_436, %gt3A_465 : i32
            %convert_element_type3A_467 = arith.extui %gt3A_466 : i1 to i32
            %cond3A_468 = arith.constant 0 : i32
            %cond3A_469 = arith.cmpi ne, %convert_element_type3A_467, %cond3A_468 : i32
            scf.if %cond3A_469 {
              %get3A_478 = arith.constant 0 : index
              %get3A_479 = tpu.vector_load %arg11[%get3A_478] {strides = array<i32>} : memref<48xi32, #tpu.memory_space<vmem>>, vector<16xi32>,
              %get3A_480 = arith.constant 0 : index
              %get3A_481 = tpu.vector_load %arg10[%get3A_480] {strides = array<i32>} : memref<48xi32, #tpu.memory_space<vmem>>, vector<16xi32>,
              %add3A_482 = arith.constant 0 : i32
              %add3A_483 = vector.broadcast %add3A_482 : i32 to vector<16xi32>
              %add3A_484 = arith.addi %iota3A, %add3A_483 : vector<16xi32>
              %lt3A_485 = vector.broadcast %add3A_436 : i32 to vector<16xi32>
              %lt3A_486 = arith.cmpi slt, %add3A_484, %lt3A_485 : vector<16xi32>
              %add3A_487 = arith.constant 0 : i32
              %add3A_488 = vector.broadcast %add3A_487 : i32 to vector<16xi32>
              %add3A_489 = arith.addi %iota3A, %add3A_488 : vector<16xi32>
              %scan3A_490 = arith.constant 0 : i32
              %scan3A_491 = arith.constant 0 : i32
              %scan3A_492 = arith.constant 64 : i32
              %scan3A_493 = arith.addi %scan3A_491, %scan3A_492 : i32
              %scan3A_494 = arith.constant 8 : i32
              %scan3A_495 = scf.for %scan3A_497 = %scan3A_491 to %scan3A_493 step %scan3A_494 iter_args(%scan3A_498 = %scan3A_490) -> (i32)  : i32 {
                %broadcast_in_dim3A_499 = arith.constant 1 : i32
                %broadcast_in_dim3A_500 = vector.broadcast %broadcast_in_dim3A_499 : i32 to vector<16xi32>
                %mul3A_501 = vector.broadcast %scan3A_497 : i32 to vector<16xi32>
                %mul3A_502 = arith.muli %broadcast_in_dim3A_500, %mul3A_501 : vector<16xi32>
                %gather3A_503 = tpu.vector_load_idx %arg8[%mul3A_502, %get3A_479] masked %lt3A_486 : memref<64x640xf32, #tpu.memory_space<vmem>>[vector<16xi32>, vector<16xi32>], vector<16xf32>, vector<16xi1>
                tpu.vector_store_idx %arg9[%add3A_489, %mul3A_502], %gather3A_503 masked %lt3A_486 : memref<32x128xf32, #tpu.memory_space<vmem>>[vector<16xi32>, vector<16xi32>], vector<16xf32>, vector<16xi1>
                %scan3A_504 = arith.constant 0 : i32
                %scan3A_505 = arith.constant 1 : i32
                %scan3A_506 = arith.addi %scan3A_497, %scan3A_505 : i32
                %broadcast_in_dim3A_507 = arith.constant 1 : i32
                %broadcast_in_dim3A_508 = vector.broadcast %broadcast_in_dim3A_507 : i32 to vector<16xi32>
                %mul3A_509 = vector.broadcast %scan3A_506 : i32 to vector<16xi32>
                %mul3A_510 = arith.muli %broadcast_in_dim3A_508, %mul3A_509 : vector<16xi32>
                %gather3A_511 = tpu.vector_load_idx %arg8[%mul3A_510, %get3A_479] masked %lt3A_486 : memref<64x640xf32, #tpu.memory_space<vmem>>[vector<16xi32>, vector<16xi32>], vector<16xf32>, vector<16xi1>
                tpu.vector_store_idx %arg9[%add3A_489, %mul3A_510], %gather3A_511 masked %lt3A_486 : memref<32x128xf32, #tpu.memory_space<vmem>>[vector<16xi32>, vector<16xi32>], vector<16xf32>, vector<16xi1>
                %scan3A_512 = arith.constant 0 : i32
                %scan3A_513 = arith.constant 2 : i32
                %scan3A_514 = arith.addi %scan3A_497, %scan3A_513 : i32
                %broadcast_in_dim3A_515 = arith.constant 1 : i32
                %broadcast_in_dim3A_516 = vector.broadcast %broadcast_in_dim3A_515 : i32 to vector<16xi32>
                %mul3A_517 = vector.broadcast %scan3A_514 : i32 to vector<16xi32>
                %mul3A_518 = arith.muli %broadcast_in_dim3A_516, %mul3A_517 : vector<16xi32>
                %gather3A_519 = tpu.vector_load_idx %arg8[%mul3A_518, %get3A_479] masked %lt3A_486 : memref<64x640xf32, #tpu.memory_space<vmem>>[vector<16xi32>, vector<16xi32>], vector<16xf32>, vector<16xi1>
                tpu.vector_store_idx %arg9[%add3A_489, %mul3A_518], %gather3A_519 masked %lt3A_486 : memref<32x128xf32, #tpu.memory_space<vmem>>[vector<16xi32>, vector<16xi32>], vector<16xf32>, vector<16xi1>
                %scan3A_520 = arith.constant 0 : i32
                %scan3A_521 = arith.constant 3 : i32
                %scan3A_522 = arith.addi %scan3A_497, %scan3A_521 : i32
                %broadcast_in_dim3A_523 = arith.constant 1 : i32
                %broadcast_in_dim3A_524 = vector.broadcast %broadcast_in_dim3A_523 : i32 to vector<16xi32>
                %mul3A_525 = vector.broadcast %scan3A_522 : i32 to vector<16xi32>
                %mul3A_526 = arith.muli %broadcast_in_dim3A_524, %mul3A_525 : vector<16xi32>
                %gather3A_527 = tpu.vector_load_idx %arg8[%mul3A_526, %get3A_479] masked %lt3A_486 : memref<64x640xf32, #tpu.memory_space<vmem>>[vector<16xi32>, vector<16xi32>], vector<16xf32>, vector<16xi1>
                tpu.vector_store_idx %arg9[%add3A_489, %mul3A_526], %gather3A_527 masked %lt3A_486 : memref<32x128xf32, #tpu.memory_space<vmem>>[vector<16xi32>, vector<16xi32>], vector<16xf32>, vector<16xi1>
                %scan3A_528 = arith.constant 0 : i32
                %scan3A_529 = arith.constant 4 : i32
                %scan3A_530 = arith.addi %scan3A_497, %scan3A_529 : i32
                %broadcast_in_dim3A_531 = arith.constant 1 : i32
                %broadcast_in_dim3A_532 = vector.broadcast %broadcast_in_dim3A_531 : i32 to vector<16xi32>
                %mul3A_533 = vector.broadcast %scan3A_530 : i32 to vector<16xi32>
                %mul3A_534 = arith.muli %broadcast_in_dim3A_532, %mul3A_533 : vector<16xi32>
                %gather3A_535 = tpu.vector_load_idx %arg8[%mul3A_534, %get3A_479] masked %lt3A_486 : memref<64x640xf32, #tpu.memory_space<vmem>>[vector<16xi32>, vector<16xi32>], vector<16xf32>, vector<16xi1>
                tpu.vector_store_idx %arg9[%add3A_489, %mul3A_534], %gather3A_535 masked %lt3A_486 : memref<32x128xf32, #tpu.memory_space<vmem>>[vector<16xi32>, vector<16xi32>], vector<16xf32>, vector<16xi1>
                %scan3A_536 = arith.constant 0 : i32
                %scan3A_537 = arith.constant 5 : i32
                %scan3A_538 = arith.addi %scan3A_497, %scan3A_537 : i32
                %broadcast_in_dim3A_539 = arith.constant 1 : i32
                %broadcast_in_dim3A_540 = vector.broadcast %broadcast_in_dim3A_539 : i32 to vector<16xi32>
                %mul3A_541 = vector.broadcast %scan3A_538 : i32 to vector<16xi32>
                %mul3A_542 = arith.muli %broadcast_in_dim3A_540, %mul3A_541 : vector<16xi32>
                %gather3A_543 = tpu.vector_load_idx %arg8[%mul3A_542, %get3A_479] masked %lt3A_486 : memref<64x640xf32, #tpu.memory_space<vmem>>[vector<16xi32>, vector<16xi32>], vector<16xf32>, vector<16xi1>
                tpu.vector_store_idx %arg9[%add3A_489, %mul3A_542], %gather3A_543 masked %lt3A_486 : memref<32x128xf32, #tpu.memory_space<vmem>>[vector<16xi32>, vector<16xi32>], vector<16xf32>, vector<16xi1>
                %scan3A_544 = arith.constant 0 : i32
                %scan3A_545 = arith.constant 6 : i32
                %scan3A_546 = arith.addi %scan3A_497, %scan3A_545 : i32
                %broadcast_in_dim3A_547 = arith.constant 1 : i32
                %broadcast_in_dim3A_548 = vector.broadcast %broadcast_in_dim3A_547 : i32 to vector<16xi32>
                %mul3A_549 = vector.broadcast %scan3A_546 : i32 to vector<16xi32>
                %mul3A_550 = arith.muli %broadcast_in_dim3A_548, %mul3A_549 : vector<16xi32>
                %gather3A_551 = tpu.vector_load_idx %arg8[%mul3A_550, %get3A_479] masked %lt3A_486 : memref<64x640xf32, #tpu.memory_space<vmem>>[vector<16xi32>, vector<16xi32>], vector<16xf32>, vector<16xi1>
                tpu.vector_store_idx %arg9[%add3A_489, %mul3A_550], %gather3A_551 masked %lt3A_486 : memref<32x128xf32, #tpu.memory_space<vmem>>[vector<16xi32>, vector<16xi32>], vector<16xf32>, vector<16xi1>
                %scan3A_552 = arith.constant 0 : i32
                %scan3A_553 = arith.constant 7 : i32
                %scan3A_554 = arith.addi %scan3A_497, %scan3A_553 : i32
                %broadcast_in_dim3A_555 = arith.constant 1 : i32
                %broadcast_in_dim3A_556 = vector.broadcast %broadcast_in_dim3A_555 : i32 to vector<16xi32>
                %mul3A_557 = vector.broadcast %scan3A_554 : i32 to vector<16xi32>
                %mul3A_558 = arith.muli %broadcast_in_dim3A_556, %mul3A_557 : vector<16xi32>
                %gather3A_559 = tpu.vector_load_idx %arg8[%mul3A_558, %get3A_479] masked %lt3A_486 : memref<64x640xf32, #tpu.memory_space<vmem>>[vector<16xi32>, vector<16xi32>], vector<16xf32>, vector<16xi1>
                tpu.vector_store_idx %arg9[%add3A_489, %mul3A_558], %gather3A_559 masked %lt3A_486 : memref<32x128xf32, #tpu.memory_space<vmem>>[vector<16xi32>, vector<16xi32>], vector<16xf32>, vector<16xi1>
                %scan3A_560 = arith.constant 0 : i32
                scf.yield %scan3A_560 : i32
              }
              %scan3A_496 = arith.constant 64 : i32
              tpu.vector_store_idx %arg12[%add3A_489], %get3A_481 masked %lt3A_486 : memref<32xi32, #tpu.memory_space<vmem>>[vector<16xi32>], vector<16xi32>, vector<16xi1>
            } else {
            }
            %gt3A_470 = arith.constant 16 : i32
            %gt3A_471 = arith.cmpi sgt, %add3A_436, %gt3A_470 : i32
            %convert_element_type3A_472 = arith.extui %gt3A_471 : i1 to i32
            %cond3A_473 = arith.constant 0 : i32
            %cond3A_474 = arith.cmpi ne, %convert_element_type3A_472, %cond3A_473 : i32
            scf.if %cond3A_474 {
              %get3A_478 = arith.constant 16 : index
              %get3A_479 = tpu.vector_load %arg11[%get3A_478] {strides = array<i32>} : memref<48xi32, #tpu.memory_space<vmem>>, vector<16xi32>,
              %get3A_480 = arith.constant 16 : index
              %get3A_481 = tpu.vector_load %arg10[%get3A_480] {strides = array<i32>} : memref<48xi32, #tpu.memory_space<vmem>>, vector<16xi32>,
              %add3A_482 = arith.constant 16 : i32
              %add3A_483 = vector.broadcast %add3A_482 : i32 to vector<16xi32>
              %add3A_484 = arith.addi %iota3A, %add3A_483 : vector<16xi32>
              %lt3A_485 = vector.broadcast %add3A_436 : i32 to vector<16xi32>
              %lt3A_486 = arith.cmpi slt, %add3A_484, %lt3A_485 : vector<16xi32>
              %add3A_487 = arith.constant 16 : i32
              %add3A_488 = vector.broadcast %add3A_487 : i32 to vector<16xi32>
              %add3A_489 = arith.addi %iota3A, %add3A_488 : vector<16xi32>
              %scan3A_490 = arith.constant 0 : i32
              %scan3A_491 = arith.constant 0 : i32
              %scan3A_492 = arith.constant 64 : i32
              %scan3A_493 = arith.addi %scan3A_491, %scan3A_492 : i32
              %scan3A_494 = arith.constant 8 : i32
              %scan3A_495 = scf.for %scan3A_497 = %scan3A_491 to %scan3A_493 step %scan3A_494 iter_args(%scan3A_498 = %scan3A_490) -> (i32)  : i32 {
                %broadcast_in_dim3A_499 = arith.constant 1 : i32
                %broadcast_in_dim3A_500 = vector.broadcast %broadcast_in_dim3A_499 : i32 to vector<16xi32>
                %mul3A_501 = vector.broadcast %scan3A_497 : i32 to vector<16xi32>
                %mul3A_502 = arith.muli %broadcast_in_dim3A_500, %mul3A_501 : vector<16xi32>
                %gather3A_503 = tpu.vector_load_idx %arg8[%mul3A_502, %get3A_479] masked %lt3A_486 : memref<64x640xf32, #tpu.memory_space<vmem>>[vector<16xi32>, vector<16xi32>], vector<16xf32>, vector<16xi1>
                tpu.vector_store_idx %arg9[%add3A_489, %mul3A_502], %gather3A_503 masked %lt3A_486 : memref<32x128xf32, #tpu.memory_space<vmem>>[vector<16xi32>, vector<16xi32>], vector<16xf32>, vector<16xi1>
                %scan3A_504 = arith.constant 0 : i32
                %scan3A_505 = arith.constant 1 : i32
                %scan3A_506 = arith.addi %scan3A_497, %scan3A_505 : i32
                %broadcast_in_dim3A_507 = arith.constant 1 : i32
                %broadcast_in_dim3A_508 = vector.broadcast %broadcast_in_dim3A_507 : i32 to vector<16xi32>
                %mul3A_509 = vector.broadcast %scan3A_506 : i32 to vector<16xi32>
                %mul3A_510 = arith.muli %broadcast_in_dim3A_508, %mul3A_509 : vector<16xi32>
                %gather3A_511 = tpu.vector_load_idx %arg8[%mul3A_510, %get3A_479] masked %lt3A_486 : memref<64x640xf32, #tpu.memory_space<vmem>>[vector<16xi32>, vector<16xi32>], vector<16xf32>, vector<16xi1>
                tpu.vector_store_idx %arg9[%add3A_489, %mul3A_510], %gather3A_511 masked %lt3A_486 : memref<32x128xf32, #tpu.memory_space<vmem>>[vector<16xi32>, vector<16xi32>], vector<16xf32>, vector<16xi1>
                %scan3A_512 = arith.constant 0 : i32
                %scan3A_513 = arith.constant 2 : i32
                %scan3A_514 = arith.addi %scan3A_497, %scan3A_513 : i32
                %broadcast_in_dim3A_515 = arith.constant 1 : i32
                %broadcast_in_dim3A_516 = vector.broadcast %broadcast_in_dim3A_515 : i32 to vector<16xi32>
                %mul3A_517 = vector.broadcast %scan3A_514 : i32 to vector<16xi32>
                %mul3A_518 = arith.muli %broadcast_in_dim3A_516, %mul3A_517 : vector<16xi32>
                %gather3A_519 = tpu.vector_load_idx %arg8[%mul3A_518, %get3A_479] masked %lt3A_486 : memref<64x640xf32, #tpu.memory_space<vmem>>[vector<16xi32>, vector<16xi32>], vector<16xf32>, vector<16xi1>
                tpu.vector_store_idx %arg9[%add3A_489, %mul3A_518], %gather3A_519 masked %lt3A_486 : memref<32x128xf32, #tpu.memory_space<vmem>>[vector<16xi32>, vector<16xi32>], vector<16xf32>, vector<16xi1>
                %scan3A_520 = arith.constant 0 : i32
                %scan3A_521 = arith.constant 3 : i32
                %scan3A_522 = arith.addi %scan3A_497, %scan3A_521 : i32
                %broadcast_in_dim3A_523 = arith.constant 1 : i32
                %broadcast_in_dim3A_524 = vector.broadcast %broadcast_in_dim3A_523 : i32 to vector<16xi32>
                %mul3A_525 = vector.broadcast %scan3A_522 : i32 to vector<16xi32>
                %mul3A_526 = arith.muli %broadcast_in_dim3A_524, %mul3A_525 : vector<16xi32>
                %gather3A_527 = tpu.vector_load_idx %arg8[%mul3A_526, %get3A_479] masked %lt3A_486 : memref<64x640xf32, #tpu.memory_space<vmem>>[vector<16xi32>, vector<16xi32>], vector<16xf32>, vector<16xi1>
                tpu.vector_store_idx %arg9[%add3A_489, %mul3A_526], %gather3A_527 masked %lt3A_486 : memref<32x128xf32, #tpu.memory_space<vmem>>[vector<16xi32>, vector<16xi32>], vector<16xf32>, vector<16xi1>
                %scan3A_528 = arith.constant 0 : i32
                %scan3A_529 = arith.constant 4 : i32
                %scan3A_530 = arith.addi %scan3A_497, %scan3A_529 : i32
                %broadcast_in_dim3A_531 = arith.constant 1 : i32
                %broadcast_in_dim3A_532 = vector.broadcast %broadcast_in_dim3A_531 : i32 to vector<16xi32>
                %mul3A_533 = vector.broadcast %scan3A_530 : i32 to vector<16xi32>
                %mul3A_534 = arith.muli %broadcast_in_dim3A_532, %mul3A_533 : vector<16xi32>
                %gather3A_535 = tpu.vector_load_idx %arg8[%mul3A_534, %get3A_479] masked %lt3A_486 : memref<64x640xf32, #tpu.memory_space<vmem>>[vector<16xi32>, vector<16xi32>], vector<16xf32>, vector<16xi1>
                tpu.vector_store_idx %arg9[%add3A_489, %mul3A_534], %gather3A_535 masked %lt3A_486 : memref<32x128xf32, #tpu.memory_space<vmem>>[vector<16xi32>, vector<16xi32>], vector<16xf32>, vector<16xi1>
                %scan3A_536 = arith.constant 0 : i32
                %scan3A_537 = arith.constant 5 : i32
                %scan3A_538 = arith.addi %scan3A_497, %scan3A_537 : i32
                %broadcast_in_dim3A_539 = arith.constant 1 : i32
                %broadcast_in_dim3A_540 = vector.broadcast %broadcast_in_dim3A_539 : i32 to vector<16xi32>
                %mul3A_541 = vector.broadcast %scan3A_538 : i32 to vector<16xi32>
                %mul3A_542 = arith.muli %broadcast_in_dim3A_540, %mul3A_541 : vector<16xi32>
                %gather3A_543 = tpu.vector_load_idx %arg8[%mul3A_542, %get3A_479] masked %lt3A_486 : memref<64x640xf32, #tpu.memory_space<vmem>>[vector<16xi32>, vector<16xi32>], vector<16xf32>, vector<16xi1>
                tpu.vector_store_idx %arg9[%add3A_489, %mul3A_542], %gather3A_543 masked %lt3A_486 : memref<32x128xf32, #tpu.memory_space<vmem>>[vector<16xi32>, vector<16xi32>], vector<16xf32>, vector<16xi1>
                %scan3A_544 = arith.constant 0 : i32
                %scan3A_545 = arith.constant 6 : i32
                %scan3A_546 = arith.addi %scan3A_497, %scan3A_545 : i32
                %broadcast_in_dim3A_547 = arith.constant 1 : i32
                %broadcast_in_dim3A_548 = vector.broadcast %broadcast_in_dim3A_547 : i32 to vector<16xi32>
                %mul3A_549 = vector.broadcast %scan3A_546 : i32 to vector<16xi32>
                %mul3A_550 = arith.muli %broadcast_in_dim3A_548, %mul3A_549 : vector<16xi32>
                %gather3A_551 = tpu.vector_load_idx %arg8[%mul3A_550, %get3A_479] masked %lt3A_486 : memref<64x640xf32, #tpu.memory_space<vmem>>[vector<16xi32>, vector<16xi32>], vector<16xf32>, vector<16xi1>
                tpu.vector_store_idx %arg9[%add3A_489, %mul3A_550], %gather3A_551 masked %lt3A_486 : memref<32x128xf32, #tpu.memory_space<vmem>>[vector<16xi32>, vector<16xi32>], vector<16xf32>, vector<16xi1>
                %scan3A_552 = arith.constant 0 : i32
                %scan3A_553 = arith.constant 7 : i32
                %scan3A_554 = arith.addi %scan3A_497, %scan3A_553 : i32
                %broadcast_in_dim3A_555 = arith.constant 1 : i32
                %broadcast_in_dim3A_556 = vector.broadcast %broadcast_in_dim3A_555 : i32 to vector<16xi32>
                %mul3A_557 = vector.broadcast %scan3A_554 : i32 to vector<16xi32>
                %mul3A_558 = arith.muli %broadcast_in_dim3A_556, %mul3A_557 : vector<16xi32>
                %gather3A_559 = tpu.vector_load_idx %arg8[%mul3A_558, %get3A_479] masked %lt3A_486 : memref<64x640xf32, #tpu.memory_space<vmem>>[vector<16xi32>, vector<16xi32>], vector<16xf32>, vector<16xi1>
                tpu.vector_store_idx %arg9[%add3A_489, %mul3A_558], %gather3A_559 masked %lt3A_486 : memref<32x128xf32, #tpu.memory_space<vmem>>[vector<16xi32>, vector<16xi32>], vector<16xf32>, vector<16xi1>
                %scan3A_560 = arith.constant 0 : i32
                scf.yield %scan3A_560 : i32
              }
              %scan3A_496 = arith.constant 64 : i32
              tpu.vector_store_idx %arg12[%add3A_489], %get3A_481 masked %lt3A_486 : memref<32xi32, #tpu.memory_space<vmem>>[vector<16xi32>], vector<16xi32>, vector<16xi1>
            } else {
            }
            %dma_start3A_475 = arith.constant 0 : i32
            %dma_start3A_476 = arith.constant 0 : i32
            %dma_start3A_477 = tpu.memref_slice %arg4[%dma_start3A_475, %dma_start3A_476] : memref<17408x128xf32, #tpu.memory_space<hbm>> -> memref<17408x128xf32, #tpu.memory_space<hbm>>
            tpu.enqueue_indirect_dma source(%arg9 : memref<32x128xf32, #tpu.memory_space<vmem>>) target(%dma_start3A_477 : memref<17408x128xf32, #tpu.memory_space<hbm>>) offsets(%arg12 : memref<32xi32, #tpu.memory_space<vmem>>) semaphore(%arg15 : memref<!tpu.dma_semaphore, #tpu.memory_space<semaphore_mem>>)
          } else {
          }
          %add3A_442 = arith.constant 1 : i32
          %add3A_443 = arith.addi %while3A_408, %add3A_442 : i32
          %gt3A_444 = arith.constant 16 : i32
          %gt3A_445 = arith.cmpi sgt, %add3A_436, %gt3A_444 : i32
          %jit3A_446 = arith.constant 0 : i32
          %select_n3A_447 = arith.select %gt3A_445, %jit3A_446, %add3A_436 : i32
          scf.yield %add3A_443, %select_n3A_447 : i32, i32
        }
        %gt3A_403 = arith.constant 0 : i32
        %gt3A_404 = arith.cmpi sgt, %while3A_402#1, %gt3A_403 : i32
        %convert_element_type3A_405 = arith.extui %gt3A_404 : i1 to i32
        %cond3A_406 = arith.constant 0 : i32
        %cond3A_407 = arith.cmpi ne, %convert_element_type3A_405, %cond3A_406 : i32
        scf.if %cond3A_407 {
          %dma_wait3A_408 = arith.constant 0 : i32
          %dma_wait3A_409 = arith.constant 0 : i32
          %dma_wait3A_410 = tpu.memref_slice %arg4[%dma_wait3A_408, %dma_wait3A_409] : memref<17408x128xf32, #tpu.memory_space<hbm>> -> memref<17408x128xf32, #tpu.memory_space<hbm>>
          tpu.wait_indirect_dma semaphore(%arg15 : memref<!tpu.dma_semaphore, #tpu.memory_space<semaphore_mem>>) src(%arg9 : memref<32x128xf32, #tpu.memory_space<vmem>>) dst(%dma_wait3A_410 : memref<17408x128xf32, #tpu.memory_space<hbm>>)
          %add3A_411 = vector.broadcast %add3A_4 : i32 to vector<16xi32>
          %add3A_412 = arith.addi %add3A_411, %iota3A : vector<16xi32>
          %add3A_413 = arith.constant 0 : i32
          %add3A_414 = vector.broadcast %add3A_413 : i32 to vector<16xi32>
          %add3A_415 = arith.addi %add3A_412, %add3A_414 : vector<16xi32>
          %swap3A_416 = arith.constant 0 : index
          %swap3A_417 = tpu.vector_load %arg12[%swap3A_416] {strides = array<i32>} : memref<32xi32, #tpu.memory_space<vmem>>, vector<16xi32>,
          tpu.vector_store %arg12[%swap3A_416], %add3A_415 {strides = array<i32>} : memref<32xi32, #tpu.memory_space<vmem>>, vector<16xi32>,
          %add3A_418 = vector.broadcast %add3A_4 : i32 to vector<16xi32>
          %add3A_419 = arith.addi %add3A_418, %iota3A : vector<16xi32>
          %add3A_420 = arith.constant 16 : i32
          %add3A_421 = vector.broadcast %add3A_420 : i32 to vector<16xi32>
          %add3A_422 = arith.addi %add3A_419, %add3A_421 : vector<16xi32>
          %swap3A_423 = arith.constant 16 : index
          %swap3A_424 = tpu.vector_load %arg12[%swap3A_423] {strides = array<i32>} : memref<32xi32, #tpu.memory_space<vmem>>, vector<16xi32>,
          tpu.vector_store %arg12[%swap3A_423], %add3A_422 {strides = array<i32>} : memref<32xi32, #tpu.memory_space<vmem>>, vector<16xi32>,
          %gt3A_425 = arith.constant 0 : i32
          %gt3A_426 = arith.cmpi sgt, %while3A_402#1, %gt3A_425 : i32
          %convert_element_type3A_427 = arith.extui %gt3A_426 : i1 to i32
          %cond3A_428 = arith.constant 0 : i32
          %cond3A_429 = arith.cmpi ne, %convert_element_type3A_427, %cond3A_428 : i32
          scf.if %cond3A_429 {
            %get3A = arith.constant 0 : index
            %get3A_438 = tpu.vector_load %arg11[%get3A] {strides = array<i32>} : memref<48xi32, #tpu.memory_space<vmem>>, vector<16xi32>,
            %get3A_439 = arith.constant 0 : index
            %get3A_440 = tpu.vector_load %arg10[%get3A_439] {strides = array<i32>} : memref<48xi32, #tpu.memory_space<vmem>>, vector<16xi32>,
            %add3A_441 = arith.constant 0 : i32
            %add3A_442 = vector.broadcast %add3A_441 : i32 to vector<16xi32>
            %add3A_443 = arith.addi %iota3A, %add3A_442 : vector<16xi32>
            %lt3A_444 = vector.broadcast %while3A_402#1 : i32 to vector<16xi32>
            %lt3A_445 = arith.cmpi slt, %add3A_443, %lt3A_444 : vector<16xi32>
            %add3A_446 = arith.constant 0 : i32
            %add3A_447 = vector.broadcast %add3A_446 : i32 to vector<16xi32>
            %add3A_448 = arith.addi %iota3A, %add3A_447 : vector<16xi32>
            %scan3A_449 = arith.constant 0 : i32
            %scan3A_450 = arith.constant 0 : i32
            %scan3A_451 = arith.constant 64 : i32
            %scan3A_452 = arith.addi %scan3A_450, %scan3A_451 : i32
            %scan3A_453 = arith.constant 8 : i32
            %scan3A_454 = scf.for %scan3A_456 = %scan3A_450 to %scan3A_452 step %scan3A_453 iter_args(%scan3A_457 = %scan3A_449) -> (i32)  : i32 {
              %broadcast_in_dim3A_458 = arith.constant 1 : i32
              %broadcast_in_dim3A_459 = vector.broadcast %broadcast_in_dim3A_458 : i32 to vector<16xi32>
              %mul3A_460 = vector.broadcast %scan3A_456 : i32 to vector<16xi32>
              %mul3A_461 = arith.muli %broadcast_in_dim3A_459, %mul3A_460 : vector<16xi32>
              %gather3A = tpu.vector_load_idx %arg8[%mul3A_461, %get3A_438] masked %lt3A_445 : memref<64x640xf32, #tpu.memory_space<vmem>>[vector<16xi32>, vector<16xi32>], vector<16xf32>, vector<16xi1>
              tpu.vector_store_idx %arg9[%add3A_448, %mul3A_461], %gather3A masked %lt3A_445 : memref<32x128xf32, #tpu.memory_space<vmem>>[vector<16xi32>, vector<16xi32>], vector<16xf32>, vector<16xi1>
              %scan3A_462 = arith.constant 0 : i32
              %scan3A_463 = arith.constant 1 : i32
              %scan3A_464 = arith.addi %scan3A_456, %scan3A_463 : i32
              %broadcast_in_dim3A_465 = arith.constant 1 : i32
              %broadcast_in_dim3A_466 = vector.broadcast %broadcast_in_dim3A_465 : i32 to vector<16xi32>
              %mul3A_467 = vector.broadcast %scan3A_464 : i32 to vector<16xi32>
              %mul3A_468 = arith.muli %broadcast_in_dim3A_466, %mul3A_467 : vector<16xi32>
              %gather3A_469 = tpu.vector_load_idx %arg8[%mul3A_468, %get3A_438] masked %lt3A_445 : memref<64x640xf32, #tpu.memory_space<vmem>>[vector<16xi32>, vector<16xi32>], vector<16xf32>, vector<16xi1>
              tpu.vector_store_idx %arg9[%add3A_448, %mul3A_468], %gather3A_469 masked %lt3A_445 : memref<32x128xf32, #tpu.memory_space<vmem>>[vector<16xi32>, vector<16xi32>], vector<16xf32>, vector<16xi1>
              %scan3A_470 = arith.constant 0 : i32
              %scan3A_471 = arith.constant 2 : i32
              %scan3A_472 = arith.addi %scan3A_456, %scan3A_471 : i32
              %broadcast_in_dim3A_473 = arith.constant 1 : i32
              %broadcast_in_dim3A_474 = vector.broadcast %broadcast_in_dim3A_473 : i32 to vector<16xi32>
              %mul3A_475 = vector.broadcast %scan3A_472 : i32 to vector<16xi32>
              %mul3A_476 = arith.muli %broadcast_in_dim3A_474, %mul3A_475 : vector<16xi32>
              %gather3A_477 = tpu.vector_load_idx %arg8[%mul3A_476, %get3A_438] masked %lt3A_445 : memref<64x640xf32, #tpu.memory_space<vmem>>[vector<16xi32>, vector<16xi32>], vector<16xf32>, vector<16xi1>
              tpu.vector_store_idx %arg9[%add3A_448, %mul3A_476], %gather3A_477 masked %lt3A_445 : memref<32x128xf32, #tpu.memory_space<vmem>>[vector<16xi32>, vector<16xi32>], vector<16xf32>, vector<16xi1>
              %scan3A_478 = arith.constant 0 : i32
              %scan3A_479 = arith.constant 3 : i32
              %scan3A_480 = arith.addi %scan3A_456, %scan3A_479 : i32
              %broadcast_in_dim3A_481 = arith.constant 1 : i32
              %broadcast_in_dim3A_482 = vector.broadcast %broadcast_in_dim3A_481 : i32 to vector<16xi32>
              %mul3A_483 = vector.broadcast %scan3A_480 : i32 to vector<16xi32>
              %mul3A_484 = arith.muli %broadcast_in_dim3A_482, %mul3A_483 : vector<16xi32>
              %gather3A_485 = tpu.vector_load_idx %arg8[%mul3A_484, %get3A_438] masked %lt3A_445 : memref<64x640xf32, #tpu.memory_space<vmem>>[vector<16xi32>, vector<16xi32>], vector<16xf32>, vector<16xi1>
              tpu.vector_store_idx %arg9[%add3A_448, %mul3A_484], %gather3A_485 masked %lt3A_445 : memref<32x128xf32, #tpu.memory_space<vmem>>[vector<16xi32>, vector<16xi32>], vector<16xf32>, vector<16xi1>
              %scan3A_486 = arith.constant 0 : i32
              %scan3A_487 = arith.constant 4 : i32
              %scan3A_488 = arith.addi %scan3A_456, %scan3A_487 : i32
              %broadcast_in_dim3A_489 = arith.constant 1 : i32
              %broadcast_in_dim3A_490 = vector.broadcast %broadcast_in_dim3A_489 : i32 to vector<16xi32>
              %mul3A_491 = vector.broadcast %scan3A_488 : i32 to vector<16xi32>
              %mul3A_492 = arith.muli %broadcast_in_dim3A_490, %mul3A_491 : vector<16xi32>
              %gather3A_493 = tpu.vector_load_idx %arg8[%mul3A_492, %get3A_438] masked %lt3A_445 : memref<64x640xf32, #tpu.memory_space<vmem>>[vector<16xi32>, vector<16xi32>], vector<16xf32>, vector<16xi1>
              tpu.vector_store_idx %arg9[%add3A_448, %mul3A_492], %gather3A_493 masked %lt3A_445 : memref<32x128xf32, #tpu.memory_space<vmem>>[vector<16xi32>, vector<16xi32>], vector<16xf32>, vector<16xi1>
              %scan3A_494 = arith.constant 0 : i32
              %scan3A_495 = arith.constant 5 : i32
              %scan3A_496 = arith.addi %scan3A_456, %scan3A_495 : i32
              %broadcast_in_dim3A_497 = arith.constant 1 : i32
              %broadcast_in_dim3A_498 = vector.broadcast %broadcast_in_dim3A_497 : i32 to vector<16xi32>
              %mul3A_499 = vector.broadcast %scan3A_496 : i32 to vector<16xi32>
              %mul3A_500 = arith.muli %broadcast_in_dim3A_498, %mul3A_499 : vector<16xi32>
              %gather3A_501 = tpu.vector_load_idx %arg8[%mul3A_500, %get3A_438] masked %lt3A_445 : memref<64x640xf32, #tpu.memory_space<vmem>>[vector<16xi32>, vector<16xi32>], vector<16xf32>, vector<16xi1>
              tpu.vector_store_idx %arg9[%add3A_448, %mul3A_500], %gather3A_501 masked %lt3A_445 : memref<32x128xf32, #tpu.memory_space<vmem>>[vector<16xi32>, vector<16xi32>], vector<16xf32>, vector<16xi1>
              %scan3A_502 = arith.constant 0 : i32
              %scan3A_503 = arith.constant 6 : i32
              %scan3A_504 = arith.addi %scan3A_456, %scan3A_503 : i32
              %broadcast_in_dim3A_505 = arith.constant 1 : i32
              %broadcast_in_dim3A_506 = vector.broadcast %broadcast_in_dim3A_505 : i32 to vector<16xi32>
              %mul3A_507 = vector.broadcast %scan3A_504 : i32 to vector<16xi32>
              %mul3A_508 = arith.muli %broadcast_in_dim3A_506, %mul3A_507 : vector<16xi32>
              %gather3A_509 = tpu.vector_load_idx %arg8[%mul3A_508, %get3A_438] masked %lt3A_445 : memref<64x640xf32, #tpu.memory_space<vmem>>[vector<16xi32>, vector<16xi32>], vector<16xf32>, vector<16xi1>
              tpu.vector_store_idx %arg9[%add3A_448, %mul3A_508], %gather3A_509 masked %lt3A_445 : memref<32x128xf32, #tpu.memory_space<vmem>>[vector<16xi32>, vector<16xi32>], vector<16xf32>, vector<16xi1>
              %scan3A_510 = arith.constant 0 : i32
              %scan3A_511 = arith.constant 7 : i32
              %scan3A_512 = arith.addi %scan3A_456, %scan3A_511 : i32
              %broadcast_in_dim3A_513 = arith.constant 1 : i32
              %broadcast_in_dim3A_514 = vector.broadcast %broadcast_in_dim3A_513 : i32 to vector<16xi32>
              %mul3A_515 = vector.broadcast %scan3A_512 : i32 to vector<16xi32>
              %mul3A_516 = arith.muli %broadcast_in_dim3A_514, %mul3A_515 : vector<16xi32>
              %gather3A_517 = tpu.vector_load_idx %arg8[%mul3A_516, %get3A_438] masked %lt3A_445 : memref<64x640xf32, #tpu.memory_space<vmem>>[vector<16xi32>, vector<16xi32>], vector<16xf32>, vector<16xi1>
              tpu.vector_store_idx %arg9[%add3A_448, %mul3A_516], %gather3A_517 masked %lt3A_445 : memref<32x128xf32, #tpu.memory_space<vmem>>[vector<16xi32>, vector<16xi32>], vector<16xf32>, vector<16xi1>
              %scan3A_518 = arith.constant 0 : i32
              scf.yield %scan3A_518 : i32
            }
            %scan3A_455 = arith.constant 64 : i32
            tpu.vector_store_idx %arg12[%add3A_448], %get3A_440 masked %lt3A_445 : memref<32xi32, #tpu.memory_space<vmem>>[vector<16xi32>], vector<16xi32>, vector<16xi1>
          } else {
          }
          %gt3A_430 = arith.constant 16 : i32
          %gt3A_431 = arith.cmpi sgt, %while3A_402#1, %gt3A_430 : i32
          %convert_element_type3A_432 = arith.extui %gt3A_431 : i1 to i32
          %cond3A_433 = arith.constant 0 : i32
          %cond3A_434 = arith.cmpi ne, %convert_element_type3A_432, %cond3A_433 : i32
          scf.if %cond3A_434 {
            %get3A = arith.constant 16 : index
            %get3A_438 = tpu.vector_load %arg11[%get3A] {strides = array<i32>} : memref<48xi32, #tpu.memory_space<vmem>>, vector<16xi32>,
            %get3A_439 = arith.constant 16 : index
            %get3A_440 = tpu.vector_load %arg10[%get3A_439] {strides = array<i32>} : memref<48xi32, #tpu.memory_space<vmem>>, vector<16xi32>,
            %add3A_441 = arith.constant 16 : i32
            %add3A_442 = vector.broadcast %add3A_441 : i32 to vector<16xi32>
            %add3A_443 = arith.addi %iota3A, %add3A_442 : vector<16xi32>
            %lt3A_444 = vector.broadcast %while3A_402#1 : i32 to vector<16xi32>
            %lt3A_445 = arith.cmpi slt, %add3A_443, %lt3A_444 : vector<16xi32>
            %add3A_446 = arith.constant 16 : i32
            %add3A_447 = vector.broadcast %add3A_446 : i32 to vector<16xi32>
            %add3A_448 = arith.addi %iota3A, %add3A_447 : vector<16xi32>
            %scan3A_449 = arith.constant 0 : i32
            %scan3A_450 = arith.constant 0 : i32
            %scan3A_451 = arith.constant 64 : i32
            %scan3A_452 = arith.addi %scan3A_450, %scan3A_451 : i32
            %scan3A_453 = arith.constant 8 : i32
            %scan3A_454 = scf.for %scan3A_456 = %scan3A_450 to %scan3A_452 step %scan3A_453 iter_args(%scan3A_457 = %scan3A_449) -> (i32)  : i32 {
              %broadcast_in_dim3A_458 = arith.constant 1 : i32
              %broadcast_in_dim3A_459 = vector.broadcast %broadcast_in_dim3A_458 : i32 to vector<16xi32>
              %mul3A_460 = vector.broadcast %scan3A_456 : i32 to vector<16xi32>
              %mul3A_461 = arith.muli %broadcast_in_dim3A_459, %mul3A_460 : vector<16xi32>
              %gather3A = tpu.vector_load_idx %arg8[%mul3A_461, %get3A_438] masked %lt3A_445 : memref<64x640xf32, #tpu.memory_space<vmem>>[vector<16xi32>, vector<16xi32>], vector<16xf32>, vector<16xi1>
              tpu.vector_store_idx %arg9[%add3A_448, %mul3A_461], %gather3A masked %lt3A_445 : memref<32x128xf32, #tpu.memory_space<vmem>>[vector<16xi32>, vector<16xi32>], vector<16xf32>, vector<16xi1>
              %scan3A_462 = arith.constant 0 : i32
              %scan3A_463 = arith.constant 1 : i32
              %scan3A_464 = arith.addi %scan3A_456, %scan3A_463 : i32
              %broadcast_in_dim3A_465 = arith.constant 1 : i32
              %broadcast_in_dim3A_466 = vector.broadcast %broadcast_in_dim3A_465 : i32 to vector<16xi32>
              %mul3A_467 = vector.broadcast %scan3A_464 : i32 to vector<16xi32>
              %mul3A_468 = arith.muli %broadcast_in_dim3A_466, %mul3A_467 : vector<16xi32>
              %gather3A_469 = tpu.vector_load_idx %arg8[%mul3A_468, %get3A_438] masked %lt3A_445 : memref<64x640xf32, #tpu.memory_space<vmem>>[vector<16xi32>, vector<16xi32>], vector<16xf32>, vector<16xi1>
              tpu.vector_store_idx %arg9[%add3A_448, %mul3A_468], %gather3A_469 masked %lt3A_445 : memref<32x128xf32, #tpu.memory_space<vmem>>[vector<16xi32>, vector<16xi32>], vector<16xf32>, vector<16xi1>
              %scan3A_470 = arith.constant 0 : i32
              %scan3A_471 = arith.constant 2 : i32
              %scan3A_472 = arith.addi %scan3A_456, %scan3A_471 : i32
              %broadcast_in_dim3A_473 = arith.constant 1 : i32
              %broadcast_in_dim3A_474 = vector.broadcast %broadcast_in_dim3A_473 : i32 to vector<16xi32>
              %mul3A_475 = vector.broadcast %scan3A_472 : i32 to vector<16xi32>
              %mul3A_476 = arith.muli %broadcast_in_dim3A_474, %mul3A_475 : vector<16xi32>
              %gather3A_477 = tpu.vector_load_idx %arg8[%mul3A_476, %get3A_438] masked %lt3A_445 : memref<64x640xf32, #tpu.memory_space<vmem>>[vector<16xi32>, vector<16xi32>], vector<16xf32>, vector<16xi1>
              tpu.vector_store_idx %arg9[%add3A_448, %mul3A_476], %gather3A_477 masked %lt3A_445 : memref<32x128xf32, #tpu.memory_space<vmem>>[vector<16xi32>, vector<16xi32>], vector<16xf32>, vector<16xi1>
              %scan3A_478 = arith.constant 0 : i32
              %scan3A_479 = arith.constant 3 : i32
              %scan3A_480 = arith.addi %scan3A_456, %scan3A_479 : i32
              %broadcast_in_dim3A_481 = arith.constant 1 : i32
              %broadcast_in_dim3A_482 = vector.broadcast %broadcast_in_dim3A_481 : i32 to vector<16xi32>
              %mul3A_483 = vector.broadcast %scan3A_480 : i32 to vector<16xi32>
              %mul3A_484 = arith.muli %broadcast_in_dim3A_482, %mul3A_483 : vector<16xi32>
              %gather3A_485 = tpu.vector_load_idx %arg8[%mul3A_484, %get3A_438] masked %lt3A_445 : memref<64x640xf32, #tpu.memory_space<vmem>>[vector<16xi32>, vector<16xi32>], vector<16xf32>, vector<16xi1>
              tpu.vector_store_idx %arg9[%add3A_448, %mul3A_484], %gather3A_485 masked %lt3A_445 : memref<32x128xf32, #tpu.memory_space<vmem>>[vector<16xi32>, vector<16xi32>], vector<16xf32>, vector<16xi1>
              %scan3A_486 = arith.constant 0 : i32
              %scan3A_487 = arith.constant 4 : i32
              %scan3A_488 = arith.addi %scan3A_456, %scan3A_487 : i32
              %broadcast_in_dim3A_489 = arith.constant 1 : i32
              %broadcast_in_dim3A_490 = vector.broadcast %broadcast_in_dim3A_489 : i32 to vector<16xi32>
              %mul3A_491 = vector.broadcast %scan3A_488 : i32 to vector<16xi32>
              %mul3A_492 = arith.muli %broadcast_in_dim3A_490, %mul3A_491 : vector<16xi32>
              %gather3A_493 = tpu.vector_load_idx %arg8[%mul3A_492, %get3A_438] masked %lt3A_445 : memref<64x640xf32, #tpu.memory_space<vmem>>[vector<16xi32>, vector<16xi32>], vector<16xf32>, vector<16xi1>
              tpu.vector_store_idx %arg9[%add3A_448, %mul3A_492], %gather3A_493 masked %lt3A_445 : memref<32x128xf32, #tpu.memory_space<vmem>>[vector<16xi32>, vector<16xi32>], vector<16xf32>, vector<16xi1>
              %scan3A_494 = arith.constant 0 : i32
              %scan3A_495 = arith.constant 5 : i32
              %scan3A_496 = arith.addi %scan3A_456, %scan3A_495 : i32
              %broadcast_in_dim3A_497 = arith.constant 1 : i32
              %broadcast_in_dim3A_498 = vector.broadcast %broadcast_in_dim3A_497 : i32 to vector<16xi32>
              %mul3A_499 = vector.broadcast %scan3A_496 : i32 to vector<16xi32>
              %mul3A_500 = arith.muli %broadcast_in_dim3A_498, %mul3A_499 : vector<16xi32>
              %gather3A_501 = tpu.vector_load_idx %arg8[%mul3A_500, %get3A_438] masked %lt3A_445 : memref<64x640xf32, #tpu.memory_space<vmem>>[vector<16xi32>, vector<16xi32>], vector<16xf32>, vector<16xi1>
              tpu.vector_store_idx %arg9[%add3A_448, %mul3A_500], %gather3A_501 masked %lt3A_445 : memref<32x128xf32, #tpu.memory_space<vmem>>[vector<16xi32>, vector<16xi32>], vector<16xf32>, vector<16xi1>
              %scan3A_502 = arith.constant 0 : i32
              %scan3A_503 = arith.constant 6 : i32
              %scan3A_504 = arith.addi %scan3A_456, %scan3A_503 : i32
              %broadcast_in_dim3A_505 = arith.constant 1 : i32
              %broadcast_in_dim3A_506 = vector.broadcast %broadcast_in_dim3A_505 : i32 to vector<16xi32>
              %mul3A_507 = vector.broadcast %scan3A_504 : i32 to vector<16xi32>
              %mul3A_508 = arith.muli %broadcast_in_dim3A_506, %mul3A_507 : vector<16xi32>
              %gather3A_509 = tpu.vector_load_idx %arg8[%mul3A_508, %get3A_438] masked %lt3A_445 : memref<64x640xf32, #tpu.memory_space<vmem>>[vector<16xi32>, vector<16xi32>], vector<16xf32>, vector<16xi1>
              tpu.vector_store_idx %arg9[%add3A_448, %mul3A_508], %gather3A_509 masked %lt3A_445 : memref<32x128xf32, #tpu.memory_space<vmem>>[vector<16xi32>, vector<16xi32>], vector<16xf32>, vector<16xi1>
              %scan3A_510 = arith.constant 0 : i32
              %scan3A_511 = arith.constant 7 : i32
              %scan3A_512 = arith.addi %scan3A_456, %scan3A_511 : i32
              %broadcast_in_dim3A_513 = arith.constant 1 : i32
              %broadcast_in_dim3A_514 = vector.broadcast %broadcast_in_dim3A_513 : i32 to vector<16xi32>
              %mul3A_515 = vector.broadcast %scan3A_512 : i32 to vector<16xi32>
              %mul3A_516 = arith.muli %broadcast_in_dim3A_514, %mul3A_515 : vector<16xi32>
              %gather3A_517 = tpu.vector_load_idx %arg8[%mul3A_516, %get3A_438] masked %lt3A_445 : memref<64x640xf32, #tpu.memory_space<vmem>>[vector<16xi32>, vector<16xi32>], vector<16xf32>, vector<16xi1>
              tpu.vector_store_idx %arg9[%add3A_448, %mul3A_516], %gather3A_517 masked %lt3A_445 : memref<32x128xf32, #tpu.memory_space<vmem>>[vector<16xi32>, vector<16xi32>], vector<16xf32>, vector<16xi1>
              %scan3A_518 = arith.constant 0 : i32
              scf.yield %scan3A_518 : i32
            }
            %scan3A_455 = arith.constant 64 : i32
            tpu.vector_store_idx %arg12[%add3A_448], %get3A_440 masked %lt3A_445 : memref<32xi32, #tpu.memory_space<vmem>>[vector<16xi32>], vector<16xi32>, vector<16xi1>
          } else {
          }
          %dma_start3A_435 = arith.constant 0 : i32
          %dma_start3A_436 = arith.constant 0 : i32
          %dma_start3A_437 = tpu.memref_slice %arg4[%dma_start3A_435, %dma_start3A_436] : memref<17408x128xf32, #tpu.memory_space<hbm>> -> memref<17408x128xf32, #tpu.memory_space<hbm>>
          tpu.enqueue_indirect_dma source(%arg9 : memref<32x128xf32, #tpu.memory_space<vmem>>) target(%dma_start3A_437 : memref<17408x128xf32, #tpu.memory_space<hbm>>) offsets(%arg12 : memref<32xi32, #tpu.memory_space<vmem>>) semaphore(%arg15 : memref<!tpu.dma_semaphore, #tpu.memory_space<semaphore_mem>>)
        } else {
        }
      } else {
      }
      %scan3A_282 = arith.constant 0 : i32
      scf.yield %scan3A_282 : i32
    }
    %scan3A_150 = arith.constant 13 : i32
    %dma_wait3A = arith.constant 0 : i32
    %dma_wait3A_151 = arith.constant 0 : i32
    %dma_wait3A_152 = tpu.memref_slice %arg4[%dma_wait3A, %dma_wait3A_151] : memref<17408x128xf32, #tpu.memory_space<hbm>> -> memref<17408x128xf32, #tpu.memory_space<hbm>>
    tpu.wait_indirect_dma semaphore(%arg15 : memref<!tpu.dma_semaphore, #tpu.memory_space<semaphore_mem>>) src(%arg9 : memref<32x128xf32, #tpu.memory_space<vmem>>) dst(%dma_wait3A_152 : memref<17408x128xf32, #tpu.memory_space<hbm>>)
    return
  }
}

</mosaic_0001>

<sc_bundles>
// kernel: kernel.3.cloned.1.call-start
scs
__scs_entry_jumppad:
0x0: {  	(pc) =	sbr.rel $0x88, $3  }
0x1: {  	(tag) =	ssettag $0x0;
	lr =	simm.s32 $0x1  }
0x2: {  	[smem:$0x3F9F] =	sst lr;
	_ =	strace $0xD0000000  }
0x3: {  	_ = 	snop  }
0x4: {  	_ = 	snop  }
0x5: {  	_ = 	snop  }
0x6: {  	_ = 	snop  }
0x7: {  	_ = 	snop  }
__scs_overlays_trampoline_lowered:
0x8: {  	[smem:$0x3FAE] =	sst s0  }
0x9: {  	[smem:$0x3FAF] =	sst s1  }
0xa: {  	[smem:$0x3FB0] =	sst s2  }
0xb: {  	[smem:$0x3FB1] =	sst s3  }
0xc: {  	[smem:$0x3FB2] =	sst s4  }
0xd: {  	[smem:$0x3FB3] =	sst s5  }
0xe: {  	[smem:$0x3FB4] =	sst s6  }
0xf: {  	[smem:$0x3FB5] =	sst s7  }
0x10: {  	[smem:$0x3FB6] =	sst s8  }
0x11: {  	[smem:$0x3FB7] =	sst s9;
	s0 =	simm.s32 @!p0 $0x0  }
0x12: {  	s1 =	sld [smem:$0x3F9D];
	s0 =	simm.s32 @p0 $0x1  }
0x13: {  	[smem:$0x3FB8] =	sst s0;
	s0 =	simm.s32 @!p1 $0x0  }
0x14: {  	s2 =	sld [smem:$0x3F9C];
	s0 =	simm.s32 @p1 $0x1  }
0x15: {  	[smem:$0x3FB9] =	sst s0;
	s0 =	simm.s32 @!p2 $0x0  }
0x16: {  	s3 =	sld [smem:$0x3FDB];
	s0 =	simm.s32 @p2 $0x1  }
0x17: {  	s4 =	simm.s32 $0x1BF5;
	[smem:$0x3FBB] =	sst s0  }
0x18: {  	s0 =	sld [smem:$0x3F9E];
	_ =	swait.ge [sflag:s4], $0x0  }
0x19: {  	s7 =	sld [smem:$0x3F9F]  }
0x1a: {  	s8 =	sadd.s32 $0xFFFFE003, lr  }
0x1b: {  	s9 =	sadd.s32 $0xFFFFFEF7, lr;
	s5 =	simm.s32 $0xFFFFFFFF;
	p2 =	slt.u32 s8, $0xFFFFF086  }
0x1c: {  	p1 =	slt.u32 s9, $0xF7A;
	s5 =	simm.s32 @!p2 $0x0  }
0x1d: {  	s5 =	simm.s32 @p1 $0x1;
	p0 =	seq.s32 s7, s2  }
0x1e: {  	s7 =	smul.u32 @!p0 $0xF7A, s2;
	p2 =	seq.s32 @!p0 s5, $0x0  }
0x1f: {  	s9 =	smul.u32 $0xF7A, s1;
	s8 =	simm.s32 @!p0 $0x1BF5;
	p2 =	por !p2, p0  }
0x20: {  	[sflag:s8] =	ssyncset.s32 @!p0 $0xFFFFF086;
	s6 =	sadd.s32 @!p0 s3, s7;
	s7 =	simm.s32 @!p0 $0x108  }
0x21: {  	s3 =	sadd.s32 s3, s9;
	s6 =	sadd.s32 @!p0 $0x88, s6;
	s7 =	simm.s32 @p2 $0x1082  }
0x22: {  	[simem:s7], [sflag:s8] =	dma.local @!p0 [hbm:s6], $0xF7A  }
0x23: {  	s9 =	sor.u32 $0xD0000000, s2;
	s6 =	simm.s32 $0x108;
	_ =	swait.ge @!p0 [sflag:s8], $0x0  }
0x24: {  	s3 =	sadd.s32 $0x88, s3;
	s6 =	simm.s32 @!p1 $0x1082;
	[sflag:s4] =	ssyncset.s32 $0xFFFFF086  }
0x25: {  	[simem:s6], [sflag:s4] =	dma.local [hbm:s3], $0xF7A  }
0x26: {  	[smem:$0x3F9F] =	sst s1;
	(tag) =	ssettag s2;
	_ =	strace s9  }
0x27: {  	s1 =	sld [smem:$0x3FAF]  }
0x28: {  	s2 =	sld [smem:$0x3FB0]  }
0x29: {  	s4 =	sld [smem:$0x3FB2]  }
0x2a: {  	p0 =	seq.s32 s5, $0x0;
	s5 =	sld [smem:$0x3FB3]  }
0x2b: {  	s6 =	sld [smem:$0x3FB4]  }
0x2c: {  	s7 =	sld [smem:$0x3FB5]  }
0x2d: {  	s3 =	simm.s32 $0x108;
	s8 =	sld [smem:$0x3FB6]  }
0x2e: {  	s3 =	simm.s32 @!p0 $0x1082;
	s9 =	sld [smem:$0x3FB7]  }
0x2f: {  	lr =	sadd.s32 s0, s3;
	s0 =	sld [smem:$0x3FAE]  }
0x30: {  	s3 =	sld [smem:$0x3FB1]  }
0x31: {  	[smem:$0x3FBA] =	sst s10  }
0x32: {  	s10 =	sld [smem:$0x3FB8];
	_ =	sdelay $0x3  }
0x33: {  	p0 =	seq.s32 s10, $0x1;
	s10 =	sld [smem:$0x3FBA];
	_ =	sdelay $0x3  }
0x34: {  	[smem:$0x3FBA] =	sst s10  }
0x35: {  	s10 =	sld [smem:$0x3FB9];
	_ =	sdelay $0x3  }
0x36: {  	p1 =	seq.s32 s10, $0x1;
	s10 =	sld [smem:$0x3FBA];
	_ =	sdelay $0x3  }
0x37: {  	[smem:$0x3FBA] =	sst s10  }
0x38: {  	s10 =	sld [smem:$0x3FBB]  }
0x39: {  	_ = 	snop;
	(pc) =	sbr.ind lr, $3  }
0x3a: {  	_ = 	snop  }
0x3b: {  	_ = 	snop  }
0x3c: {  	p2 =	seq.s32 s10, $0x1;
	s10 =	sld [smem:$0x3FBA]  }
0x3d: {  	_ =	shalt  }
0x3e: {  	_ =	shalt  }
0x3f: {  	_ =	shalt  }
0x40: {  	_ =	shalt  }
0x41: {  	_ =	shalt  }
0x42: {  	_ =	shalt  }
0x43: {  	_ =	shalt  }
0x44: {  	_ =	shalt  }
0x45: {  	_ =	shalt  }
0x46: {  	_ =	shalt  }
0x47: {  	_ =	shalt  }
0x48: {  	_ =	shalt  }
0x49: {  	_ =	shalt  }
0x4a: {  	_ =	shalt  }
0x4b: {  	_ =	shalt  }
0x4c: {  	_ =	shalt  }
0x4d: {  	_ =	shalt  }
0x4e: {  	_ =	shalt  }
0x4f: {  	_ =	shalt  }
0x50: {  	_ =	shalt  }
0x51: {  	_ =	shalt  }
0x52: {  	_ =	shalt  }
0x53: {  	_ =	shalt  }
0x54: {  	_ =	shalt  }
0x55: {  	_ =	shalt  }
0x56: {  	_ =	shalt  }
0x57: {  	_ =	shalt  }
0x58: {  	_ =	shalt  }
0x59: {  	_ =	shalt  }
0x5a: {  	_ =	shalt  }
0x5b: {  	_ =	shalt  }
0x5c: {  	_ =	shalt  }
0x5d: {  	_ =	shalt  }
0x5e: {  	_ =	shalt  }
0x5f: {  	_ =	shalt  }
0x60: {  	_ =	shalt  }
0x61: {  	_ =	shalt  }
0x62: {  	_ =	shalt  }
0x63: {  	_ =	shalt  }
0x64: {  	_ =	shalt  }
0x65: {  	_ =	shalt  }
0x66: {  	_ =	shalt  }
0x67: {  	_ =	shalt  }
0x68: {  	_ =	shalt  }
0x69: {  	_ =	shalt  }
0x6a: {  	_ =	shalt  }
0x6b: {  	_ =	shalt  }
0x6c: {  	_ =	shalt  }
0x6d: {  	_ =	shalt  }
0x6e: {  	_ =	shalt  }
0x6f: {  	_ =	shalt  }
0x70: {  	_ =	shalt  }
0x71: {  	_ =	shalt  }
0x72: {  	_ =	shalt  }
0x73: {  	_ =	shalt  }
0x74: {  	_ =	shalt  }
0x75: {  	_ =	shalt  }
0x76: {  	_ =	shalt  }
0x77: {  	_ =	shalt  }
0x78: {  	_ =	shalt  }
0x79: {  	_ =	shalt  }
0x7a: {  	_ =	shalt  }
0x7b: {  	_ =	shalt  }
0x7c: {  	_ =	shalt  }
0x7d: {  	_ =	shalt  }
0x7e: {  	_ =	shalt  }
0x7f: {  	_ =	shalt  }
0x80: {  	_ =	shalt  }
0x81: {  	_ =	shalt  }
0x82: {  	_ =	shalt  }
0x83: {  	_ =	shalt  }
0x84: {  	_ =	shalt  }
0x85: {  	_ =	shalt  }
0x86: {  	_ =	shalt  }
0x87: {  	_ =	shalt  }
.Lfunc_end0:
.L_simem_size_0:
called_computation_lowered:
.L_overlay_start_0:
0x88: {  	s2 =	sld [smem:$0x3FD9]  }
0x89: {  	s3 =	sld [smem:$0x3FFE];
	_ =	sdelay $0x1  }
0x8a: {  	s1 =	srdreg.scid  }
0x8b: {  	s0 =	sand.u32 $0x1, s1  }
0x8c: {  	s17 =	sshll.u32 s0, $0xA;
	s2 =	sadd.s32 s3, s2  }
0x8d: {  	s2 =	sadd.s32 s2, s17  }
0x8e: {  	[smem:$0x3FC6] =	sst s2  }
0x8f: {  	_ = 	snop  }
0x90: {  	s2 =	sld [smem:$0x3FC9]  }
0x91: {  	s18 =	sld [smem:$0x3FC8];
	(tm) =	ssettm $0x1  }
0x92: {  	s4 =	sld [smem:$0x3FFB];
	_ =	sdelay $0x3  }
0x93: {  	_ =	strace s4  }
0x94: {  	s4 =	sld [smem:$0x3FFC];
	_ =	sdelay $0x3  }
0x95: {  	_ =	strace s4  }
0x96: {  	s4 =	sld [smem:$0x3FFD];
	_ =	sdelay $0x3  }
0x97: {  	_ =	strace s4  }
0x98: {  	_ =	strace $0x8FFFFFFF  }
0x99: {  	s19 =	sld [smem:$0x3FDB];
	_ =	sdelay $0x1  }
0x9a: {  	s5 =	simm.s32 $_scs_section_size  }
0x9b: {  	s6 =	simm.s32 $_size__tile_overlayer_lowered;
	s7 =	simm.s32 $_tile_overlayer_lowered  }
0x9c: {  	s22 =	simm.s32 $0x1BFF;
	s21 =	sshll.u32 s7, $0x1;
	s4 =	sadd.s32 s5, s19  }
0x9d: {  	s8 =	simm.s32 $0x0;
	s20 =	sshll.u32 s6, $0x1;
	s6 =	sadd.s32 s21, s4  }
0x9e: {  	[timem:s8], [sflag:s22] =	dma.local [hbm:s6], s20  }
0x9f: {  	_ =	swait.ge [sflag:s22], s20  }
0xa0: {  	s5 =	ssub.s32 $0x0, s20;
	[sflag:s22] =	ssyncset.done $0x0  }
0xa1: {  	[sflag:s22] =	ssyncadd.s32 s5;
	_ =	sdelay $0x1  }
0xa2: {  	s23 =	simm.s32 $0x1B8B  }
0xa3: {  	_ =	swait.ge [sflag:s23], $0x1  }
0xa4: {  	[sflag:s23] =	ssyncset.done $0x0  }
0xa5: {  	s25 =	simm.s32 $0x1B8E;
	s24 =	sld [smem:$0x3FFE];
	[sflag:s23] =	ssyncadd.s32 $0xFFFFFFFF  }
0xa6: {  	s26 =	simm.s32 $execute0_lowered;
	[smem:$0x3FD2] =	sst s25  }
0xa7: {  	s6 =	sshll.u32 s26, $0x1;
	_ =	strace $0x80000046;
	[dreg:$0x1] =	wrdreg $0xFFFFFFFF  }
0xa8: {  	s28 =	simm.s32 $_size_execute0_lowered;
	s4 =	sadd.s32 s4, s6;
	[dreg:$0x0] =	wrdreg $0x0  }
0xa9: {  	s6 =	sshll.u32 s28, $0x1;
	[dreg:$0x2] =	wrdreg s4  }
0xaa: {  	[dreg:$0x3] =	wrdreg s6  }
0xab: {  	[dreg:$0x4] =	wrdreg $0xC0  }
0xac: {  	_ =	task [dreg:s8], $0x5FFFF  }
0xad: {  	[dreg:$0x1] =	wrdreg $0xFFFFFFFF  }
0xae: {  	[dreg:$0x0] =	wrdreg $0x60  }
0xaf: {  	[dreg:$0x2] =	wrdreg s18  }
0xb0: {  	[dreg:$0x3] =	wrdreg s2  }
0xb1: {  	[dreg:$0x4] =	wrdreg s24  }
0xb2: {  	[dreg:$0x5] =	wrdreg $0x9  }
0xb3: {  	_ =	task.clear_ibuf [dreg:s8], $0x6FFFF;
	_ =	strace $0x90000046  }
0xb4: {  	s29 =	simm.s32 $0x9;
	_ =	strace $0x80000048  }
0xb5: {  	_ =	swait.ge [sflag:s29], $0x1  }
0xb6: {  	[sflag:s29] =	ssyncadd.s32 $0xFFFFFFFF  }
0xb7: {  	_ =	strace $0x90000048  }
0xb8: {  	_ =	sfence  }
0xb9: {  	s30 =	sld [smem:$0x0];
	_ =	sdelay $0x2  }
0xba: {  	s31 =	sshll.u32 s1, $0xD;
	s1 =	sshrl.u32 s1, $0x2  }
0xbb: {  	s3 =	sand.u32 $0x4000, s31;
	s1 =	sadd.s32 s1, s30  }
0xbc: {  	s0 =	sor.u32 s3, s0;
	s1 =	sshll.u32 s1, $0x11  }
0xbd: {  	s0 =	sor.u32 s1, s0  }
0xbe: {  	s0 =	sadd.s32 $0x8F2B, s0  }
0xbf: {  	[sflag:s0] =	ssyncadd.remote.s32 $0x1  }
0xc0: {  	_ =	sfence.sel $0xFFFF  }
0xc1: {  	[dreg:$0x0] =	wrdreg $0xFFFFFFFF;
	(pc) =	sbr.abs _section_cstart, $3  }
0xc2: {  	[dreg:$0x1] =	wrdreg $0xFFFFFFFF  }
0xc3: {  	_ =	task.clear_ibuf [dreg:s8], $0x2FFFF;
	_ =	strace $0x9FFFFFFF  }
0xc4: {  	(tm) =	ssettm $0x7FFFFFFF  }
0xc5: {  	_ =	shalt  }
tec
execute0_lowered:
.L_overlay_start_1:
0x0: {  	(tag) =	ssettag $0x1  }
0x1: {  	s25 =	rddreg [dreg:$0x0];
	s0 =	srdreg.scid  }
0x2: {  	s2 =	stileid.u32;
	s1 =	rddreg [dreg:$0x2];
	s4 =	simm.s32 $0x0  }
0x3: {  	s28 =	simm.s32 $0x1;
	s29 =	simm.s32 $0x20;
	s30 =	simm.s32 $0x1D180  }
0x4: {  	s31 =	simm.s32 $0x1C080;
	s8 =	simm.s32 $0x3;
	s11 =	simm.s32 $0x12080  }
0x5: {  	s12 =	simm.s32 $0x0;
	s0 =	sand.u32 $0x1, s0;
	s2 =	sshll.u32 s2, $0x1  }
0x6: {  	[smem:$0x7FF] =	sst s4;
	s6 =	sadd.s32 $0x400, s1;
	s9 =	sadd.s32 $0x7A180, s25  }
0x7: {  	s10 =	sadd.s32 $0xF4300, s25;
	s2 =	sor.u32 s0, s2;
	s0 =	ssub.s32 $0x2, s0  }
0x8: {  	s15 =	sadd.s32 $0x1E8600, s25;
	s5 =	smul.u32 $0x3D80, s2;
	s13 =	sshrl.u32 s0, $0x1  }
0x9: {  	s16 =	sadd.s32 $0x262780, s25;
	s0 =	ssub.s32 s0, s13;
	s13 =	sadd.s32 $0x16E480, s25  }
0xa: {  	_ =	strace $0x80000047;
	s17 =	sadd.s32 s25, s5;
	[dreg:$0x7] =	wrdreg s13  }
0xb: {  	s2 =	sshll.u32 s2, $0x5;
	s18 =	sadd.s32 s5, s9;
	[dreg:$0x4] =	wrdreg s17  }
0xc: {  	s14 =	sor.u32 $0x4000, s2;
	s19 =	sadd.s32 s5, s10;
	[dreg:$0x5] =	wrdreg s18  }
0xd: {  	s2 =	simm.s32 $0x8080;
	s20 =	sadd.s32 s5, s13;
	[dreg:$0x6] =	wrdreg s19  }
0xe: {  	s3 =	smin.u32 s5, $0x763A1;
	s21 =	sadd.s32 s5, s15;
	[dreg:$0x8] =	wrdreg s20  }
0xf: {  	s22 =	sadd.s32 s5, s16;
	s26 =	sadd.s32 $0x500, s5;
	[dreg:$0x9] =	wrdreg s21  }
.Ltmp0:
0x10: {  	v0 =	vlaneseq.u32;
	s0 =	smax.u32 s0, $0x1;
	[dreg:$0xa] =	wrdreg s22;
	(pc) =	sbr.rel .LBB2_1-.Ltmp0, $4  }
0x11: {  	v3 =	vmul.u32 $0x80, v0;
	s7 =	sadd.s32 $0x3D80, s3;
	s18 =	sadd.s32 $0x2DC900, s25;
	[dreg:$0xd] =	wrdreg s26  }
0x12: {  	v7 =	vimm.s32 $0x0;
	v8 =	vimm.s32 $0xF;
	s19 =	sadd.s32 $0x356A80, s25;
	[dreg:$0xe] =	wrdreg s0;
	s23 =	sadd.s32 s5, s18  }
0x13: {  	v2 =	vor.u32 $0x10, v0;
	v9 =	vor.u32 $0x800, v3;
	v1 =	vor.u32 s14, v0;
	s26 =	simm.s32 $0x4000;
	s24 =	sadd.s32 s5, s19;
	[dreg:$0xb] =	wrdreg s23  }
0x14: {  	v4 =	vor.u32 s14, v2;
	v5 =	vmov s5;
	s3 =	simm.s32 $0x1D080;
	s0 =	simm.s32 $0x1D100;
	v6 =	vmov s7;
	[dreg:$0xc] =	wrdreg s24  }
.LBB2_31:
0x15: {  	_ =	swait.ge [sflag:s8], $0x1000  }
0x16: {  	s12 =	rddreg [dreg:$0xf]  }
0x17: {  	s1 =	rddreg [dreg:$0xe];
	s12 =	sadd.s32 $0x1, s12  }
0x18: {  	p0 =	sne.s32 s12, s1  }
.Ltmp1:
0x19: {  	_ = 	snop;
	(pc) =	sbr.rel @!p0 .LBB2_32-.Ltmp1, $3  }
0x1a: {  	_ =	sdelay $0x1  }
0x1b: {  	[sflag:s8] =	ssyncset.done $0x0  }
0x1c: {  	[sflag:s8] =	ssyncadd.s32 $0xFFFFF000  }
.LBB2_1:
0x1d: {  	[dreg:$0xf] =	wrdreg s12  }
0x1e: {  	s1 =	rddreg [dreg:$0x1];
	s24 =	simm.s32 $0x4  }
0x1f: {  	[tilespmem:s4], [sflag:$0x4] =	stream.linear.gather [hbm4b:s1+s4], $0x4000, $0x38;
	[tilespmem:$0x1D200] =	vst v63  }
0x20: {  	_ =	swait.ge [sflag:s24], $0x4000  }
0x21: {  	[sflag:s24] =	ssyncset.done $0x0  }
0x22: {  	s14 =	simm.s32 $0x10;
	[sflag:s24] =	ssyncadd.s32 $0xFFFFC000  }
0x23: {  	s17 =	simm.s32 $0x20;
	v10 =	vimm.s32 $0x0;
	s12 =	simm.s32 $0x0;
	v11 =	vld [tilespmem:s14+$0xFFFFFFF0]  }
.LBB2_2:
0x24: {  	p0 =	sne.s32 s17, $0x3FE0;
	v12 =	vld [tilespmem:s14+$0x0];
	_ =	sdelay $0x3  }
0x25: {  	vm0 =	vge.s32 v11, v5;
	vm1 =	vlt.s32 v11, v6  }
0x26: {  	vm0 =	vmand vm0, vm1;
	vm1 =	vge.s32 v12, v5;
	vm2 =	vlt.s32 v12, v6  }
0x27: {  	vm1 =	vmand vm1, vm2;
	v11 =	vsel vm0, $0x1, v7  }
0x28: {  	v12 =	vsel vm1, $0x1, v7;
	(xrf0) =	vadd.scan.msk.s32 $0xffff, v11  }
0x29: {  	(xrf0) =	vadd.scan.msk.s32 $0xffff, v12;
	_ =	sdelay $0x4  }
0x2a: {  	v11, _, _ =	vpop (xrf0)  }
0x2b: {  	v12 =	vperm.xlane v11, v8;
	v13, _, _ =	vpop (xrf0)  }
0x2c: {  	v14 =	vperm.xlane v13, v8  }
0x2d: {  	v11 =	vadd.s32 v11, v10;
	v10 =	vadd.s32 v10, v12  }
0x2e: {  	v11 =	vadd.s32 $0xFFFFFFFF, v11;
	v12 =	vadd.s32 v13, v10;
	v10 =	vadd.s32 v10, v14  }
0x2f: {  	v12 =	vadd.s32 $0xFFFFFFFF, v12;
	_ =	sdelay $0x1  }
.Ltmp2:
0x30: {  	(pc) =	sbr.rel @p0 .LBB2_2-.Ltmp2, $4  }
0x31: {  	s1 =	sadd.s32 $0x10, s12;
	v13 =	vor.u32 s12, v0;
	s12 =	smov.u32 s17  }
0x32: {  	[tilespmem:v11+s26+$0x0] =	vst.idx.msk vm0, v13;
	v11 =	vor.u32 s1, v0  }
0x33: {  	s14 =	sadd.s32 $0x20, s14;
	[tilespmem:v12+s26+$0x0] =	vst.idx.msk vm1, v11  }
0x34: {  	s17 =	sadd.s32 $0x20, s17;
	v11 =	vld [tilespmem:s14+$0xFFFFFFF0]  }
0x35: {  	v12 =	vld [tilespmem:s14+$0x0];
	_ =	sdelay $0x3  }
0x36: {  	vm0 =	vge.s32 v11, v5;
	vm1 =	vlt.s32 v11, v6  }
0x37: {  	vm0 =	vmand vm0, vm1;
	vm15 =	vge.s32 v12, v5;
	vm2 =	vlt.s32 v12, v6  }
0x38: {  	vm1 =	vmand vm15, vm2;
	v11 =	vsel vm0, $0x1, v7  }
0x39: {  	v61 =	vsel vm1, $0x1, v7;
	(xrf0) =	vadd.scan.msk.s32 $0xffff, v11  }
0x3a: {  	(xrf0) =	vadd.scan.msk.s32 $0xffff, v61;
	_ =	sdelay $0x4  }
0x3b: {  	v11, _, _ =	vpop (xrf0)  }
0x3c: {  	v62 =	vperm.xlane v11, v8;
	v13, _, _ =	vpop (xrf0)  }
0x3d: {  	v14 =	vperm.xlane v13, v8  }
0x3e: {  	v12 =	vadd.s32 v10, v62  }
0x3f: {  	v14 =	vadd.s32 v12, v14  }
0x40: {  	v14 =	vxor.u32 $0x80000000, v14  }
0x41: {  	(xrf0) =	vmax.scan.msk.u32 $0xffff, v14;
	_ =	sdelay $0x2  }
0x42: {  	v10 =	vadd.s32 v11, v10  }
0x43: {  	v10 =	vadd.s32 $0xFFFFFFFF, v10;
	v11 =	vadd.s32 v13, v12  }
0x44: {  	v11 =	vadd.s32 $0xFFFFFFFF, v11  }
0x45: {  	v14, _, _ =	vpop (xrf0)  }
0x46: {  	(v2sf) =	vpush v14, $0xF  }
0x47: {  	s1 =	sadd.s32 $0x10, s12;
	v63 =	vor.u32 s12, v0  }
0x48: {  	[tilespmem:v10+s26+$0x0] =	vst.idx.msk vm0, v63;
	v10 =	vor.u32 s1, v0  }
0x49: {  	[tilespmem:v11+s26+$0x0] =	vst.idx.msk vm1, v10  }
0x4a: {  	[tilespmem:$0x1D180] =	vst v1  }
0x4b: {  	s17 =	rddreg [dreg:$0x4];
	[tilespmem:$0x1D190] =	vst v4  }
0x4c: {  	[hbm4b:s6+s29] =	stream.indirect.scatter [tilespmem:s31], [sflag:$0x3], $0x80, s30, s29, $0xb8;
	[tilespmem:$0x1D200] =	vst v63  }
0x4d: {  	s14 =	simm.s32 $0x0;
	s20 =	rddreg [dreg:$0x5]  }
0x4e: {  	[tilespmem:s2], [sflag:$0x1] =	stream.linear.gather [hbm4b:s17+s14], $0x1400, $0x38;
	[tilespmem:$0x1D200] =	vst v63  }
0x4f: {  	s13 =	simm.s32 $0x9480;
	s21 =	rddreg [dreg:$0x6]  }
0x50: {  	[tilespmem:s13], [sflag:$0x1] =	stream.linear.gather [hbm4b:s20+s14], $0x1400, $0x38;
	[tilespmem:$0x1D200] =	vst v63  }
0x51: {  	s23 =	rddreg [dreg:$0x8];
	s17 =	simm.s32 $0xA880  }
0x52: {  	[tilespmem:s17], [sflag:$0x1] =	stream.linear.gather [hbm4b:s21+s14], $0x1400, $0x38;
	[tilespmem:$0x1D200] =	vst v63  }
0x53: {  	s20 =	simm.s32 $0xBC80;
	s13 =	rddreg [dreg:$0x7]  }
0x54: {  	[tilespmem:s20], [sflag:$0x1] =	stream.linear.gather [hbm4b:s23+s14], $0x1400, $0x38;
	[tilespmem:$0x1D200] =	vst v63  }
0x55: {  	s21 =	rddreg [dreg:$0x9];
	s1 =	spop (v2sf)  }
0x56: {  	s23 =	rddreg [dreg:$0xa];
	s12 =	sadd.s32 $0x8000000F, s1  }
0x57: {  	s1 =	sxor.u32 $0x80000000, s1;
	s22 =	sand.u32 $0xF, s12;
	s24 =	sshra.s32 s12, $0x1F  }
0x58: {  	p1 =	slt.s32 s12, $0x1;
	p0 =	sne.s32 s22, $0x0;
	s22 =	simm.s32 $0xD080  }
0x59: {  	[tilespmem:s22], [sflag:$0x1] =	stream.linear.gather [hbm4b:s21+s14], $0x1400, $0x38;
	[tilespmem:$0x1D200] =	vst v63  }
0x5a: {  	s17 =	sshrl.u32 s24, $0x1C;
	s24 =	simm.s32 $0xE480;
	p0 =	por !p1, !p0  }
0x5b: {  	s12 =	sadd.s32 s17, s12;
	s17 =	simm.s32 $0x1;
	p0 =	por !p0, !p0  }
0x5c: {  	[tilespmem:s24], [sflag:$0x1] =	stream.linear.gather [hbm4b:s23+s14], $0x1400, $0x38;
	[tilespmem:$0x1D200] =	vst v63  }
.Ltmp3:
0x5d: {  	s12 =	sshra.s32 s12, $0x4;
	s17 =	simm.s32 @!p0 $0x0;
	(pc) =	sbr.rel .LBB2_4-.Ltmp3, $4  }
0x5e: {  	s21 =	rddreg [dreg:$0xb];
	s22 =	simm.s32 $0xF880;
	s17 =	ssub.s32 s12, s17  }
0x5f: {  	[tilespmem:s22], [sflag:$0x1] =	stream.linear.gather [hbm4b:s21+s14], $0x1400, $0x38;
	[tilespmem:$0x1D200] =	vst v63  }
0x60: {  	s23 =	rddreg [dreg:$0xc];
	s24 =	simm.s32 $0x10C80;
	p0 =	slt.s32 s17, $0x1  }
0x61: {  	v10 =	vmov s1;
	[tilespmem:s24], [sflag:$0x1] =	stream.linear.gather [hbm4b:s23+s14], $0x1400, $0x38;
	[tilespmem:$0x1D200] =	vst v63  }
.LBB2_30:
0x62: {  	s14 =	sadd.s32 $0x1, s14  }
0x63: {  	p1 =	sne.s32 s14, $0xD  }
.Ltmp4:
0x64: {  	_ = 	snop;
	(pc) =	sbr.rel @!p1 .LBB2_31-.Ltmp4, $1  }
0x65: {  	_ =	sdelay $0x3  }
.LBB2_4:
0x66: {  	_ =	swait.ge [sflag:s28], $0x1400  }
0x67: {  	[sflag:s28] =	ssyncset.done $0x0  }
0x68: {  	[sflag:s28] =	ssyncadd.s32 $0xFFFFEC00  }
0x69: {  	_ =	swait.ge [sflag:s28], $0x1400  }
0x6a: {  	[sflag:s28] =	ssyncset.done $0x0  }
0x6b: {  	[sflag:s28] =	ssyncadd.s32 $0xFFFFEC00  }
0x6c: {  	_ =	swait.ge [sflag:s28], $0x1400  }
0x6d: {  	[sflag:s28] =	ssyncset.done $0x0  }
0x6e: {  	[sflag:s28] =	ssyncadd.s32 $0xFFFFEC00  }
0x6f: {  	_ =	swait.ge [sflag:s28], $0x1400  }
0x70: {  	[sflag:s28] =	ssyncset.done $0x0  }
0x71: {  	[sflag:s28] =	ssyncadd.s32 $0xFFFFEC00  }
0x72: {  	_ =	swait.ge [sflag:s28], $0x1400  }
0x73: {  	[sflag:s28] =	ssyncset.done $0x0  }
0x74: {  	[sflag:s28] =	ssyncadd.s32 $0xFFFFEC00  }
0x75: {  	s20 =	sshllo.u32 s14, $0x1;
	_ =	swait.ge [sflag:s28], $0x1400  }
0x76: {  	p1 =	sgt.u32 s20, $0x18;
	[sflag:s28] =	ssyncset.done $0x0  }
0x77: {  	s1 =	smul.u32 @!p1 $0x280, s20;
	[sflag:s28] =	ssyncadd.s32 $0xFFFFEC00  }
0x78: {  	_ =	swait.ge [sflag:s28], $0x1400  }
0x79: {  	s1 =	sadd.s32 @!p1 s5, s1;
	[sflag:s28] =	ssyncset.done $0x0  }
0x7a: {  	p2 =	slt.s32 @!p1 s1, $0x79F00;
	[sflag:s28] =	ssyncadd.s32 $0xFFFFEC00  }
0x7b: {  	p2 =	por !p2, p1;
	_ =	swait.ge [sflag:s28], $0x1400  }
0x7c: {  	s21 =	simm.s32 @!p1 $0x0;
	s1 =	simm.s32 @p2 $0x79F00;
	[sflag:s28] =	ssyncset.done $0x0  }
0x7d: {  	s22 =	simm.s32 @!p1 $0x12080;
	s12 =	sadd.s32 @!p1 s25, s1;
	[sflag:s28] =	ssyncadd.s32 $0xFFFFEC00  }
0x7e: {  	[tilespmem:s22], [sflag:$0x2] =	stream.linear.gather @!p1 [hbm4b:s12+s21], $0x1400, $0x38;
	[tilespmem:$0x1D200] =	vst v63  }
0x7f: {  	s12 =	sadd.s32 @!p1 s1, s9;
	s22 =	simm.s32 @!p1 $0x13480  }
0x80: {  	[tilespmem:s22], [sflag:$0x2] =	stream.linear.gather @!p1 [hbm4b:s12+s21], $0x1400, $0x38;
	[tilespmem:$0x1D200] =	vst v63  }
0x81: {  	s12 =	sadd.s32 @!p1 s1, s10;
	s22 =	simm.s32 @!p1 $0x14880  }
0x82: {  	[tilespmem:s22], [sflag:$0x2] =	stream.linear.gather @!p1 [hbm4b:s12+s21], $0x1400, $0x38;
	[tilespmem:$0x1D200] =	vst v63  }
0x83: {  	s12 =	sadd.s32 @!p1 s1, s13;
	s22 =	simm.s32 @!p1 $0x15C80  }
0x84: {  	[tilespmem:s22], [sflag:$0x2] =	stream.linear.gather @!p1 [hbm4b:s12+s21], $0x1400, $0x38;
	[tilespmem:$0x1D200] =	vst v63  }
0x85: {  	s12 =	sadd.s32 @!p1 s1, s15;
	s22 =	simm.s32 @!p1 $0x17080  }
0x86: {  	[tilespmem:s22], [sflag:$0x2] =	stream.linear.gather @!p1 [hbm4b:s12+s21], $0x1400, $0x38;
	[tilespmem:$0x1D200] =	vst v63  }
0x87: {  	s12 =	sadd.s32 @!p1 s1, s16;
	s22 =	simm.s32 @!p1 $0x18480  }
0x88: {  	[tilespmem:s22], [sflag:$0x2] =	stream.linear.gather @!p1 [hbm4b:s12+s21], $0x1400, $0x38;
	[tilespmem:$0x1D200] =	vst v63  }
.Ltmp5:
0x89: {  	_ = 	snop;
	(pc) =	sbr.rel @p0 .LBB2_17-.Ltmp5, $4  }
0x8a: {  	s12 =	sadd.s32 @!p1 s1, s18;
	s22 =	simm.s32 @!p1 $0x19880  }
0x8b: {  	[tilespmem:s22], [sflag:$0x2] =	stream.linear.gather @!p1 [hbm4b:s12+s21], $0x1400, $0x38;
	[tilespmem:$0x1D200] =	vst v63  }
0x8c: {  	s1 =	sadd.s32 @!p1 s1, s19;
	s12 =	simm.s32 @!p1 $0x1AC80;
	s22 =	smul.u32 $0x500, s14  }
0x8d: {  	[tilespmem:s12], [sflag:$0x2] =	stream.linear.gather @!p1 [hbm4b:s1+s21], $0x1400, $0x38;
	[tilespmem:$0x1D200] =	vst v63  }
0x8e: {  	s13 =	smov.u32 s10  }
.Ltmp6:
0x8f: {  	s10 =	smov.u32 s9;
	s1 =	sadd.s32 s5, s22;
	(pc) =	sbr.rel .LBB2_6-.Ltmp6, $4  }
0x90: {  	s9 =	smov.u32 s25;
	s25 =	smov.u32 s7;
	s12 =	sadd.s32 $0x280, s1  }
0x91: {  	p2 =	slt.s32 s1, $0x79F00;
	s24 =	smov.u32 s1;
	p3 =	slt.s32 s12, s7  }
0x92: {  	s24 =	simm.s32 @!p2 $0x79F00;
	s25 =	smov.u32 @p3 s12  }
0x93: {  	v11 =	vmov s1;
	v13 =	vmov s24;
	s12 =	simm.s32 $0x0;
	s24 =	simm.s32 $0x0;
	v12 =	vmov s25  }
.LBB2_11:
0x94: {  	_ =	sdelay $0x3  }
0x95: {  	v26 =	vshrl.u32 v26, $0x3  }
0x96: {  	[tilespmem:v25+s31+$0x0] =	vst.idx.msk vm0, v23;
	v44 =	vmul.u32 $0x1400, v26  }
0x97: {  	v45 =	vor.u32 s1, v9;
	v24 =	vld.idx.msk [tilespmem:v24+s2+$0x0], vm0  }
0x98: {  	v16 =	vadd.s32 v16, v44  }
0x99: {  	s23 =	sadd.s32 $0x1, s25  }
0x9a: {  	v46 =	vmov s23  }
0x9b: {  	v23 =	vshrl.u32 v46, $0x3  }
0x9c: {  	v23 =	vmul.u32 $0x1400, v23;
	[tilespmem:v45+s31+$0x0] =	vst.idx.msk vm0, v24  }
0x9d: {  	v47 =	vor.u32 s25, v9;
	v16 =	vld.idx.msk [tilespmem:v16+s2+$0x0], vm0  }
0x9e: {  	v15 =	vadd.s32 v15, v23  }
0x9f: {  	s12 =	sadd.s32 $0x2, s25  }
0xa0: {  	v48 =	vmov s12  }
0xa1: {  	v23 =	vshrl.u32 v48, $0x3  }
0xa2: {  	v49 =	vmul.u32 $0x1400, v23;
	[tilespmem:v47+s31+$0x0] =	vst.idx.msk vm0, v16  }
0xa3: {  	v50 =	vor.u32 s23, v9;
	v15 =	vld.idx.msk [tilespmem:v15+s2+$0x0], vm0  }
0xa4: {  	v16 =	vadd.s32 v17, v49  }
0xa5: {  	s1 =	sadd.s32 $0x3, s25  }
0xa6: {  	v51 =	vmov s1  }
0xa7: {  	v17 =	vshrl.u32 v51, $0x3  }
0xa8: {  	[tilespmem:v50+s31+$0x0] =	vst.idx.msk vm0, v15;
	v15 =	vmul.u32 $0x1400, v17  }
0xa9: {  	v52 =	vor.u32 s12, v9;
	v16 =	vld.idx.msk [tilespmem:v16+s2+$0x0], vm0  }
0xaa: {  	v15 =	vadd.s32 v18, v15  }
0xab: {  	s23 =	sadd.s32 $0x4, s25  }
0xac: {  	v53 =	vmov s23  }
0xad: {  	v18 =	vshrl.u32 v53, $0x3  }
0xae: {  	v54 =	vmul.u32 $0x1400, v18;
	[tilespmem:v52+s31+$0x0] =	vst.idx.msk vm0, v16  }
0xaf: {  	v55 =	vor.u32 s1, v9;
	v15 =	vld.idx.msk [tilespmem:v15+s2+$0x0], vm0  }
0xb0: {  	v16 =	vadd.s32 v19, v54  }
0xb1: {  	s1 =	sadd.s32 $0x5, s25  }
0xb2: {  	v56 =	vmov s1  }
0xb3: {  	v18 =	vshrl.u32 v56, $0x3  }
0xb4: {  	[tilespmem:v55+s31+$0x0] =	vst.idx.msk vm0, v15;
	v15 =	vmul.u32 $0x1400, v18  }
0xb5: {  	v57 =	vor.u32 s23, v9;
	v16 =	vld.idx.msk [tilespmem:v16+s2+$0x0], vm0  }
0xb6: {  	v15 =	vadd.s32 v20, v15  }
0xb7: {  	s23 =	sadd.s32 $0x6, s25  }
0xb8: {  	v58 =	vmov s23  }
0xb9: {  	v18 =	vshrl.u32 v58, $0x3  }
0xba: {  	v59 =	vmul.u32 $0x1400, v18;
	[tilespmem:v57+s31+$0x0] =	vst.idx.msk vm0, v16  }
0xbb: {  	v60 =	vor.u32 s1, v9;
	v15 =	vld.idx.msk [tilespmem:v15+s2+$0x0], vm0  }
0xbc: {  	v16 =	vadd.s32 v21, v59  }
0xbd: {  	s25 =	sadd.s32 $0x7, s25  }
0xbe: {  	v61 =	vmov s25  }
0xbf: {  	v18 =	vshrl.u32 v61, $0x3  }
0xc0: {  	[tilespmem:v60+s31+$0x0] =	vst.idx.msk vm0, v15;
	v15 =	vmul.u32 $0x1400, v18  }
0xc1: {  	v62 =	vor.u32 s23, v9;
	v16 =	vld.idx.msk [tilespmem:v16+s2+$0x0], vm0  }
0xc2: {  	v15 =	vadd.s32 v22, v15;
	_ =	sdelay $0x3  }
0xc3: {  	[tilespmem:v62+s31+$0x0] =	vst.idx.msk vm0, v16  }
0xc4: {  	v63 =	vor.u32 s25, v9;
	v15 =	vld.idx.msk [tilespmem:v15+s2+$0x0], vm0;
	_ =	sdelay $0x4  }
0xc5: {  	[tilespmem:v63+s31+$0x0] =	vst.idx.msk vm0, v15  }
0xc6: {  	s12 =	simm.s32 $0x0;
	[tilespmem:v2+s30+$0x0] =	vst.idx.msk vm0, v14  }
0xc7: {  	[hbm4b:s6+s29] =	stream.indirect.scatter [tilespmem:s31], [sflag:$0x3], $0x80, s30, s29, $0xb8;
	[tilespmem:$0x1D200] =	vst v63  }
.LBB2_12:
0xc8: {  	s24 =	sadd.s32 $0x1, s24  }
0xc9: {  	p2 =	sne.s32 s24, s17  }
.Ltmp7:
0xca: {  	_ = 	snop;
	(pc) =	sbr.rel @!p2 .LBB2_13-.Ltmp7, $1  }
0xcb: {  	_ =	sdelay $0x3  }
.LBB2_6:
0xcc: {  	s1 =	sshll.u32 s24, $0x4  }
0xcd: {  	v14 =	vld [tilespmem:s1+$0x4000]  }
0xce: {  	v15 =	vor.u32 s1, v0  }
0xcf: {  	vm0 =	vlt.s32 v15, v10;
	_ =	sdelay $0x5  }
0xd0: {  	v15 =	vld.idx.msk [tilespmem:v14+s4+$0x0], vm0;
	_ =	sdelay $0x4  }
0xd1: {  	vm1 =	vlt.s32 v15, v12  }
0xd2: {  	vm2 =	vge.s32 v15, v11;
	vm0 =	vmand vm1, vm0  }
0xd3: {  	vm0 =	vmand vm0, vm2  }
0xd4: {  	v16 =	vsel vm0, $0x1, v7  }
0xd5: {  	(xrf0) =	vadd.scan.msk.s32 $0xffff, v16;
	_ =	sdelay $0x5  }
0xd6: {  	v16, _, _ =	vpop (xrf0)  }
0xd7: {  	(v2sf) =	vpush v16, $0xF;
	_ =	sdelay $0xd  }
0xd8: {  	v17 =	vsel vm0, $0xFFFFFFFF, v7  }
0xd9: {  	v17 =	vadd.s32 s12, v17;
	s25 =	spop (v2sf)  }
0xda: {  	v16 =	vadd.s32 v16, v17;
	s12 =	sadd.s32 s12, s25  }
0xdb: {  	p2 =	slt.s32 s12, $0x11  }
.Ltmp8:
0xdc: {  	_ = 	snop;
	(pc) =	sbr.rel @p2 .LBB2_12-.Ltmp8, $3  }
0xdd: {  	_ =	sdelay $0x1  }
0xde: {  	[tilespmem:v16+s3+$0x0] =	vst.idx.msk vm0, v14;
	v14 =	vsub.s32 v15, v13  }
0xdf: {  	[tilespmem:v16+s0+$0x0] =	vst.idx.msk vm0, v14  }
0xe0: {  	_ =	swait.ge [sflag:s8], $0x1000  }
0xe1: {  	[sflag:s8] =	ssyncset.done $0x0  }
0xe2: {  	[sflag:s8] =	ssyncadd.s32 $0xFFFFF000  }
0xe3: {  	v15 =	vld [tilespmem:$0x1D100];
	_ =	sdelay $0x2  }
0xe4: {  	s1 =	simm.s32 $0x0  }
0xe5: {  	v16 =	vmov s1  }
0xe6: {  	v14 =	vmov s12;
	v16 =	vshrl.u32 v16, $0x3;
	v17 =	vshll.u32 v15, $0x3  }
0xe7: {  	v18 =	vmul.u32 $0x1400, v16;
	v15 =	vand.u32 $0x7F, v15;
	v17 =	vand.u32 $0xFFFFFC00, v17  }
0xe8: {  	vm0 =	vgt.s32 v14, v0;
	v16 =	vor.u32 v15, v17  }
0xe9: {  	v15 =	vadd.s32 v16, v18  }
0xea: {  	s25 =	simm.s32 $0x1  }
0xeb: {  	v17 =	vmov s25  }
0xec: {  	[tilespmem:$0x1D180] =	vst v1;
	v17 =	vshrl.u32 v17, $0x3  }
0xed: {  	[tilespmem:$0x1D190] =	vst v4;
	v18 =	vmul.u32 $0x1400, v17  }
0xee: {  	v20 =	vor.u32 s1, v3;
	v17 =	vor.u32 $0x80, v16;
	v19 =	vld.idx.msk [tilespmem:v15+s2+$0x0], vm0  }
0xef: {  	v21 =	vadd.s32 v17, v18  }
0xf0: {  	s23 =	simm.s32 $0x2  }
0xf1: {  	v18 =	vmov s23  }
0xf2: {  	v18 =	vshrl.u32 v18, $0x3  }
0xf3: {  	v15 =	vld [tilespmem:$0x1D080];
	[tilespmem:v20+s31+$0x0] =	vst.idx.msk vm0, v19;
	v19 =	vmul.u32 $0x1400, v18  }
0xf4: {  	v18 =	vor.u32 $0x100, v16;
	v20 =	vld.idx.msk [tilespmem:v21+s2+$0x0], vm0;
	v21 =	vor.u32 s25, v3  }
0xf5: {  	v22 =	vadd.s32 v18, v19  }
0xf6: {  	s25 =	simm.s32 $0x3  }
0xf7: {  	v19 =	vmov s25  }
0xf8: {  	v19 =	vshrl.u32 v19, $0x3  }
0xf9: {  	[tilespmem:v21+s31+$0x0] =	vst.idx.msk vm0, v20;
	v20 =	vmul.u32 $0x1400, v19  }
0xfa: {  	v19 =	vor.u32 $0x180, v16;
	v21 =	vld.idx.msk [tilespmem:v22+s2+$0x0], vm0;
	v22 =	vor.u32 s23, v3  }
0xfb: {  	v23 =	vadd.s32 v19, v20  }
0xfc: {  	s23 =	simm.s32 $0x4  }
0xfd: {  	v20 =	vmov s23  }
0xfe: {  	v20 =	vshrl.u32 v20, $0x3  }
0xff: {  	[tilespmem:v22+s31+$0x0] =	vst.idx.msk vm0, v21;
	v21 =	vmul.u32 $0x1400, v20  }
0x100: {  	v20 =	vor.u32 $0x200, v16;
	v22 =	vld.idx.msk [tilespmem:v23+s2+$0x0], vm0;
	v23 =	vor.u32 s25, v3  }
0x101: {  	v24 =	vadd.s32 v20, v21  }
0x102: {  	s25 =	simm.s32 $0x5  }
0x103: {  	v21 =	vmov s25  }
0x104: {  	v21 =	vshrl.u32 v21, $0x3  }
0x105: {  	[tilespmem:v23+s31+$0x0] =	vst.idx.msk vm0, v22;
	v22 =	vmul.u32 $0x1400, v21  }
0x106: {  	v21 =	vor.u32 $0x280, v16;
	v23 =	vld.idx.msk [tilespmem:v24+s2+$0x0], vm0;
	v24 =	vor.u32 s23, v3  }
0x107: {  	v25 =	vadd.s32 v21, v22  }
0x108: {  	s23 =	simm.s32 $0x6  }
0x109: {  	v22 =	vmov s23  }
0x10a: {  	v22 =	vshrl.u32 v22, $0x3  }
0x10b: {  	[tilespmem:v24+s31+$0x0] =	vst.idx.msk vm0, v23;
	v23 =	vmul.u32 $0x1400, v22  }
0x10c: {  	v22 =	vor.u32 $0x300, v16;
	v24 =	vld.idx.msk [tilespmem:v25+s2+$0x0], vm0;
	v25 =	vor.u32 s25, v3  }
0x10d: {  	v26 =	vadd.s32 v22, v23  }
0x10e: {  	s1 =	simm.s32 $0x7  }
0x10f: {  	v23 =	vmov s1  }
0x110: {  	v23 =	vshrl.u32 v23, $0x3  }
0x111: {  	v27 =	vmul.u32 $0x1400, v23;
	[tilespmem:v25+s31+$0x0] =	vst.idx.msk vm0, v24  }
0x112: {  	v23 =	vor.u32 $0x380, v16;
	v24 =	vld.idx.msk [tilespmem:v26+s2+$0x0], vm0;
	v26 =	vor.u32 s23, v3  }
0x113: {  	v25 =	vadd.s32 v23, v27;
	_ =	sdelay $0x1  }
0x114: {  	s25 =	simm.s32 $0x8  }
0x115: {  	s12 =	simm.s32 $0x10;
	v27 =	vmov s25  }
.LBB2_8:
0x116: {  	p2 =	slt.u32 s12, $0x38;
	v27 =	vshrl.u32 v27, $0x3;
	[tilespmem:v26+s31+$0x0] =	vst.idx.msk vm0, v24  }
0x117: {  	v24 =	vmul.u32 $0x1400, v27;
	v25 =	vld.idx.msk [tilespmem:v25+s2+$0x0], vm0  }
0x118: {  	v26 =	vor.u32 s1, v3  }
0x119: {  	v24 =	vadd.s32 v16, v24;
	_ =	sdelay $0x1  }
0x11a: {  	s1 =	sadd.s32 $0x1, s25  }
0x11b: {  	v27 =	vmov s1  }
0x11c: {  	v27 =	vshrl.u32 v27, $0x3;
	[tilespmem:v26+s31+$0x0] =	vst.idx.msk vm0, v25  }
0x11d: {  	v25 =	vmul.u32 $0x1400, v27;
	v24 =	vld.idx.msk [tilespmem:v24+s2+$0x0], vm0  }
0x11e: {  	v26 =	vor.u32 s25, v3  }
0x11f: {  	v25 =	vadd.s32 v17, v25;
	_ =	sdelay $0x1  }
0x120: {  	s23 =	sadd.s32 $0x2, s25  }
0x121: {  	v27 =	vmov s23  }
0x122: {  	[tilespmem:v26+s31+$0x0] =	vst.idx.msk vm0, v24;
	v24 =	vshrl.u32 v27, $0x3  }
0x123: {  	v25 =	vld.idx.msk [tilespmem:v25+s2+$0x0], vm0;
	v24 =	vmul.u32 $0x1400, v24  }
0x124: {  	v26 =	vor.u32 s1, v3  }
0x125: {  	v24 =	vadd.s32 v18, v24;
	_ =	sdelay $0x1  }
0x126: {  	s1 =	sadd.s32 $0x3, s25  }
0x127: {  	v27 =	vmov s1  }
0x128: {  	[tilespmem:v26+s31+$0x0] =	vst.idx.msk vm0, v25;
	v25 =	vshrl.u32 v27, $0x3  }
0x129: {  	v24 =	vld.idx.msk [tilespmem:v24+s2+$0x0], vm0;
	v25 =	vmul.u32 $0x1400, v25  }
0x12a: {  	v26 =	vor.u32 s23, v3  }
0x12b: {  	v25 =	vadd.s32 v19, v25;
	_ =	sdelay $0x1  }
0x12c: {  	s23 =	sadd.s32 $0x4, s25  }
0x12d: {  	v27 =	vmov s23  }
0x12e: {  	[tilespmem:v26+s31+$0x0] =	vst.idx.msk vm0, v24;
	v24 =	vshrl.u32 v27, $0x3  }
0x12f: {  	v25 =	vld.idx.msk [tilespmem:v25+s2+$0x0], vm0;
	v24 =	vmul.u32 $0x1400, v24  }
0x130: {  	v26 =	vor.u32 s1, v3  }
0x131: {  	v24 =	vadd.s32 v20, v24;
	_ =	sdelay $0x1  }
0x132: {  	s1 =	sadd.s32 $0x5, s25  }
0x133: {  	v27 =	vmov s1  }
0x134: {  	[tilespmem:v26+s31+$0x0] =	vst.idx.msk vm0, v25;
	v25 =	vshrl.u32 v27, $0x3  }
0x135: {  	v24 =	vld.idx.msk [tilespmem:v24+s2+$0x0], vm0;
	v25 =	vmul.u32 $0x1400, v25  }
0x136: {  	v26 =	vor.u32 s23, v3  }
0x137: {  	v25 =	vadd.s32 v21, v25;
	_ =	sdelay $0x1  }
0x138: {  	s23 =	sadd.s32 $0x6, s25  }
0x139: {  	v27 =	vmov s23  }
0x13a: {  	[tilespmem:v26+s31+$0x0] =	vst.idx.msk vm0, v24;
	v24 =	vshrl.u32 v27, $0x3  }
0x13b: {  	v25 =	vld.idx.msk [tilespmem:v25+s2+$0x0], vm0;
	v24 =	vmul.u32 $0x1400, v24  }
0x13c: {  	v26 =	vor.u32 s1, v3  }
0x13d: {  	v24 =	vadd.s32 v22, v24;
	_ =	sdelay $0x1  }
0x13e: {  	s1 =	sadd.s32 $0x7, s25;
	s25 =	smov.u32 s12  }
0x13f: {  	v27 =	vmov s1  }
0x140: {  	[tilespmem:v26+s31+$0x0] =	vst.idx.msk vm0, v25;
	v25 =	vshrl.u32 v27, $0x3  }
0x141: {  	v24 =	vld.idx.msk [tilespmem:v24+s2+$0x0], vm0;
	v25 =	vmul.u32 $0x1400, v25  }
.Ltmp9:
0x142: {  	v26 =	vor.u32 s23, v3;
	(pc) =	sbr.rel @p2 .LBB2_8-.Ltmp9, $2  }
0x143: {  	v25 =	vadd.s32 v23, v25;
	_ =	sdelay $0x2  }
0x144: {  	s12 =	sadd.s32 $0x8, s12;
	v27 =	vmov s25  }
0x145: {  	_ =	sdelay $0x3  }
0x146: {  	v27 =	vshrl.u32 v27, $0x3  }
0x147: {  	[tilespmem:v26+s31+$0x0] =	vst.idx.msk vm0, v24;
	v24 =	vmul.u32 $0x1400, v27  }
0x148: {  	v26 =	vor.u32 s1, v3;
	v25 =	vld.idx.msk [tilespmem:v25+s2+$0x0], vm0  }
0x149: {  	v16 =	vadd.s32 v16, v24  }
0x14a: {  	s23 =	sadd.s32 $0x1, s25  }
0x14b: {  	v24 =	vmov s23  }
0x14c: {  	v24 =	vshrl.u32 v24, $0x3  }
0x14d: {  	v24 =	vmul.u32 $0x1400, v24;
	[tilespmem:v26+s31+$0x0] =	vst.idx.msk vm0, v25  }
0x14e: {  	v25 =	vor.u32 s25, v3;
	v16 =	vld.idx.msk [tilespmem:v16+s2+$0x0], vm0  }
0x14f: {  	v17 =	vadd.s32 v17, v24  }
0x150: {  	s12 =	sadd.s32 $0x2, s25  }
0x151: {  	v24 =	vmov s12  }
0x152: {  	v24 =	vshrl.u32 v24, $0x3  }
0x153: {  	[tilespmem:v25+s31+$0x0] =	vst.idx.msk vm0, v16;
	v16 =	vmul.u32 $0x1400, v24  }
0x154: {  	v24 =	vor.u32 s23, v3;
	v17 =	vld.idx.msk [tilespmem:v17+s2+$0x0], vm0  }
0x155: {  	v16 =	vadd.s32 v18, v16  }
0x156: {  	s1 =	sadd.s32 $0x3, s25  }
0x157: {  	v18 =	vmov s1  }
0x158: {  	v18 =	vshrl.u32 v18, $0x3  }
0x159: {  	[tilespmem:v24+s31+$0x0] =	vst.idx.msk vm0, v17;
	v17 =	vmul.u32 $0x1400, v18  }
0x15a: {  	v18 =	vor.u32 s12, v3;
	v16 =	vld.idx.msk [tilespmem:v16+s2+$0x0], vm0  }
0x15b: {  	v17 =	vadd.s32 v19, v17  }
0x15c: {  	s23 =	sadd.s32 $0x4, s25  }
0x15d: {  	v19 =	vmov s23  }
0x15e: {  	v19 =	vshrl.u32 v19, $0x3  }
0x15f: {  	[tilespmem:v18+s31+$0x0] =	vst.idx.msk vm0, v16;
	v16 =	vmul.u32 $0x1400, v19  }
0x160: {  	v18 =	vor.u32 s1, v3;
	v17 =	vld.idx.msk [tilespmem:v17+s2+$0x0], vm0  }
0x161: {  	v16 =	vadd.s32 v20, v16  }
0x162: {  	s1 =	sadd.s32 $0x5, s25  }
0x163: {  	v19 =	vmov s1  }
0x164: {  	v19 =	vshrl.u32 v19, $0x3  }
0x165: {  	[tilespmem:v18+s31+$0x0] =	vst.idx.msk vm0, v17;
	v17 =	vmul.u32 $0x1400, v19  }
0x166: {  	v18 =	vor.u32 s23, v3;
	v16 =	vld.idx.msk [tilespmem:v16+s2+$0x0], vm0  }
0x167: {  	v17 =	vadd.s32 v21, v17  }
0x168: {  	s23 =	sadd.s32 $0x6, s25  }
0x169: {  	v19 =	vmov s23  }
0x16a: {  	v19 =	vshrl.u32 v19, $0x3  }
0x16b: {  	[tilespmem:v18+s31+$0x0] =	vst.idx.msk vm0, v16;
	v16 =	vmul.u32 $0x1400, v19  }
0x16c: {  	v18 =	vor.u32 s1, v3;
	v17 =	vld.idx.msk [tilespmem:v17+s2+$0x0], vm0  }
0x16d: {  	v16 =	vadd.s32 v22, v16  }
0x16e: {  	s25 =	sadd.s32 $0x7, s25  }
0x16f: {  	v19 =	vmov s25  }
0x170: {  	v19 =	vshrl.u32 v19, $0x3  }
0x171: {  	[tilespmem:v18+s31+$0x0] =	vst.idx.msk vm0, v17;
	v17 =	vmul.u32 $0x1400, v19  }
0x172: {  	v18 =	vor.u32 s23, v3;
	v16 =	vld.idx.msk [tilespmem:v16+s2+$0x0], vm0  }
0x173: {  	v17 =	vadd.s32 v23, v17;
	_ =	sdelay $0x3  }
0x174: {  	[tilespmem:v18+s31+$0x0] =	vst.idx.msk vm0, v16  }
0x175: {  	v16 =	vld.idx.msk [tilespmem:v17+s2+$0x0], vm0;
	v17 =	vor.u32 s25, v3;
	_ =	sdelay $0x4  }
0x176: {  	[tilespmem:v17+s31+$0x0] =	vst.idx.msk vm0, v16  }
0x177: {  	[tilespmem:v0+s30+$0x0] =	vst.idx.msk vm0, v15  }
0x178: {  	v15 =	vld [tilespmem:$0x1D110];
	_ =	sdelay $0x2  }
0x179: {  	s23 =	simm.s32 $0x0  }
0x17a: {  	v16 =	vmov s23  }
0x17b: {  	v16 =	vshrl.u32 v16, $0x3;
	v17 =	vshll.u32 v15, $0x3  }
0x17c: {  	v18 =	vmul.u32 $0x1400, v16;
	v15 =	vand.u32 $0x7F, v15;
	v17 =	vand.u32 $0xFFFFFC00, v17  }
0x17d: {  	vm0 =	vgt.s32 v14, v2;
	v16 =	vor.u32 v15, v17  }
0x17e: {  	v14 =	vadd.s32 v16, v18  }
0x17f: {  	s25 =	simm.s32 $0x1  }
0x180: {  	v15 =	vmov s25  }
0x181: {  	v15 =	vshrl.u32 v15, $0x3  }
0x182: {  	v17 =	vmul.u32 $0x1400, v15  }
0x183: {  	v19 =	vor.u32 s23, v9;
	v15 =	vor.u32 $0x80, v16;
	v18 =	vld.idx.msk [tilespmem:v14+s2+$0x0], vm0  }
0x184: {  	v20 =	vadd.s32 v15, v17  }
0x185: {  	s23 =	simm.s32 $0x2  }
0x186: {  	v17 =	vmov s23  }
0x187: {  	v17 =	vshrl.u32 v17, $0x3  }
0x188: {  	v14 =	vld [tilespmem:$0x1D090];
	[tilespmem:v19+s31+$0x0] =	vst.idx.msk vm0, v18;
	v18 =	vmul.u32 $0x1400, v17  }
0x189: {  	v17 =	vor.u32 $0x100, v16;
	v19 =	vld.idx.msk [tilespmem:v20+s2+$0x0], vm0;
	v20 =	vor.u32 s25, v9  }
0x18a: {  	v21 =	vadd.s32 v17, v18  }
0x18b: {  	s25 =	simm.s32 $0x3  }
0x18c: {  	v18 =	vmov s25  }
0x18d: {  	v18 =	vshrl.u32 v18, $0x3  }
0x18e: {  	[tilespmem:v20+s31+$0x0] =	vst.idx.msk vm0, v19;
	v19 =	vmul.u32 $0x1400, v18  }
0x18f: {  	v18 =	vor.u32 $0x180, v16;
	v20 =	vld.idx.msk [tilespmem:v21+s2+$0x0], vm0;
	v21 =	vor.u32 s23, v9  }
0x190: {  	v22 =	vadd.s32 v18, v19  }
0x191: {  	s23 =	simm.s32 $0x4  }
0x192: {  	v19 =	vmov s23  }
0x193: {  	v19 =	vshrl.u32 v19, $0x3  }
0x194: {  	[tilespmem:v21+s31+$0x0] =	vst.idx.msk vm0, v20;
	v20 =	vmul.u32 $0x1400, v19  }
0x195: {  	v19 =	vor.u32 $0x200, v16;
	v21 =	vld.idx.msk [tilespmem:v22+s2+$0x0], vm0;
	v22 =	vor.u32 s25, v9  }
0x196: {  	v23 =	vadd.s32 v19, v20  }
0x197: {  	s25 =	simm.s32 $0x5  }
0x198: {  	v20 =	vmov s25  }
0x199: {  	v20 =	vshrl.u32 v20, $0x3  }
0x19a: {  	[tilespmem:v22+s31+$0x0] =	vst.idx.msk vm0, v21;
	v21 =	vmul.u32 $0x1400, v20  }
0x19b: {  	v20 =	vor.u32 $0x280, v16;
	v22 =	vld.idx.msk [tilespmem:v23+s2+$0x0], vm0;
	v23 =	vor.u32 s23, v9  }
0x19c: {  	v24 =	vadd.s32 v20, v21  }
0x19d: {  	s23 =	simm.s32 $0x6  }
0x19e: {  	v21 =	vmov s23  }
0x19f: {  	v21 =	vshrl.u32 v21, $0x3  }
0x1a0: {  	[tilespmem:v23+s31+$0x0] =	vst.idx.msk vm0, v22;
	v22 =	vmul.u32 $0x1400, v21  }
0x1a1: {  	v21 =	vor.u32 $0x300, v16;
	v23 =	vld.idx.msk [tilespmem:v24+s2+$0x0], vm0;
	v24 =	vor.u32 s25, v9  }
0x1a2: {  	v25 =	vadd.s32 v21, v22  }
0x1a3: {  	s1 =	simm.s32 $0x7  }
0x1a4: {  	v22 =	vmov s1  }
0x1a5: {  	v22 =	vshrl.u32 v22, $0x3  }
0x1a6: {  	v26 =	vmul.u32 $0x1400, v22;
	[tilespmem:v24+s31+$0x0] =	vst.idx.msk vm0, v23  }
0x1a7: {  	v22 =	vor.u32 $0x380, v16;
	v23 =	vld.idx.msk [tilespmem:v25+s2+$0x0], vm0;
	v25 =	vor.u32 s23, v9  }
0x1a8: {  	v24 =	vadd.s32 v22, v26;
	_ =	sdelay $0x1  }
0x1a9: {  	s25 =	simm.s32 $0x8  }
0x1aa: {  	s12 =	simm.s32 $0x10;
	v26 =	vmov s25  }
.LBB2_10:
0x1ab: {  	p2 =	slt.u32 s12, $0x38;
	v26 =	vshrl.u32 v26, $0x3;
	[tilespmem:v25+s31+$0x0] =	vst.idx.msk vm0, v23  }
0x1ac: {  	v23 =	vmul.u32 $0x1400, v26;
	v24 =	vld.idx.msk [tilespmem:v24+s2+$0x0], vm0  }
0x1ad: {  	v25 =	vor.u32 s1, v9  }
0x1ae: {  	v23 =	vadd.s32 v16, v23;
	_ =	sdelay $0x1  }
0x1af: {  	s1 =	sadd.s32 $0x1, s25  }
0x1b0: {  	v26 =	vmov s1  }
0x1b1: {  	v26 =	vshrl.u32 v26, $0x3;
	[tilespmem:v25+s31+$0x0] =	vst.idx.msk vm0, v24  }
0x1b2: {  	v24 =	vmul.u32 $0x1400, v26;
	v23 =	vld.idx.msk [tilespmem:v23+s2+$0x0], vm0  }
0x1b3: {  	v25 =	vor.u32 s25, v9  }
0x1b4: {  	v24 =	vadd.s32 v15, v24;
	_ =	sdelay $0x1  }
0x1b5: {  	s23 =	sadd.s32 $0x2, s25  }
0x1b6: {  	v26 =	vmov s23  }
0x1b7: {  	[tilespmem:v25+s31+$0x0] =	vst.idx.msk vm0, v23;
	v23 =	vshrl.u32 v26, $0x3  }
0x1b8: {  	v24 =	vld.idx.msk [tilespmem:v24+s2+$0x0], vm0;
	v23 =	vmul.u32 $0x1400, v23  }
0x1b9: {  	v25 =	vor.u32 s1, v9  }
0x1ba: {  	v23 =	vadd.s32 v17, v23;
	_ =	sdelay $0x1  }
0x1bb: {  	s1 =	sadd.s32 $0x3, s25  }
0x1bc: {  	v26 =	vmov s1  }
0x1bd: {  	[tilespmem:v25+s31+$0x0] =	vst.idx.msk vm0, v24;
	v24 =	vshrl.u32 v26, $0x3  }
0x1be: {  	v23 =	vld.idx.msk [tilespmem:v23+s2+$0x0], vm0;
	v24 =	vmul.u32 $0x1400, v24  }
0x1bf: {  	v25 =	vor.u32 s23, v9  }
0x1c0: {  	v24 =	vadd.s32 v18, v24;
	_ =	sdelay $0x1  }
0x1c1: {  	s23 =	sadd.s32 $0x4, s25  }
0x1c2: {  	v26 =	vmov s23  }
0x1c3: {  	[tilespmem:v25+s31+$0x0] =	vst.idx.msk vm0, v23;
	v23 =	vshrl.u32 v26, $0x3  }
0x1c4: {  	v24 =	vld.idx.msk [tilespmem:v24+s2+$0x0], vm0;
	v23 =	vmul.u32 $0x1400, v23  }
0x1c5: {  	v25 =	vor.u32 s1, v9  }
0x1c6: {  	v23 =	vadd.s32 v19, v23;
	_ =	sdelay $0x1  }
0x1c7: {  	s1 =	sadd.s32 $0x5, s25  }
0x1c8: {  	v26 =	vmov s1  }
0x1c9: {  	[tilespmem:v25+s31+$0x0] =	vst.idx.msk vm0, v24;
	v24 =	vshrl.u32 v26, $0x3  }
0x1ca: {  	v23 =	vld.idx.msk [tilespmem:v23+s2+$0x0], vm0;
	v24 =	vmul.u32 $0x1400, v24  }
0x1cb: {  	v25 =	vor.u32 s23, v9  }
0x1cc: {  	v24 =	vadd.s32 v20, v24;
	_ =	sdelay $0x1  }
0x1cd: {  	s23 =	sadd.s32 $0x6, s25  }
0x1ce: {  	v26 =	vmov s23  }
0x1cf: {  	[tilespmem:v25+s31+$0x0] =	vst.idx.msk vm0, v23;
	v23 =	vshrl.u32 v26, $0x3  }
0x1d0: {  	v24 =	vld.idx.msk [tilespmem:v24+s2+$0x0], vm0;
	v23 =	vmul.u32 $0x1400, v23  }
0x1d1: {  	v25 =	vor.u32 s1, v9  }
0x1d2: {  	v23 =	vadd.s32 v21, v23;
	_ =	sdelay $0x1  }
0x1d3: {  	s1 =	sadd.s32 $0x7, s25;
	s25 =	smov.u32 s12  }
0x1d4: {  	v26 =	vmov s1  }
0x1d5: {  	[tilespmem:v25+s31+$0x0] =	vst.idx.msk vm0, v24;
	v24 =	vshrl.u32 v26, $0x3  }
0x1d6: {  	v23 =	vld.idx.msk [tilespmem:v23+s2+$0x0], vm0;
	v24 =	vmul.u32 $0x1400, v24  }
.Ltmp10:
0x1d7: {  	v25 =	vor.u32 s23, v9;
	(pc) =	sbr.rel @p2 .LBB2_10-.Ltmp10, $2  }
0x1d8: {  	v24 =	vadd.s32 v22, v24;
	_ =	sdelay $0x2  }
0x1d9: {  	s12 =	sadd.s32 $0x8, s12;
	v26 =	vmov s25  }
.Ltmp11:
0x1da: {  	_ = 	snop;
	(pc) =	sbr.rel .LBB2_11-.Ltmp11, $1  }
0x1db: {  	_ =	sdelay $0x3  }
.LBB2_13:
0x1dc: {  	p2 =	slt.s32 s12, $0x1  }
.Ltmp12:
0x1dd: {  	_ = 	snop;
	(pc) =	sbr.rel @p2 .LBB2_17-.Ltmp12, $3  }
0x1de: {  	_ =	sdelay $0x1  }
0x1df: {  	s25 =	smov.u32 s9  }
0x1e0: {  	s9 =	smov.u32 s10;
	s10 =	smov.u32 s13;
	s13 =	rddreg [dreg:$0x7]  }
0x1e1: {  	_ =	swait.ge [sflag:s8], $0x1000  }
0x1e2: {  	[sflag:s8] =	ssyncset.done $0x0  }
0x1e3: {  	[sflag:s8] =	ssyncadd.s32 $0xFFFFF000  }
0x1e4: {  	v11 =	vld [tilespmem:$0x1D100];
	_ =	sdelay $0x2  }
0x1e5: {  	s1 =	simm.s32 $0x0  }
0x1e6: {  	v12 =	vmov s1  }
0x1e7: {  	v13 =	vmov s12;
	v12 =	vshrl.u32 v12, $0x3;
	v14 =	vshll.u32 v11, $0x3  }
0x1e8: {  	v15 =	vmul.u32 $0x1400, v12;
	v11 =	vand.u32 $0x7F, v11;
	v14 =	vand.u32 $0xFFFFFC00, v14  }
0x1e9: {  	vm0 =	vgt.s32 v13, v0;
	v12 =	vor.u32 v11, v14  }
0x1ea: {  	v11 =	vadd.s32 v12, v15  }
0x1eb: {  	s24 =	simm.s32 $0x1  }
0x1ec: {  	v13 =	vmov s24  }
0x1ed: {  	v13 =	vshrl.u32 v13, $0x3;
	[tilespmem:$0x1D180] =	vst v1  }
0x1ee: {  	[tilespmem:$0x1D190] =	vst v4;
	v14 =	vmul.u32 $0x1400, v13  }
0x1ef: {  	v16 =	vor.u32 s1, v3;
	v13 =	vor.u32 $0x80, v12;
	v15 =	vld.idx.msk [tilespmem:v11+s2+$0x0], vm0  }
0x1f0: {  	v17 =	vadd.s32 v13, v14  }
0x1f1: {  	s23 =	simm.s32 $0x2  }
0x1f2: {  	v14 =	vmov s23  }
0x1f3: {  	v14 =	vshrl.u32 v14, $0x3  }
0x1f4: {  	v11 =	vld [tilespmem:$0x1D080];
	[tilespmem:v16+s31+$0x0] =	vst.idx.msk vm0, v15;
	v15 =	vmul.u32 $0x1400, v14  }
0x1f5: {  	v14 =	vor.u32 $0x100, v12;
	v16 =	vld.idx.msk [tilespmem:v17+s2+$0x0], vm0;
	v17 =	vor.u32 s24, v3  }
0x1f6: {  	v18 =	vadd.s32 v14, v15  }
0x1f7: {  	s24 =	simm.s32 $0x3  }
0x1f8: {  	v15 =	vmov s24  }
0x1f9: {  	v15 =	vshrl.u32 v15, $0x3  }
0x1fa: {  	[tilespmem:v17+s31+$0x0] =	vst.idx.msk vm0, v16;
	v16 =	vmul.u32 $0x1400, v15  }
0x1fb: {  	v15 =	vor.u32 $0x180, v12;
	v17 =	vld.idx.msk [tilespmem:v18+s2+$0x0], vm0;
	v18 =	vor.u32 s23, v3  }
0x1fc: {  	v19 =	vadd.s32 v15, v16  }
0x1fd: {  	s23 =	simm.s32 $0x4  }
0x1fe: {  	v16 =	vmov s23  }
0x1ff: {  	v16 =	vshrl.u32 v16, $0x3  }
0x200: {  	[tilespmem:v18+s31+$0x0] =	vst.idx.msk vm0, v17;
	v17 =	vmul.u32 $0x1400, v16  }
0x201: {  	v16 =	vor.u32 $0x200, v12;
	v18 =	vld.idx.msk [tilespmem:v19+s2+$0x0], vm0;
	v19 =	vor.u32 s24, v3  }
0x202: {  	v20 =	vadd.s32 v16, v17  }
0x203: {  	s24 =	simm.s32 $0x5  }
0x204: {  	v17 =	vmov s24  }
0x205: {  	v17 =	vshrl.u32 v17, $0x3  }
0x206: {  	[tilespmem:v19+s31+$0x0] =	vst.idx.msk vm0, v18;
	v18 =	vmul.u32 $0x1400, v17  }
0x207: {  	v17 =	vor.u32 $0x280, v12;
	v19 =	vld.idx.msk [tilespmem:v20+s2+$0x0], vm0;
	v20 =	vor.u32 s23, v3  }
0x208: {  	v21 =	vadd.s32 v17, v18  }
0x209: {  	s23 =	simm.s32 $0x6  }
0x20a: {  	v18 =	vmov s23  }
0x20b: {  	v18 =	vshrl.u32 v18, $0x3  }
0x20c: {  	[tilespmem:v20+s31+$0x0] =	vst.idx.msk vm0, v19;
	v19 =	vmul.u32 $0x1400, v18  }
0x20d: {  	v18 =	vor.u32 $0x300, v12;
	v20 =	vld.idx.msk [tilespmem:v21+s2+$0x0], vm0;
	v21 =	vor.u32 s24, v3  }
0x20e: {  	v22 =	vadd.s32 v18, v19  }
0x20f: {  	s1 =	simm.s32 $0x7  }
0x210: {  	v19 =	vmov s1  }
0x211: {  	v19 =	vshrl.u32 v19, $0x3  }
0x212: {  	v23 =	vmul.u32 $0x1400, v19;
	[tilespmem:v21+s31+$0x0] =	vst.idx.msk vm0, v20  }
0x213: {  	v19 =	vor.u32 $0x380, v12;
	v20 =	vld.idx.msk [tilespmem:v22+s2+$0x0], vm0;
	v22 =	vor.u32 s23, v3  }
0x214: {  	v21 =	vadd.s32 v19, v23;
	_ =	sdelay $0x1  }
0x215: {  	s24 =	simm.s32 $0x8  }
0x216: {  	s12 =	simm.s32 $0x10;
	v23 =	vmov s24  }
.LBB2_15:
0x217: {  	p2 =	slt.u32 s12, $0x38;
	v23 =	vshrl.u32 v23, $0x3;
	[tilespmem:v22+s31+$0x0] =	vst.idx.msk vm0, v20  }
0x218: {  	v20 =	vmul.u32 $0x1400, v23;
	v21 =	vld.idx.msk [tilespmem:v21+s2+$0x0], vm0  }
0x219: {  	v22 =	vor.u32 s1, v3  }
0x21a: {  	v20 =	vadd.s32 v12, v20;
	_ =	sdelay $0x1  }
0x21b: {  	s1 =	sadd.s32 $0x1, s24  }
0x21c: {  	v23 =	vmov s1  }
0x21d: {  	v23 =	vshrl.u32 v23, $0x3;
	[tilespmem:v22+s31+$0x0] =	vst.idx.msk vm0, v21  }
0x21e: {  	v21 =	vmul.u32 $0x1400, v23;
	v20 =	vld.idx.msk [tilespmem:v20+s2+$0x0], vm0  }
0x21f: {  	v22 =	vor.u32 s24, v3  }
0x220: {  	v21 =	vadd.s32 v13, v21;
	_ =	sdelay $0x1  }
0x221: {  	s23 =	sadd.s32 $0x2, s24  }
0x222: {  	v23 =	vmov s23  }
0x223: {  	[tilespmem:v22+s31+$0x0] =	vst.idx.msk vm0, v20;
	v20 =	vshrl.u32 v23, $0x3  }
0x224: {  	v21 =	vld.idx.msk [tilespmem:v21+s2+$0x0], vm0;
	v20 =	vmul.u32 $0x1400, v20  }
0x225: {  	v22 =	vor.u32 s1, v3  }
0x226: {  	v20 =	vadd.s32 v14, v20;
	_ =	sdelay $0x1  }
0x227: {  	s1 =	sadd.s32 $0x3, s24  }
0x228: {  	v23 =	vmov s1  }
0x229: {  	[tilespmem:v22+s31+$0x0] =	vst.idx.msk vm0, v21;
	v21 =	vshrl.u32 v23, $0x3  }
0x22a: {  	v20 =	vld.idx.msk [tilespmem:v20+s2+$0x0], vm0;
	v21 =	vmul.u32 $0x1400, v21  }
0x22b: {  	v22 =	vor.u32 s23, v3  }
0x22c: {  	v21 =	vadd.s32 v15, v21;
	_ =	sdelay $0x1  }
0x22d: {  	s23 =	sadd.s32 $0x4, s24  }
0x22e: {  	v23 =	vmov s23  }
0x22f: {  	[tilespmem:v22+s31+$0x0] =	vst.idx.msk vm0, v20;
	v20 =	vshrl.u32 v23, $0x3  }
0x230: {  	v21 =	vld.idx.msk [tilespmem:v21+s2+$0x0], vm0;
	v20 =	vmul.u32 $0x1400, v20  }
0x231: {  	v22 =	vor.u32 s1, v3  }
0x232: {  	v20 =	vadd.s32 v16, v20;
	_ =	sdelay $0x1  }
0x233: {  	s1 =	sadd.s32 $0x5, s24  }
0x234: {  	v23 =	vmov s1  }
0x235: {  	[tilespmem:v22+s31+$0x0] =	vst.idx.msk vm0, v21;
	v21 =	vshrl.u32 v23, $0x3  }
0x236: {  	v20 =	vld.idx.msk [tilespmem:v20+s2+$0x0], vm0;
	v21 =	vmul.u32 $0x1400, v21  }
0x237: {  	v22 =	vor.u32 s23, v3  }
0x238: {  	v21 =	vadd.s32 v17, v21;
	_ =	sdelay $0x1  }
0x239: {  	s23 =	sadd.s32 $0x6, s24  }
0x23a: {  	v23 =	vmov s23  }
0x23b: {  	[tilespmem:v22+s31+$0x0] =	vst.idx.msk vm0, v20;
	v20 =	vshrl.u32 v23, $0x3  }
0x23c: {  	v21 =	vld.idx.msk [tilespmem:v21+s2+$0x0], vm0;
	v20 =	vmul.u32 $0x1400, v20  }
0x23d: {  	v22 =	vor.u32 s1, v3  }
0x23e: {  	v20 =	vadd.s32 v18, v20;
	_ =	sdelay $0x1  }
0x23f: {  	s1 =	sadd.s32 $0x7, s24;
	s24 =	smov.u32 s12  }
0x240: {  	v23 =	vmov s1  }
0x241: {  	[tilespmem:v22+s31+$0x0] =	vst.idx.msk vm0, v21;
	v21 =	vshrl.u32 v23, $0x3  }
0x242: {  	v20 =	vld.idx.msk [tilespmem:v20+s2+$0x0], vm0;
	v21 =	vmul.u32 $0x1400, v21  }
.Ltmp13:
0x243: {  	v22 =	vor.u32 s23, v3;
	(pc) =	sbr.rel @p2 .LBB2_15-.Ltmp13, $2  }
0x244: {  	v21 =	vadd.s32 v19, v21;
	_ =	sdelay $0x2  }
0x245: {  	s12 =	sadd.s32 $0x8, s12;
	v23 =	vmov s24  }
0x246: {  	_ =	sdelay $0x3  }
0x247: {  	v23 =	vshrl.u32 v23, $0x3  }
0x248: {  	[tilespmem:v22+s31+$0x0] =	vst.idx.msk vm0, v20;
	v41 =	vmul.u32 $0x1400, v23  }
0x249: {  	v42 =	vor.u32 s1, v3;
	v21 =	vld.idx.msk [tilespmem:v21+s2+$0x0], vm0  }
0x24a: {  	v12 =	vadd.s32 v12, v41  }
0x24b: {  	s23 =	sadd.s32 $0x1, s24  }
0x24c: {  	v43 =	vmov s23  }
0x24d: {  	v20 =	vshrl.u32 v43, $0x3  }
0x24e: {  	v20 =	vmul.u32 $0x1400, v20;
	[tilespmem:v42+s31+$0x0] =	vst.idx.msk vm0, v21  }
0x24f: {  	v44 =	vor.u32 s24, v3;
	v12 =	vld.idx.msk [tilespmem:v12+s2+$0x0], vm0  }
0x250: {  	v13 =	vadd.s32 v13, v20  }
0x251: {  	s12 =	sadd.s32 $0x2, s24  }
0x252: {  	v45 =	vmov s12  }
0x253: {  	v20 =	vshrl.u32 v45, $0x3  }
0x254: {  	v46 =	vmul.u32 $0x1400, v20;
	[tilespmem:v44+s31+$0x0] =	vst.idx.msk vm0, v12  }
0x255: {  	v47 =	vor.u32 s23, v3;
	v13 =	vld.idx.msk [tilespmem:v13+s2+$0x0], vm0  }
0x256: {  	v12 =	vadd.s32 v14, v46  }
0x257: {  	s1 =	sadd.s32 $0x3, s24  }
0x258: {  	v48 =	vmov s1  }
0x259: {  	v14 =	vshrl.u32 v48, $0x3  }
0x25a: {  	v49 =	vmul.u32 $0x1400, v14;
	[tilespmem:v47+s31+$0x0] =	vst.idx.msk vm0, v13  }
0x25b: {  	v50 =	vor.u32 s12, v3;
	v12 =	vld.idx.msk [tilespmem:v12+s2+$0x0], vm0  }
0x25c: {  	v13 =	vadd.s32 v15, v49  }
0x25d: {  	s23 =	sadd.s32 $0x4, s24  }
0x25e: {  	v51 =	vmov s23  }
0x25f: {  	v15 =	vshrl.u32 v51, $0x3  }
0x260: {  	v52 =	vmul.u32 $0x1400, v15;
	[tilespmem:v50+s31+$0x0] =	vst.idx.msk vm0, v12  }
0x261: {  	v53 =	vor.u32 s1, v3;
	v13 =	vld.idx.msk [tilespmem:v13+s2+$0x0], vm0  }
0x262: {  	v12 =	vadd.s32 v16, v52  }
0x263: {  	s1 =	sadd.s32 $0x5, s24  }
0x264: {  	v54 =	vmov s1  }
0x265: {  	v15 =	vshrl.u32 v54, $0x3  }
0x266: {  	v55 =	vmul.u32 $0x1400, v15;
	[tilespmem:v53+s31+$0x0] =	vst.idx.msk vm0, v13  }
0x267: {  	v56 =	vor.u32 s23, v3;
	v12 =	vld.idx.msk [tilespmem:v12+s2+$0x0], vm0  }
0x268: {  	v13 =	vadd.s32 v17, v55  }
0x269: {  	s23 =	sadd.s32 $0x6, s24  }
0x26a: {  	v57 =	vmov s23  }
0x26b: {  	v15 =	vshrl.u32 v57, $0x3  }
0x26c: {  	v58 =	vmul.u32 $0x1400, v15;
	[tilespmem:v56+s31+$0x0] =	vst.idx.msk vm0, v12  }
0x26d: {  	v59 =	vor.u32 s1, v3;
	v13 =	vld.idx.msk [tilespmem:v13+s2+$0x0], vm0  }
0x26e: {  	v12 =	vadd.s32 v18, v58  }
0x26f: {  	s24 =	sadd.s32 $0x7, s24  }
0x270: {  	v60 =	vmov s24  }
0x271: {  	v15 =	vshrl.u32 v60, $0x3  }
0x272: {  	v61 =	vmul.u32 $0x1400, v15;
	[tilespmem:v59+s31+$0x0] =	vst.idx.msk vm0, v13  }
0x273: {  	v62 =	vor.u32 s23, v3;
	v12 =	vld.idx.msk [tilespmem:v12+s2+$0x0], vm0  }
0x274: {  	v13 =	vadd.s32 v19, v61;
	_ =	sdelay $0x3  }
0x275: {  	[tilespmem:v62+s31+$0x0] =	vst.idx.msk vm0, v12  }
0x276: {  	v63 =	vor.u32 s24, v3;
	v12 =	vld.idx.msk [tilespmem:v13+s2+$0x0], vm0;
	_ =	sdelay $0x4  }
0x277: {  	[tilespmem:v63+s31+$0x0] =	vst.idx.msk vm0, v12  }
0x278: {  	[tilespmem:v0+s30+$0x0] =	vst.idx.msk vm0, v11  }
0x279: {  	[hbm4b:s6+s29] =	stream.indirect.scatter [tilespmem:s31], [sflag:$0x3], $0x80, s30, s29, $0xb8;
	[tilespmem:$0x1D200] =	vst v63  }
.LBB2_17:
0x27a: {  	s1 =	simm.s32 @!p1 $0x2  }
0x27b: {  	_ =	swait.ge @!p1 [sflag:s1], $0x1400  }
0x27c: {  	[sflag:s1] =	ssyncset.done @!p1 $0x0  }
0x27d: {  	[sflag:s1] =	ssyncadd.s32 @!p1 $0xFFFFEC00  }
0x27e: {  	_ =	swait.ge @!p1 [sflag:s1], $0x1400  }
0x27f: {  	[sflag:s1] =	ssyncset.done @!p1 $0x0  }
0x280: {  	[sflag:s1] =	ssyncadd.s32 @!p1 $0xFFFFEC00  }
0x281: {  	_ =	swait.ge @!p1 [sflag:s1], $0x1400  }
0x282: {  	[sflag:s1] =	ssyncset.done @!p1 $0x0  }
0x283: {  	[sflag:s1] =	ssyncadd.s32 @!p1 $0xFFFFEC00  }
0x284: {  	_ =	swait.ge @!p1 [sflag:s1], $0x1400  }
0x285: {  	[sflag:s1] =	ssyncset.done @!p1 $0x0  }
0x286: {  	[sflag:s1] =	ssyncadd.s32 @!p1 $0xFFFFEC00  }
0x287: {  	_ =	swait.ge @!p1 [sflag:s1], $0x1400  }
0x288: {  	[sflag:s1] =	ssyncset.done @!p1 $0x0  }
0x289: {  	[sflag:s1] =	ssyncadd.s32 @!p1 $0xFFFFEC00  }
0x28a: {  	_ =	swait.ge @!p1 [sflag:s1], $0x1400  }
0x28b: {  	[sflag:s1] =	ssyncset.done @!p1 $0x0  }
0x28c: {  	[sflag:s1] =	ssyncadd.s32 @!p1 $0xFFFFEC00  }
0x28d: {  	_ =	swait.ge @!p1 [sflag:s1], $0x1400  }
0x28e: {  	s12 =	rddreg [dreg:$0xd]  }
0x28f: {  	[sflag:s1] =	ssyncset.done @!p1 $0x0;
	s12 =	sadd.s32 @!p1 s22, s12  }
0x290: {  	[sflag:s1] =	ssyncadd.s32 @!p1 $0xFFFFEC00;
	p2 =	slt.s32 @!p1 s12, $0x79F00  }
0x291: {  	_ =	swait.ge @!p1 [sflag:s1], $0x1400;
	p2 =	por !p2, p1  }
0x292: {  	[sflag:s1] =	ssyncset.done @!p1 $0x0;
	s12 =	simm.s32 @p2 $0x79F00  }
0x293: {  	s22 =	simm.s32 @!p1 $0x8080;
	[sflag:s1] =	ssyncadd.s32 @!p1 $0xFFFFEC00;
	s1 =	sadd.s32 @!p1 s25, s12  }
0x294: {  	[tilespmem:s22], [sflag:$0x1] =	stream.linear.gather @!p1 [hbm4b:s1+s21], $0x1400, $0x38;
	[tilespmem:$0x1D200] =	vst v63  }
0x295: {  	s1 =	sadd.s32 @!p1 s12, s9;
	s22 =	simm.s32 @!p1 $0x9480  }
0x296: {  	[tilespmem:s22], [sflag:$0x1] =	stream.linear.gather @!p1 [hbm4b:s1+s21], $0x1400, $0x38;
	[tilespmem:$0x1D200] =	vst v63  }
0x297: {  	s1 =	sadd.s32 @!p1 s12, s10;
	s22 =	simm.s32 @!p1 $0xA880  }
0x298: {  	[tilespmem:s22], [sflag:$0x1] =	stream.linear.gather @!p1 [hbm4b:s1+s21], $0x1400, $0x38;
	[tilespmem:$0x1D200] =	vst v63  }
0x299: {  	s1 =	sadd.s32 @!p1 s12, s13;
	s22 =	simm.s32 @!p1 $0xBC80  }
0x29a: {  	[tilespmem:s22], [sflag:$0x1] =	stream.linear.gather @!p1 [hbm4b:s1+s21], $0x1400, $0x38;
	[tilespmem:$0x1D200] =	vst v63  }
0x29b: {  	s1 =	sadd.s32 @!p1 s12, s15;
	s22 =	simm.s32 @!p1 $0xD080  }
0x29c: {  	[tilespmem:s22], [sflag:$0x1] =	stream.linear.gather @!p1 [hbm4b:s1+s21], $0x1400, $0x38;
	[tilespmem:$0x1D200] =	vst v63  }
0x29d: {  	s1 =	sadd.s32 @!p1 s12, s16;
	s22 =	simm.s32 @!p1 $0xE480  }
0x29e: {  	[tilespmem:s22], [sflag:$0x1] =	stream.linear.gather @!p1 [hbm4b:s1+s21], $0x1400, $0x38;
	[tilespmem:$0x1D200] =	vst v63  }
0x29f: {  	s1 =	sadd.s32 @!p1 s12, s18;
	s22 =	simm.s32 @!p1 $0xF880  }
0x2a0: {  	[tilespmem:s22], [sflag:$0x1] =	stream.linear.gather @!p1 [hbm4b:s1+s21], $0x1400, $0x38;
	[tilespmem:$0x1D200] =	vst v63  }
0x2a1: {  	p2 =	slt.s32 @!p1 s17, $0x1;
	s1 =	sadd.s32 @!p1 s12, s19;
	s12 =	simm.s32 @!p1 $0x10C80  }
0x2a2: {  	[tilespmem:s12], [sflag:$0x1] =	stream.linear.gather @!p1 [hbm4b:s1+s21], $0x1400, $0x38;
	[tilespmem:$0x1D200] =	vst v63  }
0x2a3: {  	p1 =	por p1, p2  }
.Ltmp14:
0x2a4: {  	_ = 	snop;
	(pc) =	sbr.rel @p1 .LBB2_30-.Ltmp14, $1  }
0x2a5: {  	_ =	sdelay $0x3  }
0x2a6: {  	s1 =	smul.u32 $0x280, s20;
	_ =	sdelay $0x1  }
.Ltmp15:
0x2a7: {  	s1 =	sadd.s32 s5, s1;
	(pc) =	sbr.rel .LBB2_19-.Ltmp15, $4  }
0x2a8: {  	s21 =	smov.u32 s7;
	s12 =	sadd.s32 $0x280, s1  }
0x2a9: {  	p1 =	slt.s32 s1, $0x79F00;
	s20 =	smov.u32 s1;
	p2 =	slt.s32 s12, s7  }
0x2aa: {  	s20 =	simm.s32 @!p1 $0x79F00;
	s21 =	smov.u32 @p2 s12  }
0x2ab: {  	v11 =	vmov s1;
	v13 =	vmov s20;
	s12 =	simm.s32 $0x0;
	s20 =	simm.s32 $0x0;
	v12 =	vmov s21  }
.LBB2_24:
0x2ac: {  	_ =	sdelay $0x3  }
0x2ad: {  	v26 =	vshrl.u32 v26, $0x3  }
0x2ae: {  	[tilespmem:v25+s31+$0x0] =	vst.idx.msk vm0, v23;
	v44 =	vmul.u32 $0x1400, v26  }
0x2af: {  	v45 =	vor.u32 s1, v9;
	v24 =	vld.idx.msk [tilespmem:v24+s11+$0x0], vm0  }
0x2b0: {  	v16 =	vadd.s32 v16, v44  }
0x2b1: {  	s22 =	sadd.s32 $0x1, s21  }
0x2b2: {  	v46 =	vmov s22  }
0x2b3: {  	v23 =	vshrl.u32 v46, $0x3  }
0x2b4: {  	v23 =	vmul.u32 $0x1400, v23;
	[tilespmem:v45+s31+$0x0] =	vst.idx.msk vm0, v24  }
0x2b5: {  	v47 =	vor.u32 s21, v9;
	v16 =	vld.idx.msk [tilespmem:v16+s11+$0x0], vm0  }
0x2b6: {  	v15 =	vadd.s32 v15, v23  }
0x2b7: {  	s12 =	sadd.s32 $0x2, s21  }
0x2b8: {  	v48 =	vmov s12  }
0x2b9: {  	v23 =	vshrl.u32 v48, $0x3  }
0x2ba: {  	v49 =	vmul.u32 $0x1400, v23;
	[tilespmem:v47+s31+$0x0] =	vst.idx.msk vm0, v16  }
0x2bb: {  	v50 =	vor.u32 s22, v9;
	v15 =	vld.idx.msk [tilespmem:v15+s11+$0x0], vm0  }
0x2bc: {  	v16 =	vadd.s32 v17, v49  }
0x2bd: {  	s23 =	sadd.s32 $0x3, s21  }
0x2be: {  	v51 =	vmov s23  }
0x2bf: {  	v17 =	vshrl.u32 v51, $0x3  }
0x2c0: {  	[tilespmem:v50+s31+$0x0] =	vst.idx.msk vm0, v15;
	v15 =	vmul.u32 $0x1400, v17  }
0x2c1: {  	v52 =	vor.u32 s12, v9;
	v16 =	vld.idx.msk [tilespmem:v16+s11+$0x0], vm0  }
0x2c2: {  	v15 =	vadd.s32 v18, v15  }
0x2c3: {  	s24 =	sadd.s32 $0x4, s21  }
0x2c4: {  	v53 =	vmov s24  }
0x2c5: {  	v18 =	vshrl.u32 v53, $0x3  }
0x2c6: {  	v54 =	vmul.u32 $0x1400, v18;
	[tilespmem:v52+s31+$0x0] =	vst.idx.msk vm0, v16  }
0x2c7: {  	v55 =	vor.u32 s23, v9;
	v15 =	vld.idx.msk [tilespmem:v15+s11+$0x0], vm0  }
0x2c8: {  	v16 =	vadd.s32 v19, v54  }
0x2c9: {  	s22 =	sadd.s32 $0x5, s21  }
0x2ca: {  	v56 =	vmov s22  }
0x2cb: {  	v18 =	vshrl.u32 v56, $0x3  }
0x2cc: {  	[tilespmem:v55+s31+$0x0] =	vst.idx.msk vm0, v15;
	v15 =	vmul.u32 $0x1400, v18  }
0x2cd: {  	v57 =	vor.u32 s24, v9;
	v16 =	vld.idx.msk [tilespmem:v16+s11+$0x0], vm0  }
0x2ce: {  	v15 =	vadd.s32 v20, v15  }
0x2cf: {  	s23 =	sadd.s32 $0x6, s21  }
0x2d0: {  	v58 =	vmov s23  }
0x2d1: {  	v18 =	vshrl.u32 v58, $0x3  }
0x2d2: {  	v59 =	vmul.u32 $0x1400, v18;
	[tilespmem:v57+s31+$0x0] =	vst.idx.msk vm0, v16  }
0x2d3: {  	v60 =	vor.u32 s22, v9;
	v15 =	vld.idx.msk [tilespmem:v15+s11+$0x0], vm0  }
0x2d4: {  	v16 =	vadd.s32 v21, v59  }
0x2d5: {  	s24 =	sadd.s32 $0x7, s21  }
0x2d6: {  	v61 =	vmov s24  }
0x2d7: {  	v18 =	vshrl.u32 v61, $0x3  }
0x2d8: {  	[tilespmem:v60+s31+$0x0] =	vst.idx.msk vm0, v15;
	v15 =	vmul.u32 $0x1400, v18  }
0x2d9: {  	v62 =	vor.u32 s23, v9;
	v16 =	vld.idx.msk [tilespmem:v16+s11+$0x0], vm0  }
0x2da: {  	v15 =	vadd.s32 v22, v15;
	_ =	sdelay $0x3  }
0x2db: {  	[tilespmem:v62+s31+$0x0] =	vst.idx.msk vm0, v16  }
0x2dc: {  	v63 =	vor.u32 s24, v9;
	v15 =	vld.idx.msk [tilespmem:v15+s11+$0x0], vm0;
	_ =	sdelay $0x4  }
0x2dd: {  	[tilespmem:v63+s31+$0x0] =	vst.idx.msk vm0, v15  }
0x2de: {  	s12 =	simm.s32 $0x0;
	[tilespmem:v2+s30+$0x0] =	vst.idx.msk vm0, v14  }
0x2df: {  	[hbm4b:s6+s29] =	stream.indirect.scatter [tilespmem:s31], [sflag:$0x3], $0x80, s30, s29, $0xb8;
	[tilespmem:$0x1D200] =	vst v63  }
.LBB2_25:
0x2e0: {  	s20 =	sadd.s32 $0x1, s20  }
0x2e1: {  	p1 =	sne.s32 s20, s17  }
.Ltmp16:
0x2e2: {  	_ = 	snop;
	(pc) =	sbr.rel @!p1 .LBB2_26-.Ltmp16, $1  }
0x2e3: {  	_ =	sdelay $0x3  }
.LBB2_19:
0x2e4: {  	s1 =	sshll.u32 s20, $0x4  }
0x2e5: {  	v14 =	vld [tilespmem:s1+$0x4000]  }
0x2e6: {  	v15 =	vor.u32 s1, v0  }
0x2e7: {  	vm0 =	vlt.s32 v15, v10;
	_ =	sdelay $0x5  }
0x2e8: {  	v15 =	vld.idx.msk [tilespmem:v14+s4+$0x0], vm0;
	_ =	sdelay $0x4  }
0x2e9: {  	vm1 =	vlt.s32 v15, v12  }
0x2ea: {  	vm2 =	vge.s32 v15, v11;
	vm0 =	vmand vm1, vm0  }
0x2eb: {  	vm0 =	vmand vm0, vm2  }
0x2ec: {  	v16 =	vsel vm0, $0x1, v7  }
0x2ed: {  	(xrf0) =	vadd.scan.msk.s32 $0xffff, v16;
	_ =	sdelay $0x5  }
0x2ee: {  	v16, _, _ =	vpop (xrf0)  }
0x2ef: {  	(v2sf) =	vpush v16, $0xF;
	_ =	sdelay $0xd  }
0x2f0: {  	v17 =	vsel vm0, $0xFFFFFFFF, v7  }
0x2f1: {  	v17 =	vadd.s32 s12, v17;
	s24 =	spop (v2sf)  }
0x2f2: {  	v16 =	vadd.s32 v16, v17;
	s12 =	sadd.s32 s12, s24  }
0x2f3: {  	p1 =	slt.s32 s12, $0x11  }
.Ltmp17:
0x2f4: {  	_ = 	snop;
	(pc) =	sbr.rel @p1 .LBB2_25-.Ltmp17, $3  }
0x2f5: {  	_ =	sdelay $0x1  }
0x2f6: {  	[tilespmem:v16+s3+$0x0] =	vst.idx.msk vm0, v14;
	v14 =	vsub.s32 v15, v13  }
0x2f7: {  	[tilespmem:v16+s0+$0x0] =	vst.idx.msk vm0, v14  }
0x2f8: {  	_ =	swait.ge [sflag:s8], $0x1000  }
0x2f9: {  	[sflag:s8] =	ssyncset.done $0x0  }
0x2fa: {  	[sflag:s8] =	ssyncadd.s32 $0xFFFFF000  }
0x2fb: {  	v15 =	vld [tilespmem:$0x1D100];
	_ =	sdelay $0x2  }
0x2fc: {  	s1 =	simm.s32 $0x0  }
0x2fd: {  	v16 =	vmov s1  }
0x2fe: {  	v14 =	vmov s12;
	v16 =	vshrl.u32 v16, $0x3;
	v17 =	vshll.u32 v15, $0x3  }
0x2ff: {  	v18 =	vmul.u32 $0x1400, v16;
	v15 =	vand.u32 $0x7F, v15;
	v17 =	vand.u32 $0xFFFFFC00, v17  }
0x300: {  	vm0 =	vgt.s32 v14, v0;
	v16 =	vor.u32 v15, v17  }
0x301: {  	v15 =	vadd.s32 v16, v18  }
0x302: {  	s24 =	simm.s32 $0x1  }
0x303: {  	v17 =	vmov s24  }
0x304: {  	[tilespmem:$0x1D180] =	vst v1;
	v17 =	vshrl.u32 v17, $0x3  }
0x305: {  	[tilespmem:$0x1D190] =	vst v4;
	v18 =	vmul.u32 $0x1400, v17  }
0x306: {  	v20 =	vor.u32 s1, v3;
	v17 =	vor.u32 $0x80, v16;
	v19 =	vld.idx.msk [tilespmem:v15+s11+$0x0], vm0  }
0x307: {  	v21 =	vadd.s32 v17, v18  }
0x308: {  	s21 =	simm.s32 $0x2  }
0x309: {  	v18 =	vmov s21  }
0x30a: {  	v18 =	vshrl.u32 v18, $0x3  }
0x30b: {  	v15 =	vld [tilespmem:$0x1D080];
	[tilespmem:v20+s31+$0x0] =	vst.idx.msk vm0, v19;
	v19 =	vmul.u32 $0x1400, v18  }
0x30c: {  	v18 =	vor.u32 $0x100, v16;
	v20 =	vld.idx.msk [tilespmem:v21+s11+$0x0], vm0;
	v21 =	vor.u32 s24, v3  }
0x30d: {  	v22 =	vadd.s32 v18, v19  }
0x30e: {  	s22 =	simm.s32 $0x3  }
0x30f: {  	v19 =	vmov s22  }
0x310: {  	v19 =	vshrl.u32 v19, $0x3  }
0x311: {  	[tilespmem:v21+s31+$0x0] =	vst.idx.msk vm0, v20;
	v20 =	vmul.u32 $0x1400, v19  }
0x312: {  	v19 =	vor.u32 $0x180, v16;
	v21 =	vld.idx.msk [tilespmem:v22+s11+$0x0], vm0;
	v22 =	vor.u32 s21, v3  }
0x313: {  	v23 =	vadd.s32 v19, v20  }
0x314: {  	s23 =	simm.s32 $0x4  }
0x315: {  	v20 =	vmov s23  }
0x316: {  	v20 =	vshrl.u32 v20, $0x3  }
0x317: {  	[tilespmem:v22+s31+$0x0] =	vst.idx.msk vm0, v21;
	v21 =	vmul.u32 $0x1400, v20  }
0x318: {  	v20 =	vor.u32 $0x200, v16;
	v22 =	vld.idx.msk [tilespmem:v23+s11+$0x0], vm0;
	v23 =	vor.u32 s22, v3  }
0x319: {  	v24 =	vadd.s32 v20, v21  }
0x31a: {  	s24 =	simm.s32 $0x5  }
0x31b: {  	v21 =	vmov s24  }
0x31c: {  	v21 =	vshrl.u32 v21, $0x3  }
0x31d: {  	[tilespmem:v23+s31+$0x0] =	vst.idx.msk vm0, v22;
	v22 =	vmul.u32 $0x1400, v21  }
0x31e: {  	v21 =	vor.u32 $0x280, v16;
	v23 =	vld.idx.msk [tilespmem:v24+s11+$0x0], vm0;
	v24 =	vor.u32 s23, v3  }
0x31f: {  	v25 =	vadd.s32 v21, v22  }
0x320: {  	s22 =	simm.s32 $0x6  }
0x321: {  	v22 =	vmov s22  }
0x322: {  	v22 =	vshrl.u32 v22, $0x3  }
0x323: {  	[tilespmem:v24+s31+$0x0] =	vst.idx.msk vm0, v23;
	v23 =	vmul.u32 $0x1400, v22  }
0x324: {  	v22 =	vor.u32 $0x300, v16;
	v24 =	vld.idx.msk [tilespmem:v25+s11+$0x0], vm0;
	v25 =	vor.u32 s24, v3  }
0x325: {  	v26 =	vadd.s32 v22, v23  }
0x326: {  	s1 =	simm.s32 $0x7  }
0x327: {  	v23 =	vmov s1  }
0x328: {  	v23 =	vshrl.u32 v23, $0x3  }
0x329: {  	v27 =	vmul.u32 $0x1400, v23;
	[tilespmem:v25+s31+$0x0] =	vst.idx.msk vm0, v24  }
0x32a: {  	v23 =	vor.u32 $0x380, v16;
	v24 =	vld.idx.msk [tilespmem:v26+s11+$0x0], vm0;
	v26 =	vor.u32 s22, v3  }
0x32b: {  	v25 =	vadd.s32 v23, v27;
	_ =	sdelay $0x1  }
0x32c: {  	s21 =	simm.s32 $0x8  }
0x32d: {  	s12 =	simm.s32 $0x10;
	v27 =	vmov s21  }
.LBB2_21:
0x32e: {  	p1 =	slt.u32 s12, $0x38;
	v27 =	vshrl.u32 v27, $0x3;
	[tilespmem:v26+s31+$0x0] =	vst.idx.msk vm0, v24  }
0x32f: {  	v24 =	vmul.u32 $0x1400, v27;
	v25 =	vld.idx.msk [tilespmem:v25+s11+$0x0], vm0  }
0x330: {  	v26 =	vor.u32 s1, v3  }
0x331: {  	v24 =	vadd.s32 v16, v24;
	_ =	sdelay $0x1  }
0x332: {  	s1 =	sadd.s32 $0x1, s21  }
0x333: {  	v27 =	vmov s1  }
0x334: {  	v27 =	vshrl.u32 v27, $0x3;
	[tilespmem:v26+s31+$0x0] =	vst.idx.msk vm0, v25  }
0x335: {  	v25 =	vmul.u32 $0x1400, v27;
	v24 =	vld.idx.msk [tilespmem:v24+s11+$0x0], vm0  }
0x336: {  	v26 =	vor.u32 s21, v3  }
0x337: {  	v25 =	vadd.s32 v17, v25;
	_ =	sdelay $0x1  }
0x338: {  	s22 =	sadd.s32 $0x2, s21  }
0x339: {  	v27 =	vmov s22  }
0x33a: {  	[tilespmem:v26+s31+$0x0] =	vst.idx.msk vm0, v24;
	v24 =	vshrl.u32 v27, $0x3  }
0x33b: {  	v25 =	vld.idx.msk [tilespmem:v25+s11+$0x0], vm0;
	v24 =	vmul.u32 $0x1400, v24  }
0x33c: {  	v26 =	vor.u32 s1, v3  }
0x33d: {  	v24 =	vadd.s32 v18, v24;
	_ =	sdelay $0x1  }
0x33e: {  	s1 =	sadd.s32 $0x3, s21  }
0x33f: {  	v27 =	vmov s1  }
0x340: {  	[tilespmem:v26+s31+$0x0] =	vst.idx.msk vm0, v25;
	v25 =	vshrl.u32 v27, $0x3  }
0x341: {  	v24 =	vld.idx.msk [tilespmem:v24+s11+$0x0], vm0;
	v25 =	vmul.u32 $0x1400, v25  }
0x342: {  	v26 =	vor.u32 s22, v3  }
0x343: {  	v25 =	vadd.s32 v19, v25;
	_ =	sdelay $0x1  }
0x344: {  	s22 =	sadd.s32 $0x4, s21  }
0x345: {  	v27 =	vmov s22  }
0x346: {  	[tilespmem:v26+s31+$0x0] =	vst.idx.msk vm0, v24;
	v24 =	vshrl.u32 v27, $0x3  }
0x347: {  	v25 =	vld.idx.msk [tilespmem:v25+s11+$0x0], vm0;
	v24 =	vmul.u32 $0x1400, v24  }
0x348: {  	v26 =	vor.u32 s1, v3  }
0x349: {  	v24 =	vadd.s32 v20, v24;
	_ =	sdelay $0x1  }
0x34a: {  	s1 =	sadd.s32 $0x5, s21  }
0x34b: {  	v27 =	vmov s1  }
0x34c: {  	[tilespmem:v26+s31+$0x0] =	vst.idx.msk vm0, v25;
	v25 =	vshrl.u32 v27, $0x3  }
0x34d: {  	v24 =	vld.idx.msk [tilespmem:v24+s11+$0x0], vm0;
	v25 =	vmul.u32 $0x1400, v25  }
0x34e: {  	v26 =	vor.u32 s22, v3  }
0x34f: {  	v25 =	vadd.s32 v21, v25;
	_ =	sdelay $0x1  }
0x350: {  	s22 =	sadd.s32 $0x6, s21  }
0x351: {  	v27 =	vmov s22  }
0x352: {  	[tilespmem:v26+s31+$0x0] =	vst.idx.msk vm0, v24;
	v24 =	vshrl.u32 v27, $0x3  }
0x353: {  	v25 =	vld.idx.msk [tilespmem:v25+s11+$0x0], vm0;
	v24 =	vmul.u32 $0x1400, v24  }
0x354: {  	v26 =	vor.u32 s1, v3  }
0x355: {  	v24 =	vadd.s32 v22, v24;
	_ =	sdelay $0x1  }
0x356: {  	s1 =	sadd.s32 $0x7, s21;
	s21 =	smov.u32 s12  }
0x357: {  	v27 =	vmov s1  }
0x358: {  	[tilespmem:v26+s31+$0x0] =	vst.idx.msk vm0, v25;
	v25 =	vshrl.u32 v27, $0x3  }
0x359: {  	v24 =	vld.idx.msk [tilespmem:v24+s11+$0x0], vm0;
	v25 =	vmul.u32 $0x1400, v25  }
.Ltmp18:
0x35a: {  	v26 =	vor.u32 s22, v3;
	(pc) =	sbr.rel @p1 .LBB2_21-.Ltmp18, $2  }
0x35b: {  	v25 =	vadd.s32 v23, v25;
	_ =	sdelay $0x2  }
0x35c: {  	s12 =	sadd.s32 $0x8, s12;
	v27 =	vmov s21  }
0x35d: {  	_ =	sdelay $0x3  }
0x35e: {  	v27 =	vshrl.u32 v27, $0x3  }
0x35f: {  	[tilespmem:v26+s31+$0x0] =	vst.idx.msk vm0, v24;
	v24 =	vmul.u32 $0x1400, v27  }
0x360: {  	v26 =	vor.u32 s1, v3;
	v25 =	vld.idx.msk [tilespmem:v25+s11+$0x0], vm0  }
0x361: {  	v16 =	vadd.s32 v16, v24  }
0x362: {  	s23 =	sadd.s32 $0x1, s21  }
0x363: {  	v24 =	vmov s23  }
0x364: {  	v24 =	vshrl.u32 v24, $0x3  }
0x365: {  	v24 =	vmul.u32 $0x1400, v24;
	[tilespmem:v26+s31+$0x0] =	vst.idx.msk vm0, v25  }
0x366: {  	v25 =	vor.u32 s21, v3;
	v16 =	vld.idx.msk [tilespmem:v16+s11+$0x0], vm0  }
0x367: {  	v17 =	vadd.s32 v17, v24  }
0x368: {  	s12 =	sadd.s32 $0x2, s21  }
0x369: {  	v24 =	vmov s12  }
0x36a: {  	v24 =	vshrl.u32 v24, $0x3  }
0x36b: {  	[tilespmem:v25+s31+$0x0] =	vst.idx.msk vm0, v16;
	v16 =	vmul.u32 $0x1400, v24  }
0x36c: {  	v24 =	vor.u32 s23, v3;
	v17 =	vld.idx.msk [tilespmem:v17+s11+$0x0], vm0  }
0x36d: {  	v16 =	vadd.s32 v18, v16  }
0x36e: {  	s24 =	sadd.s32 $0x3, s21  }
0x36f: {  	v18 =	vmov s24  }
0x370: {  	v18 =	vshrl.u32 v18, $0x3  }
0x371: {  	[tilespmem:v24+s31+$0x0] =	vst.idx.msk vm0, v17;
	v17 =	vmul.u32 $0x1400, v18  }
0x372: {  	v18 =	vor.u32 s12, v3;
	v16 =	vld.idx.msk [tilespmem:v16+s11+$0x0], vm0  }
0x373: {  	v17 =	vadd.s32 v19, v17  }
0x374: {  	s22 =	sadd.s32 $0x4, s21  }
0x375: {  	v19 =	vmov s22  }
0x376: {  	v19 =	vshrl.u32 v19, $0x3  }
0x377: {  	[tilespmem:v18+s31+$0x0] =	vst.idx.msk vm0, v16;
	v16 =	vmul.u32 $0x1400, v19  }
0x378: {  	v18 =	vor.u32 s24, v3;
	v17 =	vld.idx.msk [tilespmem:v17+s11+$0x0], vm0  }
0x379: {  	v16 =	vadd.s32 v20, v16  }
0x37a: {  	s23 =	sadd.s32 $0x5, s21  }
0x37b: {  	v19 =	vmov s23  }
0x37c: {  	v19 =	vshrl.u32 v19, $0x3  }
0x37d: {  	[tilespmem:v18+s31+$0x0] =	vst.idx.msk vm0, v17;
	v17 =	vmul.u32 $0x1400, v19  }
0x37e: {  	v18 =	vor.u32 s22, v3;
	v16 =	vld.idx.msk [tilespmem:v16+s11+$0x0], vm0  }
0x37f: {  	v17 =	vadd.s32 v21, v17  }
0x380: {  	s24 =	sadd.s32 $0x6, s21  }
0x381: {  	v19 =	vmov s24  }
0x382: {  	v19 =	vshrl.u32 v19, $0x3  }
0x383: {  	[tilespmem:v18+s31+$0x0] =	vst.idx.msk vm0, v16;
	v16 =	vmul.u32 $0x1400, v19  }
0x384: {  	v18 =	vor.u32 s23, v3;
	v17 =	vld.idx.msk [tilespmem:v17+s11+$0x0], vm0  }
0x385: {  	v16 =	vadd.s32 v22, v16  }
0x386: {  	s22 =	sadd.s32 $0x7, s21  }
0x387: {  	v19 =	vmov s22  }
0x388: {  	v19 =	vshrl.u32 v19, $0x3  }
0x389: {  	[tilespmem:v18+s31+$0x0] =	vst.idx.msk vm0, v17;
	v17 =	vmul.u32 $0x1400, v19  }
0x38a: {  	v18 =	vor.u32 s24, v3;
	v16 =	vld.idx.msk [tilespmem:v16+s11+$0x0], vm0  }
0x38b: {  	v17 =	vadd.s32 v23, v17;
	_ =	sdelay $0x3  }
0x38c: {  	[tilespmem:v18+s31+$0x0] =	vst.idx.msk vm0, v16  }
0x38d: {  	v16 =	vld.idx.msk [tilespmem:v17+s11+$0x0], vm0;
	v17 =	vor.u32 s22, v3;
	_ =	sdelay $0x4  }
0x38e: {  	[tilespmem:v17+s31+$0x0] =	vst.idx.msk vm0, v16  }
0x38f: {  	[tilespmem:v0+s30+$0x0] =	vst.idx.msk vm0, v15  }
0x390: {  	v15 =	vld [tilespmem:$0x1D110];
	_ =	sdelay $0x2  }
0x391: {  	s23 =	simm.s32 $0x0  }
0x392: {  	v16 =	vmov s23  }
0x393: {  	v16 =	vshrl.u32 v16, $0x3;
	v17 =	vshll.u32 v15, $0x3  }
0x394: {  	v18 =	vmul.u32 $0x1400, v16;
	v15 =	vand.u32 $0x7F, v15;
	v17 =	vand.u32 $0xFFFFFC00, v17  }
0x395: {  	vm0 =	vgt.s32 v14, v2;
	v16 =	vor.u32 v15, v17  }
0x396: {  	v14 =	vadd.s32 v16, v18  }
0x397: {  	s24 =	simm.s32 $0x1  }
0x398: {  	v15 =	vmov s24  }
0x399: {  	v15 =	vshrl.u32 v15, $0x3  }
0x39a: {  	v17 =	vmul.u32 $0x1400, v15  }
0x39b: {  	v19 =	vor.u32 s23, v9;
	v15 =	vor.u32 $0x80, v16;
	v18 =	vld.idx.msk [tilespmem:v14+s11+$0x0], vm0  }
0x39c: {  	v20 =	vadd.s32 v15, v17  }
0x39d: {  	s21 =	simm.s32 $0x2  }
0x39e: {  	v17 =	vmov s21  }
0x39f: {  	v17 =	vshrl.u32 v17, $0x3  }
0x3a0: {  	v14 =	vld [tilespmem:$0x1D090];
	[tilespmem:v19+s31+$0x0] =	vst.idx.msk vm0, v18;
	v18 =	vmul.u32 $0x1400, v17  }
0x3a1: {  	v17 =	vor.u32 $0x100, v16;
	v19 =	vld.idx.msk [tilespmem:v20+s11+$0x0], vm0;
	v20 =	vor.u32 s24, v9  }
0x3a2: {  	v21 =	vadd.s32 v17, v18  }
0x3a3: {  	s22 =	simm.s32 $0x3  }
0x3a4: {  	v18 =	vmov s22  }
0x3a5: {  	v18 =	vshrl.u32 v18, $0x3  }
0x3a6: {  	[tilespmem:v20+s31+$0x0] =	vst.idx.msk vm0, v19;
	v19 =	vmul.u32 $0x1400, v18  }
0x3a7: {  	v18 =	vor.u32 $0x180, v16;
	v20 =	vld.idx.msk [tilespmem:v21+s11+$0x0], vm0;
	v21 =	vor.u32 s21, v9  }
0x3a8: {  	v22 =	vadd.s32 v18, v19  }
0x3a9: {  	s23 =	simm.s32 $0x4  }
0x3aa: {  	v19 =	vmov s23  }
0x3ab: {  	v19 =	vshrl.u32 v19, $0x3  }
0x3ac: {  	[tilespmem:v21+s31+$0x0] =	vst.idx.msk vm0, v20;
	v20 =	vmul.u32 $0x1400, v19  }
0x3ad: {  	v19 =	vor.u32 $0x200, v16;
	v21 =	vld.idx.msk [tilespmem:v22+s11+$0x0], vm0;
	v22 =	vor.u32 s22, v9  }
0x3ae: {  	v23 =	vadd.s32 v19, v20  }
0x3af: {  	s24 =	simm.s32 $0x5  }
0x3b0: {  	v20 =	vmov s24  }
0x3b1: {  	v20 =	vshrl.u32 v20, $0x3  }
0x3b2: {  	[tilespmem:v22+s31+$0x0] =	vst.idx.msk vm0, v21;
	v21 =	vmul.u32 $0x1400, v20  }
0x3b3: {  	v20 =	vor.u32 $0x280, v16;
	v22 =	vld.idx.msk [tilespmem:v23+s11+$0x0], vm0;
	v23 =	vor.u32 s23, v9  }
0x3b4: {  	v24 =	vadd.s32 v20, v21  }
0x3b5: {  	s22 =	simm.s32 $0x6  }
0x3b6: {  	v21 =	vmov s22  }
0x3b7: {  	v21 =	vshrl.u32 v21, $0x3  }
0x3b8: {  	[tilespmem:v23+s31+$0x0] =	vst.idx.msk vm0, v22;
	v22 =	vmul.u32 $0x1400, v21  }
0x3b9: {  	v21 =	vor.u32 $0x300, v16;
	v23 =	vld.idx.msk [tilespmem:v24+s11+$0x0], vm0;
	v24 =	vor.u32 s24, v9  }
0x3ba: {  	v25 =	vadd.s32 v21, v22  }
0x3bb: {  	s1 =	simm.s32 $0x7  }
0x3bc: {  	v22 =	vmov s1  }
0x3bd: {  	v22 =	vshrl.u32 v22, $0x3  }
0x3be: {  	v26 =	vmul.u32 $0x1400, v22;
	[tilespmem:v24+s31+$0x0] =	vst.idx.msk vm0, v23  }
0x3bf: {  	v22 =	vor.u32 $0x380, v16;
	v23 =	vld.idx.msk [tilespmem:v25+s11+$0x0], vm0;
	v25 =	vor.u32 s22, v9  }
0x3c0: {  	v24 =	vadd.s32 v22, v26;
	_ =	sdelay $0x1  }
0x3c1: {  	s21 =	simm.s32 $0x8  }
0x3c2: {  	s12 =	simm.s32 $0x10;
	v26 =	vmov s21  }
.LBB2_23:
0x3c3: {  	p1 =	slt.u32 s12, $0x38;
	v26 =	vshrl.u32 v26, $0x3;
	[tilespmem:v25+s31+$0x0] =	vst.idx.msk vm0, v23  }
0x3c4: {  	v23 =	vmul.u32 $0x1400, v26;
	v24 =	vld.idx.msk [tilespmem:v24+s11+$0x0], vm0  }
0x3c5: {  	v25 =	vor.u32 s1, v9  }
0x3c6: {  	v23 =	vadd.s32 v16, v23;
	_ =	sdelay $0x1  }
0x3c7: {  	s1 =	sadd.s32 $0x1, s21  }
0x3c8: {  	v26 =	vmov s1  }
0x3c9: {  	v26 =	vshrl.u32 v26, $0x3;
	[tilespmem:v25+s31+$0x0] =	vst.idx.msk vm0, v24  }
0x3ca: {  	v24 =	vmul.u32 $0x1400, v26;
	v23 =	vld.idx.msk [tilespmem:v23+s11+$0x0], vm0  }
0x3cb: {  	v25 =	vor.u32 s21, v9  }
0x3cc: {  	v24 =	vadd.s32 v15, v24;
	_ =	sdelay $0x1  }
0x3cd: {  	s22 =	sadd.s32 $0x2, s21  }
0x3ce: {  	v26 =	vmov s22  }
0x3cf: {  	[tilespmem:v25+s31+$0x0] =	vst.idx.msk vm0, v23;
	v23 =	vshrl.u32 v26, $0x3  }
0x3d0: {  	v24 =	vld.idx.msk [tilespmem:v24+s11+$0x0], vm0;
	v23 =	vmul.u32 $0x1400, v23  }
0x3d1: {  	v25 =	vor.u32 s1, v9  }
0x3d2: {  	v23 =	vadd.s32 v17, v23;
	_ =	sdelay $0x1  }
0x3d3: {  	s1 =	sadd.s32 $0x3, s21  }
0x3d4: {  	v26 =	vmov s1  }
0x3d5: {  	[tilespmem:v25+s31+$0x0] =	vst.idx.msk vm0, v24;
	v24 =	vshrl.u32 v26, $0x3  }
0x3d6: {  	v23 =	vld.idx.msk [tilespmem:v23+s11+$0x0], vm0;
	v24 =	vmul.u32 $0x1400, v24  }
0x3d7: {  	v25 =	vor.u32 s22, v9  }
0x3d8: {  	v24 =	vadd.s32 v18, v24;
	_ =	sdelay $0x1  }
0x3d9: {  	s22 =	sadd.s32 $0x4, s21  }
0x3da: {  	v26 =	vmov s22  }
0x3db: {  	[tilespmem:v25+s31+$0x0] =	vst.idx.msk vm0, v23;
	v23 =	vshrl.u32 v26, $0x3  }
0x3dc: {  	v24 =	vld.idx.msk [tilespmem:v24+s11+$0x0], vm0;
	v23 =	vmul.u32 $0x1400, v23  }
0x3dd: {  	v25 =	vor.u32 s1, v9  }
0x3de: {  	v23 =	vadd.s32 v19, v23;
	_ =	sdelay $0x1  }
0x3df: {  	s1 =	sadd.s32 $0x5, s21  }
0x3e0: {  	v26 =	vmov s1  }
0x3e1: {  	[tilespmem:v25+s31+$0x0] =	vst.idx.msk vm0, v24;
	v24 =	vshrl.u32 v26, $0x3  }
0x3e2: {  	v23 =	vld.idx.msk [tilespmem:v23+s11+$0x0], vm0;
	v24 =	vmul.u32 $0x1400, v24  }
0x3e3: {  	v25 =	vor.u32 s22, v9  }
0x3e4: {  	v24 =	vadd.s32 v20, v24;
	_ =	sdelay $0x1  }
0x3e5: {  	s22 =	sadd.s32 $0x6, s21  }
0x3e6: {  	v26 =	vmov s22  }
0x3e7: {  	[tilespmem:v25+s31+$0x0] =	vst.idx.msk vm0, v23;
	v23 =	vshrl.u32 v26, $0x3  }
0x3e8: {  	v24 =	vld.idx.msk [tilespmem:v24+s11+$0x0], vm0;
	v23 =	vmul.u32 $0x1400, v23  }
0x3e9: {  	v25 =	vor.u32 s1, v9  }
0x3ea: {  	v23 =	vadd.s32 v21, v23;
	_ =	sdelay $0x1  }
0x3eb: {  	s1 =	sadd.s32 $0x7, s21;
	s21 =	smov.u32 s12  }
0x3ec: {  	v26 =	vmov s1  }
0x3ed: {  	[tilespmem:v25+s31+$0x0] =	vst.idx.msk vm0, v24;
	v24 =	vshrl.u32 v26, $0x3  }
0x3ee: {  	v23 =	vld.idx.msk [tilespmem:v23+s11+$0x0], vm0;
	v24 =	vmul.u32 $0x1400, v24  }
.Ltmp19:
0x3ef: {  	v25 =	vor.u32 s22, v9;
	(pc) =	sbr.rel @p1 .LBB2_23-.Ltmp19, $2  }
0x3f0: {  	v24 =	vadd.s32 v22, v24;
	_ =	sdelay $0x2  }
0x3f1: {  	s12 =	sadd.s32 $0x8, s12;
	v26 =	vmov s21  }
.Ltmp20:
0x3f2: {  	_ = 	snop;
	(pc) =	sbr.rel .LBB2_24-.Ltmp20, $1  }
0x3f3: {  	_ =	sdelay $0x3  }
.LBB2_26:
0x3f4: {  	p1 =	slt.s32 s12, $0x1  }
.Ltmp21:
0x3f5: {  	_ = 	snop;
	(pc) =	sbr.rel @p1 .LBB2_30-.Ltmp21, $1  }
0x3f6: {  	_ =	sdelay $0x3  }
0x3f7: {  	_ =	swait.ge [sflag:s8], $0x1000  }
0x3f8: {  	[sflag:s8] =	ssyncset.done $0x0  }
0x3f9: {  	[sflag:s8] =	ssyncadd.s32 $0xFFFFF000  }
0x3fa: {  	v11 =	vld [tilespmem:$0x1D100];
	_ =	sdelay $0x2  }
0x3fb: {  	s1 =	simm.s32 $0x0  }
0x3fc: {  	v12 =	vmov s1  }
0x3fd: {  	v13 =	vmov s12;
	v12 =	vshrl.u32 v12, $0x3;
	v14 =	vshll.u32 v11, $0x3  }
0x3fe: {  	v15 =	vmul.u32 $0x1400, v12;
	v11 =	vand.u32 $0x7F, v11;
	v14 =	vand.u32 $0xFFFFFC00, v14  }
0x3ff: {  	vm0 =	vgt.s32 v13, v0;
	v12 =	vor.u32 v11, v14  }
0x400: {  	v11 =	vadd.s32 v12, v15  }
0x401: {  	s20 =	simm.s32 $0x1  }
0x402: {  	v13 =	vmov s20  }
0x403: {  	v13 =	vshrl.u32 v13, $0x3;
	[tilespmem:$0x1D180] =	vst v1  }
0x404: {  	[tilespmem:$0x1D190] =	vst v4;
	v14 =	vmul.u32 $0x1400, v13  }
0x405: {  	v16 =	vor.u32 s1, v3;
	v13 =	vor.u32 $0x80, v12;
	v15 =	vld.idx.msk [tilespmem:v11+s11+$0x0], vm0  }
0x406: {  	v17 =	vadd.s32 v13, v14  }
0x407: {  	s21 =	simm.s32 $0x2  }
0x408: {  	v14 =	vmov s21  }
0x409: {  	v14 =	vshrl.u32 v14, $0x3  }
0x40a: {  	v11 =	vld [tilespmem:$0x1D080];
	[tilespmem:v16+s31+$0x0] =	vst.idx.msk vm0, v15;
	v15 =	vmul.u32 $0x1400, v14  }
0x40b: {  	v14 =	vor.u32 $0x100, v12;
	v16 =	vld.idx.msk [tilespmem:v17+s11+$0x0], vm0;
	v17 =	vor.u32 s20, v3  }
0x40c: {  	v18 =	vadd.s32 v14, v15  }
0x40d: {  	s22 =	simm.s32 $0x3  }
0x40e: {  	v15 =	vmov s22  }
0x40f: {  	v15 =	vshrl.u32 v15, $0x3  }
0x410: {  	[tilespmem:v17+s31+$0x0] =	vst.idx.msk vm0, v16;
	v16 =	vmul.u32 $0x1400, v15  }
0x411: {  	v15 =	vor.u32 $0x180, v12;
	v17 =	vld.idx.msk [tilespmem:v18+s11+$0x0], vm0;
	v18 =	vor.u32 s21, v3  }
0x412: {  	v19 =	vadd.s32 v15, v16  }
0x413: {  	s23 =	simm.s32 $0x4  }
0x414: {  	v16 =	vmov s23  }
0x415: {  	v16 =	vshrl.u32 v16, $0x3  }
0x416: {  	[tilespmem:v18+s31+$0x0] =	vst.idx.msk vm0, v17;
	v17 =	vmul.u32 $0x1400, v16  }
0x417: {  	v16 =	vor.u32 $0x200, v12;
	v18 =	vld.idx.msk [tilespmem:v19+s11+$0x0], vm0;
	v19 =	vor.u32 s22, v3  }
0x418: {  	v20 =	vadd.s32 v16, v17  }
0x419: {  	s24 =	simm.s32 $0x5  }
0x41a: {  	v17 =	vmov s24  }
0x41b: {  	v17 =	vshrl.u32 v17, $0x3  }
0x41c: {  	[tilespmem:v19+s31+$0x0] =	vst.idx.msk vm0, v18;
	v18 =	vmul.u32 $0x1400, v17  }
0x41d: {  	v17 =	vor.u32 $0x280, v12;
	v19 =	vld.idx.msk [tilespmem:v20+s11+$0x0], vm0;
	v20 =	vor.u32 s23, v3  }
0x41e: {  	v21 =	vadd.s32 v17, v18  }
0x41f: {  	s21 =	simm.s32 $0x6  }
0x420: {  	v18 =	vmov s21  }
0x421: {  	v18 =	vshrl.u32 v18, $0x3  }
0x422: {  	[tilespmem:v20+s31+$0x0] =	vst.idx.msk vm0, v19;
	v19 =	vmul.u32 $0x1400, v18  }
0x423: {  	v18 =	vor.u32 $0x300, v12;
	v20 =	vld.idx.msk [tilespmem:v21+s11+$0x0], vm0;
	v21 =	vor.u32 s24, v3  }
0x424: {  	v22 =	vadd.s32 v18, v19  }
0x425: {  	s1 =	simm.s32 $0x7  }
0x426: {  	v19 =	vmov s1  }
0x427: {  	v19 =	vshrl.u32 v19, $0x3  }
0x428: {  	v23 =	vmul.u32 $0x1400, v19;
	[tilespmem:v21+s31+$0x0] =	vst.idx.msk vm0, v20  }
0x429: {  	v19 =	vor.u32 $0x380, v12;
	v20 =	vld.idx.msk [tilespmem:v22+s11+$0x0], vm0;
	v22 =	vor.u32 s21, v3  }
0x42a: {  	v21 =	vadd.s32 v19, v23;
	_ =	sdelay $0x1  }
0x42b: {  	s20 =	simm.s32 $0x8  }
0x42c: {  	s12 =	simm.s32 $0x10;
	v23 =	vmov s20  }
.LBB2_28:
0x42d: {  	p1 =	slt.u32 s12, $0x38;
	v23 =	vshrl.u32 v23, $0x3;
	[tilespmem:v22+s31+$0x0] =	vst.idx.msk vm0, v20  }
0x42e: {  	v20 =	vmul.u32 $0x1400, v23;
	v21 =	vld.idx.msk [tilespmem:v21+s11+$0x0], vm0  }
0x42f: {  	v22 =	vor.u32 s1, v3  }
0x430: {  	v20 =	vadd.s32 v12, v20;
	_ =	sdelay $0x1  }
0x431: {  	s1 =	sadd.s32 $0x1, s20  }
0x432: {  	v23 =	vmov s1  }
0x433: {  	v23 =	vshrl.u32 v23, $0x3;
	[tilespmem:v22+s31+$0x0] =	vst.idx.msk vm0, v21  }
0x434: {  	v21 =	vmul.u32 $0x1400, v23;
	v20 =	vld.idx.msk [tilespmem:v20+s11+$0x0], vm0  }
0x435: {  	v22 =	vor.u32 s20, v3  }
0x436: {  	v21 =	vadd.s32 v13, v21;
	_ =	sdelay $0x1  }
0x437: {  	s21 =	sadd.s32 $0x2, s20  }
0x438: {  	v23 =	vmov s21  }
0x439: {  	[tilespmem:v22+s31+$0x0] =	vst.idx.msk vm0, v20;
	v20 =	vshrl.u32 v23, $0x3  }
0x43a: {  	v21 =	vld.idx.msk [tilespmem:v21+s11+$0x0], vm0;
	v20 =	vmul.u32 $0x1400, v20  }
0x43b: {  	v22 =	vor.u32 s1, v3  }
0x43c: {  	v20 =	vadd.s32 v14, v20;
	_ =	sdelay $0x1  }
0x43d: {  	s1 =	sadd.s32 $0x3, s20  }
0x43e: {  	v23 =	vmov s1  }
0x43f: {  	[tilespmem:v22+s31+$0x0] =	vst.idx.msk vm0, v21;
	v21 =	vshrl.u32 v23, $0x3  }
0x440: {  	v20 =	vld.idx.msk [tilespmem:v20+s11+$0x0], vm0;
	v21 =	vmul.u32 $0x1400, v21  }
0x441: {  	v22 =	vor.u32 s21, v3  }
0x442: {  	v21 =	vadd.s32 v15, v21;
	_ =	sdelay $0x1  }
0x443: {  	s21 =	sadd.s32 $0x4, s20  }
0x444: {  	v23 =	vmov s21  }
0x445: {  	[tilespmem:v22+s31+$0x0] =	vst.idx.msk vm0, v20;
	v20 =	vshrl.u32 v23, $0x3  }
0x446: {  	v21 =	vld.idx.msk [tilespmem:v21+s11+$0x0], vm0;
	v20 =	vmul.u32 $0x1400, v20  }
0x447: {  	v22 =	vor.u32 s1, v3  }
0x448: {  	v20 =	vadd.s32 v16, v20;
	_ =	sdelay $0x1  }
0x449: {  	s1 =	sadd.s32 $0x5, s20  }
0x44a: {  	v23 =	vmov s1  }
0x44b: {  	[tilespmem:v22+s31+$0x0] =	vst.idx.msk vm0, v21;
	v21 =	vshrl.u32 v23, $0x3  }
0x44c: {  	v20 =	vld.idx.msk [tilespmem:v20+s11+$0x0], vm0;
	v21 =	vmul.u32 $0x1400, v21  }
0x44d: {  	v22 =	vor.u32 s21, v3  }
0x44e: {  	v21 =	vadd.s32 v17, v21;
	_ =	sdelay $0x1  }
0x44f: {  	s21 =	sadd.s32 $0x6, s20  }
0x450: {  	v23 =	vmov s21  }
0x451: {  	[tilespmem:v22+s31+$0x0] =	vst.idx.msk vm0, v20;
	v20 =	vshrl.u32 v23, $0x3  }
0x452: {  	v21 =	vld.idx.msk [tilespmem:v21+s11+$0x0], vm0;
	v20 =	vmul.u32 $0x1400, v20  }
0x453: {  	v22 =	vor.u32 s1, v3  }
0x454: {  	v20 =	vadd.s32 v18, v20;
	_ =	sdelay $0x1  }
0x455: {  	s1 =	sadd.s32 $0x7, s20;
	s20 =	smov.u32 s12  }
0x456: {  	v23 =	vmov s1  }
0x457: {  	[tilespmem:v22+s31+$0x0] =	vst.idx.msk vm0, v21;
	v21 =	vshrl.u32 v23, $0x3  }
0x458: {  	v20 =	vld.idx.msk [tilespmem:v20+s11+$0x0], vm0;
	v21 =	vmul.u32 $0x1400, v21  }
.Ltmp22:
0x459: {  	v22 =	vor.u32 s21, v3;
	(pc) =	sbr.rel @p1 .LBB2_28-.Ltmp22, $2  }
0x45a: {  	v21 =	vadd.s32 v19, v21;
	_ =	sdelay $0x2  }
0x45b: {  	s12 =	sadd.s32 $0x8, s12;
	v23 =	vmov s20  }
0x45c: {  	_ =	sdelay $0x3  }
0x45d: {  	v23 =	vshrl.u32 v23, $0x3  }
0x45e: {  	[tilespmem:v22+s31+$0x0] =	vst.idx.msk vm0, v20;
	v41 =	vmul.u32 $0x1400, v23  }
0x45f: {  	v42 =	vor.u32 s1, v3;
	v21 =	vld.idx.msk [tilespmem:v21+s11+$0x0], vm0  }
0x460: {  	v12 =	vadd.s32 v12, v41  }
0x461: {  	s23 =	sadd.s32 $0x1, s20  }
0x462: {  	v43 =	vmov s23  }
0x463: {  	v20 =	vshrl.u32 v43, $0x3  }
0x464: {  	v20 =	vmul.u32 $0x1400, v20;
	[tilespmem:v42+s31+$0x0] =	vst.idx.msk vm0, v21  }
0x465: {  	v44 =	vor.u32 s20, v3;
	v12 =	vld.idx.msk [tilespmem:v12+s11+$0x0], vm0  }
0x466: {  	v13 =	vadd.s32 v13, v20  }
0x467: {  	s12 =	sadd.s32 $0x2, s20  }
0x468: {  	v45 =	vmov s12  }
0x469: {  	v20 =	vshrl.u32 v45, $0x3  }
0x46a: {  	v46 =	vmul.u32 $0x1400, v20;
	[tilespmem:v44+s31+$0x0] =	vst.idx.msk vm0, v12  }
0x46b: {  	v47 =	vor.u32 s23, v3;
	v13 =	vld.idx.msk [tilespmem:v13+s11+$0x0], vm0  }
0x46c: {  	v12 =	vadd.s32 v14, v46  }
0x46d: {  	s24 =	sadd.s32 $0x3, s20  }
0x46e: {  	v48 =	vmov s24  }
0x46f: {  	v14 =	vshrl.u32 v48, $0x3  }
0x470: {  	v49 =	vmul.u32 $0x1400, v14;
	[tilespmem:v47+s31+$0x0] =	vst.idx.msk vm0, v13  }
0x471: {  	v50 =	vor.u32 s12, v3;
	v12 =	vld.idx.msk [tilespmem:v12+s11+$0x0], vm0  }
0x472: {  	v13 =	vadd.s32 v15, v49  }
0x473: {  	s21 =	sadd.s32 $0x4, s20  }
0x474: {  	v51 =	vmov s21  }
0x475: {  	v15 =	vshrl.u32 v51, $0x3  }
0x476: {  	v52 =	vmul.u32 $0x1400, v15;
	[tilespmem:v50+s31+$0x0] =	vst.idx.msk vm0, v12  }
0x477: {  	v53 =	vor.u32 s24, v3;
	v13 =	vld.idx.msk [tilespmem:v13+s11+$0x0], vm0  }
0x478: {  	v12 =	vadd.s32 v16, v52  }
0x479: {  	s22 =	sadd.s32 $0x5, s20  }
0x47a: {  	v54 =	vmov s22  }
0x47b: {  	v15 =	vshrl.u32 v54, $0x3  }
0x47c: {  	v55 =	vmul.u32 $0x1400, v15;
	[tilespmem:v53+s31+$0x0] =	vst.idx.msk vm0, v13  }
0x47d: {  	v56 =	vor.u32 s21, v3;
	v12 =	vld.idx.msk [tilespmem:v12+s11+$0x0], vm0  }
0x47e: {  	v13 =	vadd.s32 v17, v55  }
0x47f: {  	s23 =	sadd.s32 $0x6, s20  }
0x480: {  	v57 =	vmov s23  }
0x481: {  	v15 =	vshrl.u32 v57, $0x3  }
0x482: {  	v58 =	vmul.u32 $0x1400, v15;
	[tilespmem:v56+s31+$0x0] =	vst.idx.msk vm0, v12  }
0x483: {  	v59 =	vor.u32 s22, v3;
	v13 =	vld.idx.msk [tilespmem:v13+s11+$0x0], vm0  }
0x484: {  	v12 =	vadd.s32 v18, v58  }
0x485: {  	s24 =	sadd.s32 $0x7, s20  }
0x486: {  	v60 =	vmov s24  }
0x487: {  	v15 =	vshrl.u32 v60, $0x3  }
0x488: {  	v61 =	vmul.u32 $0x1400, v15;
	[tilespmem:v59+s31+$0x0] =	vst.idx.msk vm0, v13  }
0x489: {  	v62 =	vor.u32 s23, v3;
	v12 =	vld.idx.msk [tilespmem:v12+s11+$0x0], vm0  }
0x48a: {  	v13 =	vadd.s32 v19, v61;
	_ =	sdelay $0x3  }
0x48b: {  	[tilespmem:v62+s31+$0x0] =	vst.idx.msk vm0, v12  }
0x48c: {  	v63 =	vor.u32 s24, v3;
	v12 =	vld.idx.msk [tilespmem:v13+s11+$0x0], vm0;
	_ =	sdelay $0x2  }
.Ltmp23:
0x48d: {  	_ = 	snop;
	(pc) =	sbr.rel .LBB2_30-.Ltmp23, $4  }
0x48e: {  	_ = 	snop  }
0x48f: {  	[tilespmem:v63+s31+$0x0] =	vst.idx.msk vm0, v12  }
0x490: {  	[tilespmem:v0+s30+$0x0] =	vst.idx.msk vm0, v11  }
0x491: {  	[hbm4b:s6+s29] =	stream.indirect.scatter [tilespmem:s31], [sflag:$0x3], $0x80, s30, s29, $0xb8;
	[tilespmem:$0x1D200] =	vst v63  }
.LBB2_32:
0x492: {  	_ =	sfence.sel $0x180000  }
0x493: {  	[bflag:$0x0] =	sbarrier.arrive $0xFFFF  }
0x494: {  	_ =	strace $0x90000047  }
0x495: {  	s0 =	stileid.u32;
	[bflag:$0x2] =	sbarrier.arrive $0xFFFF  }
0x496: {  	p0 =	sne.s32 s0, $0x0;
	s0 =	rddreg [dreg:$0x3]  }
0x497: {  	s0 =	sadd.s32 @!p0 $0x100000, s0  }
0x498: {  	[sflag:s0] =	ssyncadd.tile.s32 @!p0 $0x1;
	_ =	shalt  }
.Lfunc_end2:
_tile_overlayer_lowered:
.L_overlay_start_2:
0x499: {  	(tag) =	ssettag $0x2  }
0x49a: {  	s0 =	rddreg [dreg:$0x0];
	s2 =	stileid.u32  }
0x49b: {  	s1 =	rddreg [dreg:$0x1];
	p0 =	sne.s32 s2, $0x0  }
0x49c: {  	s3 =	rddreg [dreg:$0x2];
	[bflag:$0x3] =	sbarrier.arrive $0xFFFF;
	s2 =	simm.s32 @!p0 $0x1C04  }
0x49d: {  	[timem:s3], [sflag:s2] =	dma.local @!p0 [hbm:s0], s1  }
0x49e: {  	s0 =	simm.s32 @!p0 $0x4  }
0x49f: {  	_ =	swait.ge @!p0 [sflag:s0], s1  }
0x4a0: {  	s1 =	ssub.s32 @!p0 $0x0, s1;
	[sflag:s0] =	ssyncset.done @!p0 $0x0  }
0x4a1: {  	[sflag:s0] =	ssyncadd.s32 @!p0 s1  }
0x4a2: {  	[bflag:$0x3] =	sbarrier.arrive $0xFFFF  }
0x4a3: {  	_ =	shalt  }

</sc_bundles>
